<compile_context>
chip_gen: v7x
topology: tpu7x:2x2x1
jax: 0.10.2.dev20260603
libtpu: 0.0.44.dev20260713+nightly
codegen_flags: <defaults>
</compile_context>

<pallas_src>
import jax
import jax.numpy as jnp
from jax import lax
from jax.experimental import pallas as pl
from jax.experimental.pallas import tpu as pltpu
from jax.experimental.pallas import tpu_sc as plsc

_D = 64
_NC = 2
_NS = 16
_NW = _NC * _NS
_BT_PER_W = 4
_S = 200
_NBLK = _S * _BT_PER_W
_SBB = 16


def _body(xT_hbm, tr_hbm, out_hbm,
          ib, ib2, r0, r1, r2, r3, t0, t1,
          isem, gs0, gs1, gs2, gs3, os0, os1):
    wid = lax.axis_index("s") * _NC + lax.axis_index("c")
    rows = (r0, r1, r2, r3)
    ts = (t0, t1)
    gsems = (gs0, gs1, gs2, gs3)
    osems = (os0, os1)
    bt0 = wid * _BT_PER_W
    col0 = bt0 * 128
    iota16 = lax.iota(jnp.int32, 16)
    bvs = [iota16 + g * 16 for g in range(8)]
    c16 = jnp.full((16,), 16, jnp.int32)

    def stage_idx(m):
        pltpu.async_copy(
            xT_hbm.at[pl.ds(m * 4, 4), pl.ds(col0, 512)],
            ib.at[lax.rem(m, 2)], isem)

    def wait_and_shift(m):
        pltpu.make_async_copy(
            xT_hbm.at[pl.ds(0, 4), pl.ds(0, 512)], ib.at[0], isem).wait()
        mp = lax.rem(m, 2)

        def sh(ls, carry):
            def sh2(c, carry2):
                v = ib[mp, ls, pl.ds(c * 16, 16)]
                ib2[mp, ls, pl.ds(c * 16, 16)] = lax.shift_right_logical(v, 1)
                return carry2
            return lax.fori_loop(0, 32, sh2, carry)
        lax.fori_loop(0, 4, sh, 0)

    def locate(k):
        mp = lax.rem(k // _SBB, 2)
        ls = lax.rem(k // _BT_PER_W, 4)
        po = lax.rem(k, _BT_PER_W) * 128
        return mp, ls, po

    def start_gather(k, q):
        mp, ls, po = locate(k)
        pltpu.async_copy(
            tr_hbm.at[ib2.at[mp, ls, pl.ds(po, 128)]], rows[q], gsems[q])

    def wait_gather(q):
        pltpu.make_async_copy(
            tr_hbm.at[ib2.at[0, 0, pl.ds(0, 128)]], rows[q], gsems[q]).wait()

    def start_out(k, p):
        s = k // _BT_PER_W
        bt = bt0 + lax.rem(k, _BT_PER_W)
        pltpu.async_copy(ts[p], out_hbm.at[s, :, bt], osems[p])

    def wait_out(p):
        pltpu.make_async_copy(ts[p], out_hbm.at[0, :, 0], osems[p]).wait()

    def transpose(k, q, p):
        mp, ls, po = locate(k)
        r = rows[q]
        t = ts[p]
        pars = []
        for g in range(8):
            iv = ib[mp, ls, pl.ds(po + g * 16, 16)]
            pars.append(lax.shift_left(lax.bitwise_and(iv, 1), 6))

        def diag(jd, carry):
            rot_j = lax.rem(iota16 + jd, c16)
            for dq2 in range(2):
                idx = []
                vs = []
                for dq in (2 * dq2, 2 * dq2 + 1):
                    idx_d = rot_j + dq * 16
                    idx.append((lax.shift_right_logical(idx_d, 3),
                                lax.bitwise_and(idx_d, 7)))
                    vs += [plsc.load_gather(r, [bvs[g], idx_d + pars[g]])
                           for g in range(8)]
                for u in range(2):
                    idx_dt, idx_ds = idx[u]
                    for g in range(8):
                        plsc.store_scatter(
                            t, [idx_dt, idx_ds, bvs[g]], vs[u * 8 + g])
            return carry

        lax.fori_loop(0, 16, diag, 0)

    stage_idx(0)
    wait_and_shift(0)
    stage_idx(1)
    start_gather(0, 0)
    start_gather(1, 1)
    start_gather(2, 2)

    def loop(j, carry):
        for i in range(4):
            k = 4 * j + i
            q = i
            p = i % 2
            wait_gather(q)

            if i == 0:
                @pl.when((k > 0) & (lax.rem(k, _SBB) == 0)
                         & (k + _SBB < _NBLK))
                def _():
                    stage_idx(k // _SBB + 1)

            @pl.when(k + 3 < _NBLK)
            def _():
                if i == 1:
                    @pl.when(lax.rem(k + 3, _SBB) == 0)
                    def _():
                        wait_and_shift((k + 3) // _SBB)
                start_gather(k + 3, (i + 3) % 4)

            @pl.when(k >= 2)
            def _():
                wait_out(p)

            transpose(k, q, p)
            start_out(k, p)
        return carry

    lax.fori_loop(0, _NBLK // 4, loop, 0)
    wait_out(0)
    wait_out(1)


def kernel(x, table):
    b, s = x.shape
    xT = x.T.astype(jnp.int32)
    tr = table.reshape(table.shape[0] // 2, 128)
    mesh = plsc.VectorSubcoreMesh(core_axis_name="c", subcore_axis_name="s")
    out5 = pl.kernel(
        _body,
        out_type=jax.ShapeDtypeStruct((_S, 8, 128, 8, 128), jnp.float32),
        mesh=mesh,
        scratch_types=(
            [pltpu.VMEM((2, 4, 512), jnp.int32)] * 2
            + [pltpu.VMEM((128, 128), jnp.float32)] * 4
            + [pltpu.VMEM((8, 8, 128), jnp.float32)] * 2
            + [pltpu.SemaphoreType.DMA] * 7
        ),
        compiler_params=pltpu.CompilerParams(
            use_tc_tiling_on_sc=True, needs_layout_passes=False),
    )(xT, tr)
    return out5.transpose(2, 4, 0, 1, 3).reshape(b, s, _D)

# --- scband reference (transcript-rebuilt; emitter-appended) ---
"""Pipeline reference for scband-llama3-embedding-20298015440936 (READ-ONLY COPY).

The authoritative reference and input builder live on the scoring server;
editing this copy changes nothing except your own understanding.
"""

import jax, jax.numpy as jnp
import numpy as np

VOCAB_SIZE = 1000000
EMBED_DIM = 64

def setup_inputs(seed: int = 0) -> dict:
    key = jax.random.key(seed)
    k1, k2 = jax.random.split(key)
    x = jax.random.randint(k1, (16384, 200), 0, VOCAB_SIZE, dtype=jnp.int64) if jax.config.jax_enable_x64 else jax.random.randint(k1, (16384, 200), 0, VOCAB_SIZE, dtype=jnp.int32)
    # embedding table parameter (nn.Embedding default init: N(0, 1))
    table = jax.random.normal(k2, (VOCAB_SIZE, EMBED_DIM), dtype=jnp.float32)
    return {"x": x, "table": table}

def reference(x, table):
    # Llama3Embedding.forward: tok_embed(x) -> gather rows of embedding table
    return jnp.take(table, x, axis=0)

if __name__ == "__main__":
    import jax
    _d = setup_inputs()
    print(jax.jit(kernel)(*tuple(_d.values())))

</pallas_src>

<mosaic_0001>
#map = affine_map<(d0, d1) -> (0, 0)>
#map1 = affine_map<(d0, d1) -> (0, 0, 0, 0, 0)>
module attributes {stable_mosaic.version = 14 : i64} {
  func.func @_body(%arg0: i32, %arg1: i32, %arg2: memref<200x16384xi32, #tpu.memory_space<hbm>>, %arg3: memref<500000x128xf32, #tpu.memory_space<hbm>>, %arg4: memref<200x8x128x8x128xf32, #tpu.memory_space<hbm>>, %arg5: memref<2x4x512xi32, #tpu.memory_space<vmem>>, %arg6: memref<2x4x512xi32, #tpu.memory_space<vmem>>, %arg7: memref<128x128xf32, #tpu.memory_space<vmem>>, %arg8: memref<128x128xf32, #tpu.memory_space<vmem>>, %arg9: memref<128x128xf32, #tpu.memory_space<vmem>>, %arg10: memref<128x128xf32, #tpu.memory_space<vmem>>, %arg11: memref<8x8x128xf32, #tpu.memory_space<vmem>>, %arg12: memref<8x8x128xf32, #tpu.memory_space<vmem>>, %arg13: memref<!tpu.dma_semaphore, #tpu.memory_space<semaphore_mem>>, %arg14: memref<!tpu.dma_semaphore, #tpu.memory_space<semaphore_mem>>, %arg15: memref<!tpu.dma_semaphore, #tpu.memory_space<semaphore_mem>>, %arg16: memref<!tpu.dma_semaphore, #tpu.memory_space<semaphore_mem>>, %arg17: memref<!tpu.dma_semaphore, #tpu.memory_space<semaphore_mem>>, %arg18: memref<!tpu.dma_semaphore, #tpu.memory_space<semaphore_mem>>, %arg19: memref<!tpu.dma_semaphore, #tpu.memory_space<semaphore_mem>>) attributes {dimension_semantics = [#tpu.dimension_semantics<core_parallel>, #tpu.dimension_semantics<subcore_parallel>], iteration_bounds = array<i64: 2, 16>, scalar_prefetch = 0 : i64, scratch_operands = 15 : i64, tpu.core_type = #tpu.core_type<sc_vector_subcore>, window_params = [{transform_indices = #map}, {transform_indices = #map}, {transform_indices = #map1}]} {
    %mul3A = arith.constant 2 : i32
    %mul3A_0 = arith.muli %arg1, %mul3A : i32
    %add3A = arith.addi %mul3A_0, %arg0 : i32
    %mul3A_1 = arith.constant 4 : i32
    %mul3A_2 = arith.muli %add3A, %mul3A_1 : i32
    %mul3A_3 = arith.constant 128 : i32
    %mul3A_4 = arith.muli %mul3A_2, %mul3A_3 : i32
    %iota3A = tpu.iota {dimensions = array<i32: 0>} : vector<16xi32>
    %add3A_5 = arith.constant 0 : i32
    %add3A_6 = vector.broadcast %add3A_5 : i32 to vector<16xi32>
    %add3A_7 = arith.addi %iota3A, %add3A_6 : vector<16xi32>
    %add3A_8 = arith.constant 16 : i32
    %add3A_9 = vector.broadcast %add3A_8 : i32 to vector<16xi32>
    %add3A_10 = arith.addi %iota3A, %add3A_9 : vector<16xi32>
    %add3A_11 = arith.constant 32 : i32
    %add3A_12 = vector.broadcast %add3A_11 : i32 to vector<16xi32>
    %add3A_13 = arith.addi %iota3A, %add3A_12 : vector<16xi32>
    %add3A_14 = arith.constant 48 : i32
    %add3A_15 = vector.broadcast %add3A_14 : i32 to vector<16xi32>
    %add3A_16 = arith.addi %iota3A, %add3A_15 : vector<16xi32>
    %add3A_17 = arith.constant 64 : i32
    %add3A_18 = vector.broadcast %add3A_17 : i32 to vector<16xi32>
    %add3A_19 = arith.addi %iota3A, %add3A_18 : vector<16xi32>
    %add3A_20 = arith.constant 80 : i32
    %add3A_21 = vector.broadcast %add3A_20 : i32 to vector<16xi32>
    %add3A_22 = arith.addi %iota3A, %add3A_21 : vector<16xi32>
    %add3A_23 = arith.constant 96 : i32
    %add3A_24 = vector.broadcast %add3A_23 : i32 to vector<16xi32>
    %add3A_25 = arith.addi %iota3A, %add3A_24 : vector<16xi32>
    %add3A_26 = arith.constant 112 : i32
    %add3A_27 = vector.broadcast %add3A_26 : i32 to vector<16xi32>
    %add3A_28 = arith.addi %iota3A, %add3A_27 : vector<16xi32>
    %broadcast_in_dim3A = arith.constant 16 : i32
    %broadcast_in_dim3A_29 = vector.broadcast %broadcast_in_dim3A : i32 to vector<16xi32>
    %rem3A = arith.constant 0 : i32
    %rem3A_30 = arith.constant 2 : i32
    %rem3A_31 = arith.remsi %rem3A, %rem3A_30 : i32
    %dma_start3A = arith.constant 0 : i32
    %dma_start3A_32 = arith.constant 0 : i32
    %dma_start3A_33 = tpu.memref_slice %arg5[%rem3A_31, %dma_start3A, %dma_start3A_32] : memref<2x4x512xi32, #tpu.memory_space<vmem>> -> memref<1x4x512xi32, #tpu.memory_space<vmem>>
    %dma_start3A_34 = tpu.memref_squeeze %dma_start3A_33 : memref<1x4x512xi32, #tpu.memory_space<vmem>> -> memref<4x512xi32, #tpu.memory_space<vmem>>
    %dma_start3A_35 = arith.constant 0 : i32
    %dma_start3A_36 = tpu.memref_slice %arg2[%dma_start3A_35, %mul3A_4] : memref<200x16384xi32, #tpu.memory_space<hbm>> -> memref<4x512xi32, #tpu.memory_space<hbm>>
    %dma_start3A_37 = arith.constant 0 : i32
    %dma_start3A_38 = arith.constant 0 : i32
    %dma_start3A_39 = tpu.memref_slice %arg5[%rem3A_31, %dma_start3A_37, %dma_start3A_38] : memref<2x4x512xi32, #tpu.memory_space<vmem>> -> memref<1x4x512xi32, #tpu.memory_space<vmem>>
    %dma_start3A_40 = tpu.memref_squeeze %dma_start3A_39 : memref<1x4x512xi32, #tpu.memory_space<vmem>> -> memref<4x512xi32, #tpu.memory_space<vmem>>
    %dma_start3A_41 = arith.constant 0 : i32
    %dma_start3A_42 = tpu.memref_slice %arg2[%dma_start3A_41, %mul3A_4] : memref<200x16384xi32, #tpu.memory_space<hbm>> -> memref<4x512xi32, #tpu.memory_space<hbm>>
    tpu.enqueue_dma source(%dma_start3A_42 : memref<4x512xi32, #tpu.memory_space<hbm>>) target(%dma_start3A_40 : memref<4x512xi32, #tpu.memory_space<vmem>>) target_semaphore(%arg13 : memref<!tpu.dma_semaphore, #tpu.memory_space<semaphore_mem>>)
    %dma_wait3A = arith.constant 0 : i32
    %dma_wait3A_43 = arith.constant 0 : i32
    %dma_wait3A_44 = arith.constant 0 : i32
    %dma_wait3A_45 = tpu.memref_slice %arg5[%dma_wait3A, %dma_wait3A_43, %dma_wait3A_44] : memref<2x4x512xi32, #tpu.memory_space<vmem>> -> memref<1x4x512xi32, #tpu.memory_space<vmem>>
    %dma_wait3A_46 = tpu.memref_squeeze %dma_wait3A_45 : memref<1x4x512xi32, #tpu.memory_space<vmem>> -> memref<4x512xi32, #tpu.memory_space<vmem>>
    %dma_wait3A_47 = arith.constant 0 : i32
    %dma_wait3A_48 = arith.constant 0 : i32
    %dma_wait3A_49 = tpu.memref_slice %arg2[%dma_wait3A_47, %dma_wait3A_48] : memref<200x16384xi32, #tpu.memory_space<hbm>> -> memref<4x512xi32, #tpu.memory_space<hbm>>
    %dma_wait3A_50 = arith.constant 0 : i32
    %dma_wait3A_51 = arith.constant 0 : i32
    %dma_wait3A_52 = tpu.memref_slice %arg5[%dma_wait3A, %dma_wait3A_50, %dma_wait3A_51] : memref<2x4x512xi32, #tpu.memory_space<vmem>> -> memref<1x4x512xi32, #tpu.memory_space<vmem>>
    %dma_wait3A_53 = tpu.memref_squeeze %dma_wait3A_52 : memref<1x4x512xi32, #tpu.memory_space<vmem>> -> memref<4x512xi32, #tpu.memory_space<vmem>>
    %dma_wait3A_54 = arith.constant 0 : i32
    %dma_wait3A_55 = arith.constant 0 : i32
    %dma_wait3A_56 = tpu.memref_slice %arg2[%dma_wait3A_54, %dma_wait3A_55] : memref<200x16384xi32, #tpu.memory_space<hbm>> -> memref<4x512xi32, #tpu.memory_space<hbm>>
    tpu.wait_dma2 semaphore(%arg13 : memref<!tpu.dma_semaphore, #tpu.memory_space<semaphore_mem>>) src(%dma_wait3A_56 : memref<4x512xi32, #tpu.memory_space<hbm>>) dst(%dma_wait3A_53 : memref<4x512xi32, #tpu.memory_space<vmem>>)
    %rem3A_57 = arith.constant 0 : i32
    %rem3A_58 = arith.constant 2 : i32
    %rem3A_59 = arith.remsi %rem3A_57, %rem3A_58 : i32
    %scan3A = arith.constant 0 : i32
    %scan3A_60 = arith.constant 0 : i32
    %scan3A_61 = arith.constant 4 : i32
    %scan3A_62 = arith.addi %scan3A_60, %scan3A_61 : i32
    %scan3A_63 = arith.constant 1 : i32
    scf.for %scan3A_158 = %scan3A_60 to %scan3A_62 step %scan3A_63  : i32 {
      %scan3A_159 = arith.constant 0 : i32
      %scan3A_160 = arith.constant 32 : i32
      %scan3A_161 = arith.addi %scan3A_159, %scan3A_160 : i32
      %scan3A_162 = arith.constant 1 : i32
      scf.for %scan3A_164 = %scan3A_159 to %scan3A_161 step %scan3A_162  : i32 {
        %mul3A_165 = arith.constant 16 : i32
        %mul3A_166 = arith.muli %scan3A_164, %mul3A_165 : i32
        %get3A = arith.index_cast %rem3A_59 : i32 to index
        %get3A_167 = arith.index_cast %scan3A_158 : i32 to index
        %get3A_168 = arith.index_cast %mul3A_166 : i32 to index
        %get3A_169 = tpu.vector_load %arg5[%get3A, %get3A_167, %get3A_168] {strides = array<i32>} : memref<2x4x512xi32, #tpu.memory_space<vmem>>, vector<16xi32>,
        %shift_right_logical3A = arith.constant 1 : i32
        %shift_right_logical3A_170 = vector.broadcast %shift_right_logical3A : i32 to vector<16xi32>
        %shift_right_logical3A_171 = arith.shrui %get3A_169, %shift_right_logical3A_170 : vector<16xi32>
        %mul3A_172 = arith.constant 16 : i32
        %mul3A_173 = arith.muli %scan3A_164, %mul3A_172 : i32
        %swap3A = arith.index_cast %rem3A_59 : i32 to index
        %swap3A_174 = arith.index_cast %scan3A_158 : i32 to index
        %swap3A_175 = arith.index_cast %mul3A_173 : i32 to index
        %swap3A_176 = tpu.vector_load %arg6[%swap3A, %swap3A_174, %swap3A_175] {strides = array<i32>} : memref<2x4x512xi32, #tpu.memory_space<vmem>>, vector<16xi32>,
        tpu.vector_store %arg6[%swap3A, %swap3A_174, %swap3A_175], %shift_right_logical3A_171 {strides = array<i32>} : memref<2x4x512xi32, #tpu.memory_space<vmem>>, vector<16xi32>,
      }
      %scan3A_163 = arith.constant 32 : i32
    }
    %scan3A_64 = arith.constant 4 : i32
    %rem3A_65 = arith.constant 1 : i32
    %rem3A_66 = arith.constant 2 : i32
    %rem3A_67 = arith.remsi %rem3A_65, %rem3A_66 : i32
    %dma_start3A_68 = arith.constant 0 : i32
    %dma_start3A_69 = arith.constant 0 : i32
    %dma_start3A_70 = tpu.memref_slice %arg5[%rem3A_67, %dma_start3A_68, %dma_start3A_69] : memref<2x4x512xi32, #tpu.memory_space<vmem>> -> memref<1x4x512xi32, #tpu.memory_space<vmem>>
    %dma_start3A_71 = tpu.memref_squeeze %dma_start3A_70 : memref<1x4x512xi32, #tpu.memory_space<vmem>> -> memref<4x512xi32, #tpu.memory_space<vmem>>
    %dma_start3A_72 = arith.constant 4 : i32
    %dma_start3A_73 = tpu.memref_slice %arg2[%dma_start3A_72, %mul3A_4] : memref<200x16384xi32, #tpu.memory_space<hbm>> -> memref<4x512xi32, #tpu.memory_space<hbm>>
    %dma_start3A_74 = arith.constant 0 : i32
    %dma_start3A_75 = arith.constant 0 : i32
    %dma_start3A_76 = tpu.memref_slice %arg5[%rem3A_67, %dma_start3A_74, %dma_start3A_75] : memref<2x4x512xi32, #tpu.memory_space<vmem>> -> memref<1x4x512xi32, #tpu.memory_space<vmem>>
    %dma_start3A_77 = tpu.memref_squeeze %dma_start3A_76 : memref<1x4x512xi32, #tpu.memory_space<vmem>> -> memref<4x512xi32, #tpu.memory_space<vmem>>
    %dma_start3A_78 = arith.constant 4 : i32
    %dma_start3A_79 = tpu.memref_slice %arg2[%dma_start3A_78, %mul3A_4] : memref<200x16384xi32, #tpu.memory_space<hbm>> -> memref<4x512xi32, #tpu.memory_space<hbm>>
    tpu.enqueue_dma source(%dma_start3A_79 : memref<4x512xi32, #tpu.memory_space<hbm>>) target(%dma_start3A_77 : memref<4x512xi32, #tpu.memory_space<vmem>>) target_semaphore(%arg13 : memref<!tpu.dma_semaphore, #tpu.memory_space<semaphore_mem>>)
    %rem3A_80 = arith.constant 0 : i32
    %rem3A_81 = arith.constant 2 : i32
    %rem3A_82 = arith.remsi %rem3A_80, %rem3A_81 : i32
    %rem3A_83 = arith.constant 0 : i32
    %rem3A_84 = arith.constant 4 : i32
    %rem3A_85 = arith.remsi %rem3A_83, %rem3A_84 : i32
    %rem3A_86 = arith.constant 0 : i32
    %rem3A_87 = arith.constant 4 : i32
    %rem3A_88 = arith.remsi %rem3A_86, %rem3A_87 : i32
    %mul3A_89 = arith.constant 128 : i32
    %mul3A_90 = arith.muli %rem3A_88, %mul3A_89 : i32
    %dma_start3A_91 = tpu.memref_slice %arg6[%rem3A_82, %rem3A_85, %mul3A_90] : memref<2x4x512xi32, #tpu.memory_space<vmem>> -> memref<1x1x128xi32, #tpu.memory_space<vmem>>
    %dma_start3A_92 = tpu.memref_squeeze %dma_start3A_91 : memref<1x1x128xi32, #tpu.memory_space<vmem>> -> memref<128xi32, #tpu.memory_space<vmem>>
    %dma_start3A_93 = arith.constant 0 : i32
    %dma_start3A_94 = arith.constant 0 : i32
    %dma_start3A_95 = tpu.memref_slice %arg3[%dma_start3A_93, %dma_start3A_94] : memref<500000x128xf32, #tpu.memory_space<hbm>> -> memref<500000x128xf32, #tpu.memory_space<hbm>>
    tpu.enqueue_indirect_dma source(%dma_start3A_95 : memref<500000x128xf32, #tpu.memory_space<hbm>>) target(%arg7 : memref<128x128xf32, #tpu.memory_space<vmem>>) offsets(%dma_start3A_92 : memref<128xi32, #tpu.memory_space<vmem>>) semaphore(%arg14 : memref<!tpu.dma_semaphore, #tpu.memory_space<semaphore_mem>>)
    %rem3A_96 = arith.constant 0 : i32
    %rem3A_97 = arith.constant 2 : i32
    %rem3A_98 = arith.remsi %rem3A_96, %rem3A_97 : i32
    %rem3A_99 = arith.constant 0 : i32
    %rem3A_100 = arith.constant 4 : i32
    %rem3A_101 = arith.remsi %rem3A_99, %rem3A_100 : i32
    %rem3A_102 = arith.constant 1 : i32
    %rem3A_103 = arith.constant 4 : i32
    %rem3A_104 = arith.remsi %rem3A_102, %rem3A_103 : i32
    %mul3A_105 = arith.constant 128 : i32
    %mul3A_106 = arith.muli %rem3A_104, %mul3A_105 : i32
    %dma_start3A_107 = tpu.memref_slice %arg6[%rem3A_98, %rem3A_101, %mul3A_106] : memref<2x4x512xi32, #tpu.memory_space<vmem>> -> memref<1x1x128xi32, #tpu.memory_space<vmem>>
    %dma_start3A_108 = tpu.memref_squeeze %dma_start3A_107 : memref<1x1x128xi32, #tpu.memory_space<vmem>> -> memref<128xi32, #tpu.memory_space<vmem>>
    %dma_start3A_109 = arith.constant 0 : i32
    %dma_start3A_110 = arith.constant 0 : i32
    %dma_start3A_111 = tpu.memref_slice %arg3[%dma_start3A_109, %dma_start3A_110] : memref<500000x128xf32, #tpu.memory_space<hbm>> -> memref<500000x128xf32, #tpu.memory_space<hbm>>
    tpu.enqueue_indirect_dma source(%dma_start3A_111 : memref<500000x128xf32, #tpu.memory_space<hbm>>) target(%arg8 : memref<128x128xf32, #tpu.memory_space<vmem>>) offsets(%dma_start3A_108 : memref<128xi32, #tpu.memory_space<vmem>>) semaphore(%arg15 : memref<!tpu.dma_semaphore, #tpu.memory_space<semaphore_mem>>)
    %rem3A_112 = arith.constant 0 : i32
    %rem3A_113 = arith.constant 2 : i32
    %rem3A_114 = arith.remsi %rem3A_112, %rem3A_113 : i32
    %rem3A_115 = arith.constant 0 : i32
    %rem3A_116 = arith.constant 4 : i32
    %rem3A_117 = arith.remsi %rem3A_115, %rem3A_116 : i32
    %rem3A_118 = arith.constant 2 : i32
    %rem3A_119 = arith.constant 4 : i32
    %rem3A_120 = arith.remsi %rem3A_118, %rem3A_119 : i32
    %mul3A_121 = arith.constant 128 : i32
    %mul3A_122 = arith.muli %rem3A_120, %mul3A_121 : i32
    %dma_start3A_123 = tpu.memref_slice %arg6[%rem3A_114, %rem3A_117, %mul3A_122] : memref<2x4x512xi32, #tpu.memory_space<vmem>> -> memref<1x1x128xi32, #tpu.memory_space<vmem>>
    %dma_start3A_124 = tpu.memref_squeeze %dma_start3A_123 : memref<1x1x128xi32, #tpu.memory_space<vmem>> -> memref<128xi32, #tpu.memory_space<vmem>>
    %dma_start3A_125 = arith.constant 0 : i32
    %dma_start3A_126 = arith.constant 0 : i32
    %dma_start3A_127 = tpu.memref_slice %arg3[%dma_start3A_125, %dma_start3A_126] : memref<500000x128xf32, #tpu.memory_space<hbm>> -> memref<500000x128xf32, #tpu.memory_space<hbm>>
    tpu.enqueue_indirect_dma source(%dma_start3A_127 : memref<500000x128xf32, #tpu.memory_space<hbm>>) target(%arg9 : memref<128x128xf32, #tpu.memory_space<vmem>>) offsets(%dma_start3A_124 : memref<128xi32, #tpu.memory_space<vmem>>) semaphore(%arg16 : memref<!tpu.dma_semaphore, #tpu.memory_space<semaphore_mem>>)
    %scan3A_128 = arith.constant 0 : i32
    %scan3A_129 = arith.constant 0 : i32
    %scan3A_130 = arith.constant 200 : i32
    %scan3A_131 = arith.addi %scan3A_129, %scan3A_130 : i32
    %scan3A_132 = arith.constant 1 : i32
    scf.for %scan3A_158 = %scan3A_129 to %scan3A_131 step %scan3A_132  : i32 {
      %mul3A_159 = arith.constant 4 : i32
      %mul3A_160 = arith.muli %mul3A_159, %scan3A_158 : i32
      %add3A_161 = arith.constant 0 : i32
      %add3A_162 = arith.addi %mul3A_160, %add3A_161 : i32
      %dma_wait3A_163 = arith.constant 0 : i32
      %dma_wait3A_164 = arith.constant 0 : i32
      %dma_wait3A_165 = arith.constant 0 : i32
      %dma_wait3A_166 = tpu.memref_slice %arg6[%dma_wait3A_163, %dma_wait3A_164, %dma_wait3A_165] : memref<2x4x512xi32, #tpu.memory_space<vmem>> -> memref<1x1x128xi32, #tpu.memory_space<vmem>>
      %dma_wait3A_167 = tpu.memref_squeeze %dma_wait3A_166 : memref<1x1x128xi32, #tpu.memory_space<vmem>> -> memref<128xi32, #tpu.memory_space<vmem>>
      %dma_wait3A_168 = arith.constant 0 : i32
      %dma_wait3A_169 = arith.constant 0 : i32
      %dma_wait3A_170 = tpu.memref_slice %arg3[%dma_wait3A_168, %dma_wait3A_169] : memref<500000x128xf32, #tpu.memory_space<hbm>> -> memref<500000x128xf32, #tpu.memory_space<hbm>>
      tpu.wait_indirect_dma semaphore(%arg14 : memref<!tpu.dma_semaphore, #tpu.memory_space<semaphore_mem>>) src(%dma_wait3A_170 : memref<500000x128xf32, #tpu.memory_space<hbm>>) dst(%arg7 : memref<128x128xf32, #tpu.memory_space<vmem>>)
      %gt3A = arith.constant 0 : i32
      %gt3A_171 = arith.cmpi sgt, %add3A_162, %gt3A : i32
      %rem3A_172 = arith.constant 16 : i32
      %rem3A_173 = arith.remsi %add3A_162, %rem3A_172 : i32
      %eq3A = arith.constant 0 : i32
      %eq3A_174 = arith.cmpi eq, %rem3A_173, %eq3A : i32
      %and3A = arith.andi %gt3A_171, %eq3A_174 : i1
      %add3A_175 = arith.constant 16 : i32
      %add3A_176 = arith.addi %add3A_162, %add3A_175 : i32
      %lt3A = arith.constant 800 : i32
      %lt3A_177 = arith.cmpi slt, %add3A_176, %lt3A : i32
      %and3A_178 = arith.andi %and3A, %lt3A_177 : i1
      %convert_element_type3A = arith.extui %and3A_178 : i1 to i32
      %cond3A = arith.constant 0 : i32
      %cond3A_179 = arith.cmpi ne, %convert_element_type3A, %cond3A : i32
      scf.if %cond3A_179 {
        %jit3A_1035 = arith.constant 16 : i32
        %div3A_1036 = arith.divsi %add3A_162, %jit3A_1035 : i32
        %sign3A_1037 = arith.constant 0 : i32
        %sign3A_1038 = arith.cmpi sgt, %add3A_162, %sign3A_1037 : i32
        %sign3A_1039 = arith.extui %sign3A_1038 : i1 to i32
        %sign3A_1040 = arith.constant 0 : i32
        %sign3A_1041 = arith.cmpi slt, %add3A_162, %sign3A_1040 : i32
        %sign3A_1042 = arith.extui %sign3A_1041 : i1 to i32
        %sign3A_1043 = arith.subi %sign3A_1039, %sign3A_1042 : i32
        %sign3A_1044 = arith.constant 0 : i32
        %sign3A_1045 = arith.cmpi sgt, %jit3A_1035, %sign3A_1044 : i32
        %sign3A_1046 = arith.extui %sign3A_1045 : i1 to i32
        %sign3A_1047 = arith.constant 0 : i32
        %sign3A_1048 = arith.cmpi slt, %jit3A_1035, %sign3A_1047 : i32
        %sign3A_1049 = arith.extui %sign3A_1048 : i1 to i32
        %sign3A_1050 = arith.subi %sign3A_1046, %sign3A_1049 : i32
        %ne3A_1051 = arith.cmpi ne, %sign3A_1043, %sign3A_1050 : i32
        %rem3A_1052 = arith.remsi %add3A_162, %jit3A_1035 : i32
        %ne3A_1053 = arith.constant 0 : i32
        %ne3A_1054 = arith.cmpi ne, %rem3A_1052, %ne3A_1053 : i32
        %and3A_1055 = arith.andi %ne3A_1051, %ne3A_1054 : i1
        %sub3A_1056 = arith.constant 1 : i32
        %sub3A_1057 = arith.subi %div3A_1036, %sub3A_1056 : i32
        %select_n3A_1058 = arith.select %and3A_1055, %sub3A_1057, %div3A_1036 : i32
        %add3A_1059 = arith.constant 1 : i32
        %add3A_1060 = arith.addi %select_n3A_1058, %add3A_1059 : i32
        %mul3A_1061 = arith.constant 4 : i32
        %mul3A_1062 = arith.muli %add3A_1060, %mul3A_1061 : i32
        %rem3A_1063 = arith.constant 2 : i32
        %rem3A_1064 = arith.remsi %add3A_1060, %rem3A_1063 : i32
        %dma_start3A_1065 = arith.constant 0 : i32
        %dma_start3A_1066 = arith.constant 0 : i32
        %dma_start3A_1067 = tpu.memref_slice %arg5[%rem3A_1064, %dma_start3A_1065, %dma_start3A_1066] : memref<2x4x512xi32, #tpu.memory_space<vmem>> -> memref<1x4x512xi32, #tpu.memory_space<vmem>>
        %dma_start3A_1068 = tpu.memref_squeeze %dma_start3A_1067 : memref<1x4x512xi32, #tpu.memory_space<vmem>> -> memref<4x512xi32, #tpu.memory_space<vmem>>
        %dma_start3A_1069 = tpu.memref_slice %arg2[%mul3A_1062, %mul3A_4] : memref<200x16384xi32, #tpu.memory_space<hbm>> -> memref<4x512xi32, #tpu.memory_space<hbm>>
        %dma_start3A_1070 = arith.constant 0 : i32
        %dma_start3A_1071 = arith.constant 0 : i32
        %dma_start3A_1072 = tpu.memref_slice %arg5[%rem3A_1064, %dma_start3A_1070, %dma_start3A_1071] : memref<2x4x512xi32, #tpu.memory_space<vmem>> -> memref<1x4x512xi32, #tpu.memory_space<vmem>>
        %dma_start3A_1073 = tpu.memref_squeeze %dma_start3A_1072 : memref<1x4x512xi32, #tpu.memory_space<vmem>> -> memref<4x512xi32, #tpu.memory_space<vmem>>
        %dma_start3A_1074 = tpu.memref_slice %arg2[%mul3A_1062, %mul3A_4] : memref<200x16384xi32, #tpu.memory_space<hbm>> -> memref<4x512xi32, #tpu.memory_space<hbm>>
        tpu.enqueue_dma source(%dma_start3A_1074 : memref<4x512xi32, #tpu.memory_space<hbm>>) target(%dma_start3A_1073 : memref<4x512xi32, #tpu.memory_space<vmem>>) target_semaphore(%arg13 : memref<!tpu.dma_semaphore, #tpu.memory_space<semaphore_mem>>)
      } else {
      }
      %add3A_180 = arith.constant 3 : i32
      %add3A_181 = arith.addi %add3A_162, %add3A_180 : i32
      %lt3A_182 = arith.constant 800 : i32
      %lt3A_183 = arith.cmpi slt, %add3A_181, %lt3A_182 : i32
      %convert_element_type3A_184 = arith.extui %lt3A_183 : i1 to i32
      %cond3A_185 = arith.constant 0 : i32
      %cond3A_186 = arith.cmpi ne, %convert_element_type3A_184, %cond3A_185 : i32
      scf.if %cond3A_186 {
        %add3A_1035 = arith.constant 3 : i32
        %add3A_1036 = arith.addi %add3A_162, %add3A_1035 : i32
        %jit3A_1037 = arith.constant 16 : i32
        %div3A_1038 = arith.divsi %add3A_1036, %jit3A_1037 : i32
        %sign3A_1039 = arith.constant 0 : i32
        %sign3A_1040 = arith.cmpi sgt, %add3A_1036, %sign3A_1039 : i32
        %sign3A_1041 = arith.extui %sign3A_1040 : i1 to i32
        %sign3A_1042 = arith.constant 0 : i32
        %sign3A_1043 = arith.cmpi slt, %add3A_1036, %sign3A_1042 : i32
        %sign3A_1044 = arith.extui %sign3A_1043 : i1 to i32
        %sign3A_1045 = arith.subi %sign3A_1041, %sign3A_1044 : i32
        %sign3A_1046 = arith.constant 0 : i32
        %sign3A_1047 = arith.cmpi sgt, %jit3A_1037, %sign3A_1046 : i32
        %sign3A_1048 = arith.extui %sign3A_1047 : i1 to i32
        %sign3A_1049 = arith.constant 0 : i32
        %sign3A_1050 = arith.cmpi slt, %jit3A_1037, %sign3A_1049 : i32
        %sign3A_1051 = arith.extui %sign3A_1050 : i1 to i32
        %sign3A_1052 = arith.subi %sign3A_1048, %sign3A_1051 : i32
        %ne3A_1053 = arith.cmpi ne, %sign3A_1045, %sign3A_1052 : i32
        %rem3A_1054 = arith.remsi %add3A_1036, %jit3A_1037 : i32
        %ne3A_1055 = arith.constant 0 : i32
        %ne3A_1056 = arith.cmpi ne, %rem3A_1054, %ne3A_1055 : i32
        %and3A_1057 = arith.andi %ne3A_1053, %ne3A_1056 : i1
        %sub3A_1058 = arith.constant 1 : i32
        %sub3A_1059 = arith.subi %div3A_1038, %sub3A_1058 : i32
        %select_n3A_1060 = arith.select %and3A_1057, %sub3A_1059, %div3A_1038 : i32
        %rem3A_1061 = arith.constant 2 : i32
        %rem3A_1062 = arith.remsi %select_n3A_1060, %rem3A_1061 : i32
        %jit3A_1063 = arith.constant 4 : i32
        %div3A_1064 = arith.divsi %add3A_1036, %jit3A_1063 : i32
        %sign3A_1065 = arith.constant 0 : i32
        %sign3A_1066 = arith.cmpi sgt, %add3A_1036, %sign3A_1065 : i32
        %sign3A_1067 = arith.extui %sign3A_1066 : i1 to i32
        %sign3A_1068 = arith.constant 0 : i32
        %sign3A_1069 = arith.cmpi slt, %add3A_1036, %sign3A_1068 : i32
        %sign3A_1070 = arith.extui %sign3A_1069 : i1 to i32
        %sign3A_1071 = arith.subi %sign3A_1067, %sign3A_1070 : i32
        %sign3A_1072 = arith.constant 0 : i32
        %sign3A_1073 = arith.cmpi sgt, %jit3A_1063, %sign3A_1072 : i32
        %sign3A_1074 = arith.extui %sign3A_1073 : i1 to i32
        %sign3A_1075 = arith.constant 0 : i32
        %sign3A_1076 = arith.cmpi slt, %jit3A_1063, %sign3A_1075 : i32
        %sign3A_1077 = arith.extui %sign3A_1076 : i1 to i32
        %sign3A_1078 = arith.subi %sign3A_1074, %sign3A_1077 : i32
        %ne3A_1079 = arith.cmpi ne, %sign3A_1071, %sign3A_1078 : i32
        %rem3A_1080 = arith.remsi %add3A_1036, %jit3A_1063 : i32
        %ne3A_1081 = arith.constant 0 : i32
        %ne3A_1082 = arith.cmpi ne, %rem3A_1080, %ne3A_1081 : i32
        %and3A_1083 = arith.andi %ne3A_1079, %ne3A_1082 : i1
        %sub3A_1084 = arith.constant 1 : i32
        %sub3A_1085 = arith.subi %div3A_1064, %sub3A_1084 : i32
        %select_n3A_1086 = arith.select %and3A_1083, %sub3A_1085, %div3A_1064 : i32
        %rem3A_1087 = arith.constant 4 : i32
        %rem3A_1088 = arith.remsi %select_n3A_1086, %rem3A_1087 : i32
        %rem3A_1089 = arith.constant 4 : i32
        %rem3A_1090 = arith.remsi %add3A_1036, %rem3A_1089 : i32
        %mul3A_1091 = arith.constant 128 : i32
        %mul3A_1092 = arith.muli %rem3A_1090, %mul3A_1091 : i32
        %dma_start3A_1093 = tpu.memref_slice %arg6[%rem3A_1062, %rem3A_1088, %mul3A_1092] : memref<2x4x512xi32, #tpu.memory_space<vmem>> -> memref<1x1x128xi32, #tpu.memory_space<vmem>>
        %dma_start3A_1094 = tpu.memref_squeeze %dma_start3A_1093 : memref<1x1x128xi32, #tpu.memory_space<vmem>> -> memref<128xi32, #tpu.memory_space<vmem>>
        %dma_start3A_1095 = arith.constant 0 : i32
        %dma_start3A_1096 = arith.constant 0 : i32
        %dma_start3A_1097 = tpu.memref_slice %arg3[%dma_start3A_1095, %dma_start3A_1096] : memref<500000x128xf32, #tpu.memory_space<hbm>> -> memref<500000x128xf32, #tpu.memory_space<hbm>>
        tpu.enqueue_indirect_dma source(%dma_start3A_1097 : memref<500000x128xf32, #tpu.memory_space<hbm>>) target(%arg10 : memref<128x128xf32, #tpu.memory_space<vmem>>) offsets(%dma_start3A_1094 : memref<128xi32, #tpu.memory_space<vmem>>) semaphore(%arg17 : memref<!tpu.dma_semaphore, #tpu.memory_space<semaphore_mem>>)
      } else {
      }
      %ge3A = arith.constant 2 : i32
      %ge3A_187 = arith.cmpi sge, %add3A_162, %ge3A : i32
      %convert_element_type3A_188 = arith.extui %ge3A_187 : i1 to i32
      %cond3A_189 = arith.constant 0 : i32
      %cond3A_190 = arith.cmpi ne, %convert_element_type3A_188, %cond3A_189 : i32
      scf.if %cond3A_190 {
        %dma_wait3A_1035 = arith.constant 0 : i32
        %dma_wait3A_1036 = arith.constant 0 : i32
        %dma_wait3A_1037 = arith.constant 0 : i32
        %dma_wait3A_1038 = arith.constant 0 : i32
        %dma_wait3A_1039 = arith.constant 0 : i32
        %dma_wait3A_1040 = tpu.memref_slice %arg4[%dma_wait3A_1035, %dma_wait3A_1037, %dma_wait3A_1036, %dma_wait3A_1038, %dma_wait3A_1039] : memref<200x8x128x8x128xf32, #tpu.memory_space<hbm>> -> memref<1x8x1x8x128xf32, #tpu.memory_space<hbm>>
        %dma_wait3A_1041 = tpu.memref_squeeze %dma_wait3A_1040 : memref<1x8x1x8x128xf32, #tpu.memory_space<hbm>> -> memref<8x8x128xf32, #tpu.memory_space<hbm>>
        %dma_wait3A_1042 = arith.constant 0 : i32
        %dma_wait3A_1043 = arith.constant 0 : i32
        %dma_wait3A_1044 = arith.constant 0 : i32
        %dma_wait3A_1045 = tpu.memref_slice %arg4[%dma_wait3A_1035, %dma_wait3A_1042, %dma_wait3A_1036, %dma_wait3A_1043, %dma_wait3A_1044] : memref<200x8x128x8x128xf32, #tpu.memory_space<hbm>> -> memref<1x8x1x8x128xf32, #tpu.memory_space<hbm>>
        %dma_wait3A_1046 = tpu.memref_squeeze %dma_wait3A_1045 : memref<1x8x1x8x128xf32, #tpu.memory_space<hbm>> -> memref<8x8x128xf32, #tpu.memory_space<hbm>>
        tpu.wait_dma2 semaphore(%arg18 : memref<!tpu.dma_semaphore, #tpu.memory_space<semaphore_mem>>) src(%arg11 : memref<8x8x128xf32, #tpu.memory_space<vmem>>) dst(%dma_wait3A_1046 : memref<8x8x128xf32, #tpu.memory_space<hbm>>)
      } else {
      }
      %jit3A = arith.constant 16 : i32
      %div3A = arith.divsi %add3A_162, %jit3A : i32
      %sign3A = arith.constant 0 : i32
      %sign3A_191 = arith.cmpi sgt, %add3A_162, %sign3A : i32
      %sign3A_192 = arith.extui %sign3A_191 : i1 to i32
      %sign3A_193 = arith.constant 0 : i32
      %sign3A_194 = arith.cmpi slt, %add3A_162, %sign3A_193 : i32
      %sign3A_195 = arith.extui %sign3A_194 : i1 to i32
      %sign3A_196 = arith.subi %sign3A_192, %sign3A_195 : i32
      %sign3A_197 = arith.constant 0 : i32
      %sign3A_198 = arith.cmpi sgt, %jit3A, %sign3A_197 : i32
      %sign3A_199 = arith.extui %sign3A_198 : i1 to i32
      %sign3A_200 = arith.constant 0 : i32
      %sign3A_201 = arith.cmpi slt, %jit3A, %sign3A_200 : i32
      %sign3A_202 = arith.extui %sign3A_201 : i1 to i32
      %sign3A_203 = arith.subi %sign3A_199, %sign3A_202 : i32
      %ne3A = arith.cmpi ne, %sign3A_196, %sign3A_203 : i32
      %rem3A_204 = arith.remsi %add3A_162, %jit3A : i32
      %ne3A_205 = arith.constant 0 : i32
      %ne3A_206 = arith.cmpi ne, %rem3A_204, %ne3A_205 : i32
      %and3A_207 = arith.andi %ne3A, %ne3A_206 : i1
      %sub3A = arith.constant 1 : i32
      %sub3A_208 = arith.subi %div3A, %sub3A : i32
      %select_n3A = arith.select %and3A_207, %sub3A_208, %div3A : i32
      %rem3A_209 = arith.constant 2 : i32
      %rem3A_210 = arith.remsi %select_n3A, %rem3A_209 : i32
      %jit3A_211 = arith.constant 4 : i32
      %div3A_212 = arith.divsi %add3A_162, %jit3A_211 : i32
      %sign3A_213 = arith.constant 0 : i32
      %sign3A_214 = arith.cmpi sgt, %add3A_162, %sign3A_213 : i32
      %sign3A_215 = arith.extui %sign3A_214 : i1 to i32
      %sign3A_216 = arith.constant 0 : i32
      %sign3A_217 = arith.cmpi slt, %add3A_162, %sign3A_216 : i32
      %sign3A_218 = arith.extui %sign3A_217 : i1 to i32
      %sign3A_219 = arith.subi %sign3A_215, %sign3A_218 : i32
      %sign3A_220 = arith.constant 0 : i32
      %sign3A_221 = arith.cmpi sgt, %jit3A_211, %sign3A_220 : i32
      %sign3A_222 = arith.extui %sign3A_221 : i1 to i32
      %sign3A_223 = arith.constant 0 : i32
      %sign3A_224 = arith.cmpi slt, %jit3A_211, %sign3A_223 : i32
      %sign3A_225 = arith.extui %sign3A_224 : i1 to i32
      %sign3A_226 = arith.subi %sign3A_222, %sign3A_225 : i32
      %ne3A_227 = arith.cmpi ne, %sign3A_219, %sign3A_226 : i32
      %rem3A_228 = arith.remsi %add3A_162, %jit3A_211 : i32
      %ne3A_229 = arith.constant 0 : i32
      %ne3A_230 = arith.cmpi ne, %rem3A_228, %ne3A_229 : i32
      %and3A_231 = arith.andi %ne3A_227, %ne3A_230 : i1
      %sub3A_232 = arith.constant 1 : i32
      %sub3A_233 = arith.subi %div3A_212, %sub3A_232 : i32
      %select_n3A_234 = arith.select %and3A_231, %sub3A_233, %div3A_212 : i32
      %rem3A_235 = arith.constant 4 : i32
      %rem3A_236 = arith.remsi %select_n3A_234, %rem3A_235 : i32
      %rem3A_237 = arith.constant 4 : i32
      %rem3A_238 = arith.remsi %add3A_162, %rem3A_237 : i32
      %mul3A_239 = arith.constant 128 : i32
      %mul3A_240 = arith.muli %rem3A_238, %mul3A_239 : i32
      %add3A_241 = arith.constant 0 : i32
      %add3A_242 = arith.addi %mul3A_240, %add3A_241 : i32
      %get3A = arith.index_cast %rem3A_210 : i32 to index
      %get3A_243 = arith.index_cast %rem3A_236 : i32 to index
      %get3A_244 = arith.index_cast %add3A_242 : i32 to index
      %get3A_245 = tpu.vector_load %arg5[%get3A, %get3A_243, %get3A_244] {strides = array<i32>} : memref<2x4x512xi32, #tpu.memory_space<vmem>>, vector<16xi32>,
      %and3A_246 = arith.constant 1 : i32
      %and3A_247 = vector.broadcast %and3A_246 : i32 to vector<16xi32>
      %and3A_248 = arith.andi %get3A_245, %and3A_247 : vector<16xi32>
      %shift_left3A = arith.constant 6 : i32
      %shift_left3A_249 = vector.broadcast %shift_left3A : i32 to vector<16xi32>
      %shift_left3A_250 = arith.shli %and3A_248, %shift_left3A_249 : vector<16xi32>
      %add3A_251 = arith.constant 16 : i32
      %add3A_252 = arith.addi %mul3A_240, %add3A_251 : i32
      %get3A_253 = arith.index_cast %rem3A_210 : i32 to index
      %get3A_254 = arith.index_cast %rem3A_236 : i32 to index
      %get3A_255 = arith.index_cast %add3A_252 : i32 to index
      %get3A_256 = tpu.vector_load %arg5[%get3A_253, %get3A_254, %get3A_255] {strides = array<i32>} : memref<2x4x512xi32, #tpu.memory_space<vmem>>, vector<16xi32>,
      %and3A_257 = arith.constant 1 : i32
      %and3A_258 = vector.broadcast %and3A_257 : i32 to vector<16xi32>
      %and3A_259 = arith.andi %get3A_256, %and3A_258 : vector<16xi32>
      %shift_left3A_260 = arith.constant 6 : i32
      %shift_left3A_261 = vector.broadcast %shift_left3A_260 : i32 to vector<16xi32>
      %shift_left3A_262 = arith.shli %and3A_259, %shift_left3A_261 : vector<16xi32>
      %add3A_263 = arith.constant 32 : i32
      %add3A_264 = arith.addi %mul3A_240, %add3A_263 : i32
      %get3A_265 = arith.index_cast %rem3A_210 : i32 to index
      %get3A_266 = arith.index_cast %rem3A_236 : i32 to index
      %get3A_267 = arith.index_cast %add3A_264 : i32 to index
      %get3A_268 = tpu.vector_load %arg5[%get3A_265, %get3A_266, %get3A_267] {strides = array<i32>} : memref<2x4x512xi32, #tpu.memory_space<vmem>>, vector<16xi32>,
      %and3A_269 = arith.constant 1 : i32
      %and3A_270 = vector.broadcast %and3A_269 : i32 to vector<16xi32>
      %and3A_271 = arith.andi %get3A_268, %and3A_270 : vector<16xi32>
      %shift_left3A_272 = arith.constant 6 : i32
      %shift_left3A_273 = vector.broadcast %shift_left3A_272 : i32 to vector<16xi32>
      %shift_left3A_274 = arith.shli %and3A_271, %shift_left3A_273 : vector<16xi32>
      %add3A_275 = arith.constant 48 : i32
      %add3A_276 = arith.addi %mul3A_240, %add3A_275 : i32
      %get3A_277 = arith.index_cast %rem3A_210 : i32 to index
      %get3A_278 = arith.index_cast %rem3A_236 : i32 to index
      %get3A_279 = arith.index_cast %add3A_276 : i32 to index
      %get3A_280 = tpu.vector_load %arg5[%get3A_277, %get3A_278, %get3A_279] {strides = array<i32>} : memref<2x4x512xi32, #tpu.memory_space<vmem>>, vector<16xi32>,
      %and3A_281 = arith.constant 1 : i32
      %and3A_282 = vector.broadcast %and3A_281 : i32 to vector<16xi32>
      %and3A_283 = arith.andi %get3A_280, %and3A_282 : vector<16xi32>
      %shift_left3A_284 = arith.constant 6 : i32
      %shift_left3A_285 = vector.broadcast %shift_left3A_284 : i32 to vector<16xi32>
      %shift_left3A_286 = arith.shli %and3A_283, %shift_left3A_285 : vector<16xi32>
      %add3A_287 = arith.constant 64 : i32
      %add3A_288 = arith.addi %mul3A_240, %add3A_287 : i32
      %get3A_289 = arith.index_cast %rem3A_210 : i32 to index
      %get3A_290 = arith.index_cast %rem3A_236 : i32 to index
      %get3A_291 = arith.index_cast %add3A_288 : i32 to index
      %get3A_292 = tpu.vector_load %arg5[%get3A_289, %get3A_290, %get3A_291] {strides = array<i32>} : memref<2x4x512xi32, #tpu.memory_space<vmem>>, vector<16xi32>,
      %and3A_293 = arith.constant 1 : i32
      %and3A_294 = vector.broadcast %and3A_293 : i32 to vector<16xi32>
      %and3A_295 = arith.andi %get3A_292, %and3A_294 : vector<16xi32>
      %shift_left3A_296 = arith.constant 6 : i32
      %shift_left3A_297 = vector.broadcast %shift_left3A_296 : i32 to vector<16xi32>
      %shift_left3A_298 = arith.shli %and3A_295, %shift_left3A_297 : vector<16xi32>
      %add3A_299 = arith.constant 80 : i32
      %add3A_300 = arith.addi %mul3A_240, %add3A_299 : i32
      %get3A_301 = arith.index_cast %rem3A_210 : i32 to index
      %get3A_302 = arith.index_cast %rem3A_236 : i32 to index
      %get3A_303 = arith.index_cast %add3A_300 : i32 to index
      %get3A_304 = tpu.vector_load %arg5[%get3A_301, %get3A_302, %get3A_303] {strides = array<i32>} : memref<2x4x512xi32, #tpu.memory_space<vmem>>, vector<16xi32>,
      %and3A_305 = arith.constant 1 : i32
      %and3A_306 = vector.broadcast %and3A_305 : i32 to vector<16xi32>
      %and3A_307 = arith.andi %get3A_304, %and3A_306 : vector<16xi32>
      %shift_left3A_308 = arith.constant 6 : i32
      %shift_left3A_309 = vector.broadcast %shift_left3A_308 : i32 to vector<16xi32>
      %shift_left3A_310 = arith.shli %and3A_307, %shift_left3A_309 : vector<16xi32>
      %add3A_311 = arith.constant 96 : i32
      %add3A_312 = arith.addi %mul3A_240, %add3A_311 : i32
      %get3A_313 = arith.index_cast %rem3A_210 : i32 to index
      %get3A_314 = arith.index_cast %rem3A_236 : i32 to index
      %get3A_315 = arith.index_cast %add3A_312 : i32 to index
      %get3A_316 = tpu.vector_load %arg5[%get3A_313, %get3A_314, %get3A_315] {strides = array<i32>} : memref<2x4x512xi32, #tpu.memory_space<vmem>>, vector<16xi32>,
      %and3A_317 = arith.constant 1 : i32
      %and3A_318 = vector.broadcast %and3A_317 : i32 to vector<16xi32>
      %and3A_319 = arith.andi %get3A_316, %and3A_318 : vector<16xi32>
      %shift_left3A_320 = arith.constant 6 : i32
      %shift_left3A_321 = vector.broadcast %shift_left3A_320 : i32 to vector<16xi32>
      %shift_left3A_322 = arith.shli %and3A_319, %shift_left3A_321 : vector<16xi32>
      %add3A_323 = arith.constant 112 : i32
      %add3A_324 = arith.addi %mul3A_240, %add3A_323 : i32
      %get3A_325 = arith.index_cast %rem3A_210 : i32 to index
      %get3A_326 = arith.index_cast %rem3A_236 : i32 to index
      %get3A_327 = arith.index_cast %add3A_324 : i32 to index
      %get3A_328 = tpu.vector_load %arg5[%get3A_325, %get3A_326, %get3A_327] {strides = array<i32>} : memref<2x4x512xi32, #tpu.memory_space<vmem>>, vector<16xi32>,
      %and3A_329 = arith.constant 1 : i32
      %and3A_330 = vector.broadcast %and3A_329 : i32 to vector<16xi32>
      %and3A_331 = arith.andi %get3A_328, %and3A_330 : vector<16xi32>
      %shift_left3A_332 = arith.constant 6 : i32
      %shift_left3A_333 = vector.broadcast %shift_left3A_332 : i32 to vector<16xi32>
      %shift_left3A_334 = arith.shli %and3A_331, %shift_left3A_333 : vector<16xi32>
      %scan3A_335 = arith.constant 0 : i32
      %scan3A_336 = arith.constant 0 : i32
      %scan3A_337 = arith.constant 16 : i32
      %scan3A_338 = arith.addi %scan3A_336, %scan3A_337 : i32
      %scan3A_339 = arith.constant 1 : i32
      scf.for %scan3A_1035 = %scan3A_336 to %scan3A_338 step %scan3A_339  : i32 {
        %add3A_1036 = vector.broadcast %scan3A_1035 : i32 to vector<16xi32>
        %add3A_1037 = arith.addi %iota3A, %add3A_1036 : vector<16xi32>
        %rem3A_1038 = arith.remsi %add3A_1037, %broadcast_in_dim3A_29 : vector<16xi32>
        %add3A_1039 = arith.constant 0 : i32
        %add3A_1040 = vector.broadcast %add3A_1039 : i32 to vector<16xi32>
        %add3A_1041 = arith.addi %rem3A_1038, %add3A_1040 : vector<16xi32>
        %shift_right_logical3A = arith.constant 3 : i32
        %shift_right_logical3A_1042 = vector.broadcast %shift_right_logical3A : i32 to vector<16xi32>
        %shift_right_logical3A_1043 = arith.shrui %add3A_1041, %shift_right_logical3A_1042 : vector<16xi32>
        %and3A_1044 = arith.constant 7 : i32
        %and3A_1045 = vector.broadcast %and3A_1044 : i32 to vector<16xi32>
        %and3A_1046 = arith.andi %add3A_1041, %and3A_1045 : vector<16xi32>
        %add3A_1047 = arith.addi %add3A_1041, %shift_left3A_250 : vector<16xi32>
        %gather3A = tpu.vector_load_idx %arg7[%add3A_7, %add3A_1047] : memref<128x128xf32, #tpu.memory_space<vmem>>[vector<16xi32>, vector<16xi32>], vector<16xf32>,
        %add3A_1048 = arith.addi %add3A_1041, %shift_left3A_262 : vector<16xi32>
        %gather3A_1049 = tpu.vector_load_idx %arg7[%add3A_10, %add3A_1048] : memref<128x128xf32, #tpu.memory_space<vmem>>[vector<16xi32>, vector<16xi32>], vector<16xf32>,
        %add3A_1050 = arith.addi %add3A_1041, %shift_left3A_274 : vector<16xi32>
        %gather3A_1051 = tpu.vector_load_idx %arg7[%add3A_13, %add3A_1050] : memref<128x128xf32, #tpu.memory_space<vmem>>[vector<16xi32>, vector<16xi32>], vector<16xf32>,
        %add3A_1052 = arith.addi %add3A_1041, %shift_left3A_286 : vector<16xi32>
        %gather3A_1053 = tpu.vector_load_idx %arg7[%add3A_16, %add3A_1052] : memref<128x128xf32, #tpu.memory_space<vmem>>[vector<16xi32>, vector<16xi32>], vector<16xf32>,
        %add3A_1054 = arith.addi %add3A_1041, %shift_left3A_298 : vector<16xi32>
        %gather3A_1055 = tpu.vector_load_idx %arg7[%add3A_19, %add3A_1054] : memref<128x128xf32, #tpu.memory_space<vmem>>[vector<16xi32>, vector<16xi32>], vector<16xf32>,
        %add3A_1056 = arith.addi %add3A_1041, %shift_left3A_310 : vector<16xi32>
        %gather3A_1057 = tpu.vector_load_idx %arg7[%add3A_22, %add3A_1056] : memref<128x128xf32, #tpu.memory_space<vmem>>[vector<16xi32>, vector<16xi32>], vector<16xf32>,
        %add3A_1058 = arith.addi %add3A_1041, %shift_left3A_322 : vector<16xi32>
        %gather3A_1059 = tpu.vector_load_idx %arg7[%add3A_25, %add3A_1058] : memref<128x128xf32, #tpu.memory_space<vmem>>[vector<16xi32>, vector<16xi32>], vector<16xf32>,
        %add3A_1060 = arith.addi %add3A_1041, %shift_left3A_334 : vector<16xi32>
        %gather3A_1061 = tpu.vector_load_idx %arg7[%add3A_28, %add3A_1060] : memref<128x128xf32, #tpu.memory_space<vmem>>[vector<16xi32>, vector<16xi32>], vector<16xf32>,
        %add3A_1062 = arith.constant 16 : i32
        %add3A_1063 = vector.broadcast %add3A_1062 : i32 to vector<16xi32>
        %add3A_1064 = arith.addi %rem3A_1038, %add3A_1063 : vector<16xi32>
        %shift_right_logical3A_1065 = arith.constant 3 : i32
        %shift_right_logical3A_1066 = vector.broadcast %shift_right_logical3A_1065 : i32 to vector<16xi32>
        %shift_right_logical3A_1067 = arith.shrui %add3A_1064, %shift_right_logical3A_1066 : vector<16xi32>
        %and3A_1068 = arith.constant 7 : i32
        %and3A_1069 = vector.broadcast %and3A_1068 : i32 to vector<16xi32>
        %and3A_1070 = arith.andi %add3A_1064, %and3A_1069 : vector<16xi32>
        %add3A_1071 = arith.addi %add3A_1064, %shift_left3A_250 : vector<16xi32>
        %gather3A_1072 = tpu.vector_load_idx %arg7[%add3A_7, %add3A_1071] : memref<128x128xf32, #tpu.memory_space<vmem>>[vector<16xi32>, vector<16xi32>], vector<16xf32>,
        %add3A_1073 = arith.addi %add3A_1064, %shift_left3A_262 : vector<16xi32>
        %gather3A_1074 = tpu.vector_load_idx %arg7[%add3A_10, %add3A_1073] : memref<128x128xf32, #tpu.memory_space<vmem>>[vector<16xi32>, vector<16xi32>], vector<16xf32>,
        %add3A_1075 = arith.addi %add3A_1064, %shift_left3A_274 : vector<16xi32>
        %gather3A_1076 = tpu.vector_load_idx %arg7[%add3A_13, %add3A_1075] : memref<128x128xf32, #tpu.memory_space<vmem>>[vector<16xi32>, vector<16xi32>], vector<16xf32>,
        %add3A_1077 = arith.addi %add3A_1064, %shift_left3A_286 : vector<16xi32>
        %gather3A_1078 = tpu.vector_load_idx %arg7[%add3A_16, %add3A_1077] : memref<128x128xf32, #tpu.memory_space<vmem>>[vector<16xi32>, vector<16xi32>], vector<16xf32>,
        %add3A_1079 = arith.addi %add3A_1064, %shift_left3A_298 : vector<16xi32>
        %gather3A_1080 = tpu.vector_load_idx %arg7[%add3A_19, %add3A_1079] : memref<128x128xf32, #tpu.memory_space<vmem>>[vector<16xi32>, vector<16xi32>], vector<16xf32>,
        %add3A_1081 = arith.addi %add3A_1064, %shift_left3A_310 : vector<16xi32>
        %gather3A_1082 = tpu.vector_load_idx %arg7[%add3A_22, %add3A_1081] : memref<128x128xf32, #tpu.memory_space<vmem>>[vector<16xi32>, vector<16xi32>], vector<16xf32>,
        %add3A_1083 = arith.addi %add3A_1064, %shift_left3A_322 : vector<16xi32>
        %gather3A_1084 = tpu.vector_load_idx %arg7[%add3A_25, %add3A_1083] : memref<128x128xf32, #tpu.memory_space<vmem>>[vector<16xi32>, vector<16xi32>], vector<16xf32>,
        %add3A_1085 = arith.addi %add3A_1064, %shift_left3A_334 : vector<16xi32>
        %gather3A_1086 = tpu.vector_load_idx %arg7[%add3A_28, %add3A_1085] : memref<128x128xf32, #tpu.memory_space<vmem>>[vector<16xi32>, vector<16xi32>], vector<16xf32>,
        tpu.vector_store_idx %arg11[%shift_right_logical3A_1043, %and3A_1046, %add3A_7], %gather3A : memref<8x8x128xf32, #tpu.memory_space<vmem>>[vector<16xi32>, vector<16xi32>, vector<16xi32>], vector<16xf32>,
        tpu.vector_store_idx %arg11[%shift_right_logical3A_1043, %and3A_1046, %add3A_10], %gather3A_1049 : memref<8x8x128xf32, #tpu.memory_space<vmem>>[vector<16xi32>, vector<16xi32>, vector<16xi32>], vector<16xf32>,
        tpu.vector_store_idx %arg11[%shift_right_logical3A_1043, %and3A_1046, %add3A_13], %gather3A_1051 : memref<8x8x128xf32, #tpu.memory_space<vmem>>[vector<16xi32>, vector<16xi32>, vector<16xi32>], vector<16xf32>,
        tpu.vector_store_idx %arg11[%shift_right_logical3A_1043, %and3A_1046, %add3A_16], %gather3A_1053 : memref<8x8x128xf32, #tpu.memory_space<vmem>>[vector<16xi32>, vector<16xi32>, vector<16xi32>], vector<16xf32>,
        tpu.vector_store_idx %arg11[%shift_right_logical3A_1043, %and3A_1046, %add3A_19], %gather3A_1055 : memref<8x8x128xf32, #tpu.memory_space<vmem>>[vector<16xi32>, vector<16xi32>, vector<16xi32>], vector<16xf32>,
        tpu.vector_store_idx %arg11[%shift_right_logical3A_1043, %and3A_1046, %add3A_22], %gather3A_1057 : memref<8x8x128xf32, #tpu.memory_space<vmem>>[vector<16xi32>, vector<16xi32>, vector<16xi32>], vector<16xf32>,
        tpu.vector_store_idx %arg11[%shift_right_logical3A_1043, %and3A_1046, %add3A_25], %gather3A_1059 : memref<8x8x128xf32, #tpu.memory_space<vmem>>[vector<16xi32>, vector<16xi32>, vector<16xi32>], vector<16xf32>,
        tpu.vector_store_idx %arg11[%shift_right_logical3A_1043, %and3A_1046, %add3A_28], %gather3A_1061 : memref<8x8x128xf32, #tpu.memory_space<vmem>>[vector<16xi32>, vector<16xi32>, vector<16xi32>], vector<16xf32>,
        tpu.vector_store_idx %arg11[%shift_right_logical3A_1067, %and3A_1070, %add3A_7], %gather3A_1072 : memref<8x8x128xf32, #tpu.memory_space<vmem>>[vector<16xi32>, vector<16xi32>, vector<16xi32>], vector<16xf32>,
        tpu.vector_store_idx %arg11[%shift_right_logical3A_1067, %and3A_1070, %add3A_10], %gather3A_1074 : memref<8x8x128xf32, #tpu.memory_space<vmem>>[vector<16xi32>, vector<16xi32>, vector<16xi32>], vector<16xf32>,
        tpu.vector_store_idx %arg11[%shift_right_logical3A_1067, %and3A_1070, %add3A_13], %gather3A_1076 : memref<8x8x128xf32, #tpu.memory_space<vmem>>[vector<16xi32>, vector<16xi32>, vector<16xi32>], vector<16xf32>,
        tpu.vector_store_idx %arg11[%shift_right_logical3A_1067, %and3A_1070, %add3A_16], %gather3A_1078 : memref<8x8x128xf32, #tpu.memory_space<vmem>>[vector<16xi32>, vector<16xi32>, vector<16xi32>], vector<16xf32>,
        tpu.vector_store_idx %arg11[%shift_right_logical3A_1067, %and3A_1070, %add3A_19], %gather3A_1080 : memref<8x8x128xf32, #tpu.memory_space<vmem>>[vector<16xi32>, vector<16xi32>, vector<16xi32>], vector<16xf32>,
        tpu.vector_store_idx %arg11[%shift_right_logical3A_1067, %and3A_1070, %add3A_22], %gather3A_1082 : memref<8x8x128xf32, #tpu.memory_space<vmem>>[vector<16xi32>, vector<16xi32>, vector<16xi32>], vector<16xf32>,
        tpu.vector_store_idx %arg11[%shift_right_logical3A_1067, %and3A_1070, %add3A_25], %gather3A_1084 : memref<8x8x128xf32, #tpu.memory_space<vmem>>[vector<16xi32>, vector<16xi32>, vector<16xi32>], vector<16xf32>,
        tpu.vector_store_idx %arg11[%shift_right_logical3A_1067, %and3A_1070, %add3A_28], %gather3A_1086 : memref<8x8x128xf32, #tpu.memory_space<vmem>>[vector<16xi32>, vector<16xi32>, vector<16xi32>], vector<16xf32>,
        %add3A_1087 = arith.constant 32 : i32
        %add3A_1088 = vector.broadcast %add3A_1087 : i32 to vector<16xi32>
        %add3A_1089 = arith.addi %rem3A_1038, %add3A_1088 : vector<16xi32>
        %shift_right_logical3A_1090 = arith.constant 3 : i32
        %shift_right_logical3A_1091 = vector.broadcast %shift_right_logical3A_1090 : i32 to vector<16xi32>
        %shift_right_logical3A_1092 = arith.shrui %add3A_1089, %shift_right_logical3A_1091 : vector<16xi32>
        %and3A_1093 = arith.constant 7 : i32
        %and3A_1094 = vector.broadcast %and3A_1093 : i32 to vector<16xi32>
        %and3A_1095 = arith.andi %add3A_1089, %and3A_1094 : vector<16xi32>
        %add3A_1096 = arith.addi %add3A_1089, %shift_left3A_250 : vector<16xi32>
        %gather3A_1097 = tpu.vector_load_idx %arg7[%add3A_7, %add3A_1096] : memref<128x128xf32, #tpu.memory_space<vmem>>[vector<16xi32>, vector<16xi32>], vector<16xf32>,
        %add3A_1098 = arith.addi %add3A_1089, %shift_left3A_262 : vector<16xi32>
        %gather3A_1099 = tpu.vector_load_idx %arg7[%add3A_10, %add3A_1098] : memref<128x128xf32, #tpu.memory_space<vmem>>[vector<16xi32>, vector<16xi32>], vector<16xf32>,
        %add3A_1100 = arith.addi %add3A_1089, %shift_left3A_274 : vector<16xi32>
        %gather3A_1101 = tpu.vector_load_idx %arg7[%add3A_13, %add3A_1100] : memref<128x128xf32, #tpu.memory_space<vmem>>[vector<16xi32>, vector<16xi32>], vector<16xf32>,
        %add3A_1102 = arith.addi %add3A_1089, %shift_left3A_286 : vector<16xi32>
        %gather3A_1103 = tpu.vector_load_idx %arg7[%add3A_16, %add3A_1102] : memref<128x128xf32, #tpu.memory_space<vmem>>[vector<16xi32>, vector<16xi32>], vector<16xf32>,
        %add3A_1104 = arith.addi %add3A_1089, %shift_left3A_298 : vector<16xi32>
        %gather3A_1105 = tpu.vector_load_idx %arg7[%add3A_19, %add3A_1104] : memref<128x128xf32, #tpu.memory_space<vmem>>[vector<16xi32>, vector<16xi32>], vector<16xf32>,
        %add3A_1106 = arith.addi %add3A_1089, %shift_left3A_310 : vector<16xi32>
        %gather3A_1107 = tpu.vector_load_idx %arg7[%add3A_22, %add3A_1106] : memref<128x128xf32, #tpu.memory_space<vmem>>[vector<16xi32>, vector<16xi32>], vector<16xf32>,
        %add3A_1108 = arith.addi %add3A_1089, %shift_left3A_322 : vector<16xi32>
        %gather3A_1109 = tpu.vector_load_idx %arg7[%add3A_25, %add3A_1108] : memref<128x128xf32, #tpu.memory_space<vmem>>[vector<16xi32>, vector<16xi32>], vector<16xf32>,
        %add3A_1110 = arith.addi %add3A_1089, %shift_left3A_334 : vector<16xi32>
        %gather3A_1111 = tpu.vector_load_idx %arg7[%add3A_28, %add3A_1110] : memref<128x128xf32, #tpu.memory_space<vmem>>[vector<16xi32>, vector<16xi32>], vector<16xf32>,
        %add3A_1112 = arith.constant 48 : i32
        %add3A_1113 = vector.broadcast %add3A_1112 : i32 to vector<16xi32>
        %add3A_1114 = arith.addi %rem3A_1038, %add3A_1113 : vector<16xi32>
        %shift_right_logical3A_1115 = arith.constant 3 : i32
        %shift_right_logical3A_1116 = vector.broadcast %shift_right_logical3A_1115 : i32 to vector<16xi32>
        %shift_right_logical3A_1117 = arith.shrui %add3A_1114, %shift_right_logical3A_1116 : vector<16xi32>
        %and3A_1118 = arith.constant 7 : i32
        %and3A_1119 = vector.broadcast %and3A_1118 : i32 to vector<16xi32>
        %and3A_1120 = arith.andi %add3A_1114, %and3A_1119 : vector<16xi32>
        %add3A_1121 = arith.addi %add3A_1114, %shift_left3A_250 : vector<16xi32>
        %gather3A_1122 = tpu.vector_load_idx %arg7[%add3A_7, %add3A_1121] : memref<128x128xf32, #tpu.memory_space<vmem>>[vector<16xi32>, vector<16xi32>], vector<16xf32>,
        %add3A_1123 = arith.addi %add3A_1114, %shift_left3A_262 : vector<16xi32>
        %gather3A_1124 = tpu.vector_load_idx %arg7[%add3A_10, %add3A_1123] : memref<128x128xf32, #tpu.memory_space<vmem>>[vector<16xi32>, vector<16xi32>], vector<16xf32>,
        %add3A_1125 = arith.addi %add3A_1114, %shift_left3A_274 : vector<16xi32>
        %gather3A_1126 = tpu.vector_load_idx %arg7[%add3A_13, %add3A_1125] : memref<128x128xf32, #tpu.memory_space<vmem>>[vector<16xi32>, vector<16xi32>], vector<16xf32>,
        %add3A_1127 = arith.addi %add3A_1114, %shift_left3A_286 : vector<16xi32>
        %gather3A_1128 = tpu.vector_load_idx %arg7[%add3A_16, %add3A_1127] : memref<128x128xf32, #tpu.memory_space<vmem>>[vector<16xi32>, vector<16xi32>], vector<16xf32>,
        %add3A_1129 = arith.addi %add3A_1114, %shift_left3A_298 : vector<16xi32>
        %gather3A_1130 = tpu.vector_load_idx %arg7[%add3A_19, %add3A_1129] : memref<128x128xf32, #tpu.memory_space<vmem>>[vector<16xi32>, vector<16xi32>], vector<16xf32>,
        %add3A_1131 = arith.addi %add3A_1114, %shift_left3A_310 : vector<16xi32>
        %gather3A_1132 = tpu.vector_load_idx %arg7[%add3A_22, %add3A_1131] : memref<128x128xf32, #tpu.memory_space<vmem>>[vector<16xi32>, vector<16xi32>], vector<16xf32>,
        %add3A_1133 = arith.addi %add3A_1114, %shift_left3A_322 : vector<16xi32>
        %gather3A_1134 = tpu.vector_load_idx %arg7[%add3A_25, %add3A_1133] : memref<128x128xf32, #tpu.memory_space<vmem>>[vector<16xi32>, vector<16xi32>], vector<16xf32>,
        %add3A_1135 = arith.addi %add3A_1114, %shift_left3A_334 : vector<16xi32>
        %gather3A_1136 = tpu.vector_load_idx %arg7[%add3A_28, %add3A_1135] : memref<128x128xf32, #tpu.memory_space<vmem>>[vector<16xi32>, vector<16xi32>], vector<16xf32>,
        tpu.vector_store_idx %arg11[%shift_right_logical3A_1092, %and3A_1095, %add3A_7], %gather3A_1097 : memref<8x8x128xf32, #tpu.memory_space<vmem>>[vector<16xi32>, vector<16xi32>, vector<16xi32>], vector<16xf32>,
        tpu.vector_store_idx %arg11[%shift_right_logical3A_1092, %and3A_1095, %add3A_10], %gather3A_1099 : memref<8x8x128xf32, #tpu.memory_space<vmem>>[vector<16xi32>, vector<16xi32>, vector<16xi32>], vector<16xf32>,
        tpu.vector_store_idx %arg11[%shift_right_logical3A_1092, %and3A_1095, %add3A_13], %gather3A_1101 : memref<8x8x128xf32, #tpu.memory_space<vmem>>[vector<16xi32>, vector<16xi32>, vector<16xi32>], vector<16xf32>,
        tpu.vector_store_idx %arg11[%shift_right_logical3A_1092, %and3A_1095, %add3A_16], %gather3A_1103 : memref<8x8x128xf32, #tpu.memory_space<vmem>>[vector<16xi32>, vector<16xi32>, vector<16xi32>], vector<16xf32>,
        tpu.vector_store_idx %arg11[%shift_right_logical3A_1092, %and3A_1095, %add3A_19], %gather3A_1105 : memref<8x8x128xf32, #tpu.memory_space<vmem>>[vector<16xi32>, vector<16xi32>, vector<16xi32>], vector<16xf32>,
        tpu.vector_store_idx %arg11[%shift_right_logical3A_1092, %and3A_1095, %add3A_22], %gather3A_1107 : memref<8x8x128xf32, #tpu.memory_space<vmem>>[vector<16xi32>, vector<16xi32>, vector<16xi32>], vector<16xf32>,
        tpu.vector_store_idx %arg11[%shift_right_logical3A_1092, %and3A_1095, %add3A_25], %gather3A_1109 : memref<8x8x128xf32, #tpu.memory_space<vmem>>[vector<16xi32>, vector<16xi32>, vector<16xi32>], vector<16xf32>,
        tpu.vector_store_idx %arg11[%shift_right_logical3A_1092, %and3A_1095, %add3A_28], %gather3A_1111 : memref<8x8x128xf32, #tpu.memory_space<vmem>>[vector<16xi32>, vector<16xi32>, vector<16xi32>], vector<16xf32>,
        tpu.vector_store_idx %arg11[%shift_right_logical3A_1117, %and3A_1120, %add3A_7], %gather3A_1122 : memref<8x8x128xf32, #tpu.memory_space<vmem>>[vector<16xi32>, vector<16xi32>, vector<16xi32>], vector<16xf32>,
        tpu.vector_store_idx %arg11[%shift_right_logical3A_1117, %and3A_1120, %add3A_10], %gather3A_1124 : memref<8x8x128xf32, #tpu.memory_space<vmem>>[vector<16xi32>, vector<16xi32>, vector<16xi32>], vector<16xf32>,
        tpu.vector_store_idx %arg11[%shift_right_logical3A_1117, %and3A_1120, %add3A_13], %gather3A_1126 : memref<8x8x128xf32, #tpu.memory_space<vmem>>[vector<16xi32>, vector<16xi32>, vector<16xi32>], vector<16xf32>,
        tpu.vector_store_idx %arg11[%shift_right_logical3A_1117, %and3A_1120, %add3A_16], %gather3A_1128 : memref<8x8x128xf32, #tpu.memory_space<vmem>>[vector<16xi32>, vector<16xi32>, vector<16xi32>], vector<16xf32>,
        tpu.vector_store_idx %arg11[%shift_right_logical3A_1117, %and3A_1120, %add3A_19], %gather3A_1130 : memref<8x8x128xf32, #tpu.memory_space<vmem>>[vector<16xi32>, vector<16xi32>, vector<16xi32>], vector<16xf32>,
        tpu.vector_store_idx %arg11[%shift_right_logical3A_1117, %and3A_1120, %add3A_22], %gather3A_1132 : memref<8x8x128xf32, #tpu.memory_space<vmem>>[vector<16xi32>, vector<16xi32>, vector<16xi32>], vector<16xf32>,
        tpu.vector_store_idx %arg11[%shift_right_logical3A_1117, %and3A_1120, %add3A_25], %gather3A_1134 : memref<8x8x128xf32, #tpu.memory_space<vmem>>[vector<16xi32>, vector<16xi32>, vector<16xi32>], vector<16xf32>,
        tpu.vector_store_idx %arg11[%shift_right_logical3A_1117, %and3A_1120, %add3A_28], %gather3A_1136 : memref<8x8x128xf32, #tpu.memory_space<vmem>>[vector<16xi32>, vector<16xi32>, vector<16xi32>], vector<16xf32>,
      }
      %scan3A_340 = arith.constant 16 : i32
      %jit3A_341 = arith.constant 4 : i32
      %div3A_342 = arith.divsi %add3A_162, %jit3A_341 : i32
      %sign3A_343 = arith.constant 0 : i32
      %sign3A_344 = arith.cmpi sgt, %add3A_162, %sign3A_343 : i32
      %sign3A_345 = arith.extui %sign3A_344 : i1 to i32
      %sign3A_346 = arith.constant 0 : i32
      %sign3A_347 = arith.cmpi slt, %add3A_162, %sign3A_346 : i32
      %sign3A_348 = arith.extui %sign3A_347 : i1 to i32
      %sign3A_349 = arith.subi %sign3A_345, %sign3A_348 : i32
      %sign3A_350 = arith.constant 0 : i32
      %sign3A_351 = arith.cmpi sgt, %jit3A_341, %sign3A_350 : i32
      %sign3A_352 = arith.extui %sign3A_351 : i1 to i32
      %sign3A_353 = arith.constant 0 : i32
      %sign3A_354 = arith.cmpi slt, %jit3A_341, %sign3A_353 : i32
      %sign3A_355 = arith.extui %sign3A_354 : i1 to i32
      %sign3A_356 = arith.subi %sign3A_352, %sign3A_355 : i32
      %ne3A_357 = arith.cmpi ne, %sign3A_349, %sign3A_356 : i32
      %rem3A_358 = arith.remsi %add3A_162, %jit3A_341 : i32
      %ne3A_359 = arith.constant 0 : i32
      %ne3A_360 = arith.cmpi ne, %rem3A_358, %ne3A_359 : i32
      %and3A_361 = arith.andi %ne3A_357, %ne3A_360 : i1
      %sub3A_362 = arith.constant 1 : i32
      %sub3A_363 = arith.subi %div3A_342, %sub3A_362 : i32
      %select_n3A_364 = arith.select %and3A_361, %sub3A_363, %div3A_342 : i32
      %rem3A_365 = arith.constant 4 : i32
      %rem3A_366 = arith.remsi %add3A_162, %rem3A_365 : i32
      %add3A_367 = arith.addi %mul3A_2, %rem3A_366 : i32
      %dma_start3A_368 = arith.constant 0 : i32
      %dma_start3A_369 = arith.constant 0 : i32
      %dma_start3A_370 = arith.constant 0 : i32
      %dma_start3A_371 = tpu.memref_slice %arg4[%select_n3A_364, %dma_start3A_368, %add3A_367, %dma_start3A_369, %dma_start3A_370] : memref<200x8x128x8x128xf32, #tpu.memory_space<hbm>> -> memref<1x8x1x8x128xf32, #tpu.memory_space<hbm>>
      %dma_start3A_372 = tpu.memref_squeeze %dma_start3A_371 : memref<1x8x1x8x128xf32, #tpu.memory_space<hbm>> -> memref<8x8x128xf32, #tpu.memory_space<hbm>>
      %dma_start3A_373 = arith.constant 0 : i32
      %dma_start3A_374 = arith.constant 0 : i32
      %dma_start3A_375 = arith.constant 0 : i32
      %dma_start3A_376 = tpu.memref_slice %arg4[%select_n3A_364, %dma_start3A_373, %add3A_367, %dma_start3A_374, %dma_start3A_375] : memref<200x8x128x8x128xf32, #tpu.memory_space<hbm>> -> memref<1x8x1x8x128xf32, #tpu.memory_space<hbm>>
      %dma_start3A_377 = tpu.memref_squeeze %dma_start3A_376 : memref<1x8x1x8x128xf32, #tpu.memory_space<hbm>> -> memref<8x8x128xf32, #tpu.memory_space<hbm>>
      tpu.enqueue_dma source(%arg11 : memref<8x8x128xf32, #tpu.memory_space<vmem>>) target(%dma_start3A_377 : memref<8x8x128xf32, #tpu.memory_space<hbm>>) target_semaphore(%arg18 : memref<!tpu.dma_semaphore, #tpu.memory_space<semaphore_mem>>)
      %mul3A_378 = arith.constant 4 : i32
      %mul3A_379 = arith.muli %mul3A_378, %scan3A_158 : i32
      %add3A_380 = arith.constant 1 : i32
      %add3A_381 = arith.addi %mul3A_379, %add3A_380 : i32
      %dma_wait3A_382 = arith.constant 0 : i32
      %dma_wait3A_383 = arith.constant 0 : i32
      %dma_wait3A_384 = arith.constant 0 : i32
      %dma_wait3A_385 = tpu.memref_slice %arg6[%dma_wait3A_382, %dma_wait3A_383, %dma_wait3A_384] : memref<2x4x512xi32, #tpu.memory_space<vmem>> -> memref<1x1x128xi32, #tpu.memory_space<vmem>>
      %dma_wait3A_386 = tpu.memref_squeeze %dma_wait3A_385 : memref<1x1x128xi32, #tpu.memory_space<vmem>> -> memref<128xi32, #tpu.memory_space<vmem>>
      %dma_wait3A_387 = arith.constant 0 : i32
      %dma_wait3A_388 = arith.constant 0 : i32
      %dma_wait3A_389 = tpu.memref_slice %arg3[%dma_wait3A_387, %dma_wait3A_388] : memref<500000x128xf32, #tpu.memory_space<hbm>> -> memref<500000x128xf32, #tpu.memory_space<hbm>>
      tpu.wait_indirect_dma semaphore(%arg15 : memref<!tpu.dma_semaphore, #tpu.memory_space<semaphore_mem>>) src(%dma_wait3A_389 : memref<500000x128xf32, #tpu.memory_space<hbm>>) dst(%arg8 : memref<128x128xf32, #tpu.memory_space<vmem>>)
      %add3A_390 = arith.constant 3 : i32
      %add3A_391 = arith.addi %add3A_381, %add3A_390 : i32
      %lt3A_392 = arith.constant 800 : i32
      %lt3A_393 = arith.cmpi slt, %add3A_391, %lt3A_392 : i32
      %convert_element_type3A_394 = arith.extui %lt3A_393 : i1 to i32
      %cond3A_395 = arith.constant 0 : i32
      %cond3A_396 = arith.cmpi ne, %convert_element_type3A_394, %cond3A_395 : i32
      scf.if %cond3A_396 {
        %add3A_1035 = arith.constant 3 : i32
        %add3A_1036 = arith.addi %add3A_381, %add3A_1035 : i32
        %rem3A_1037 = arith.constant 16 : i32
        %rem3A_1038 = arith.remsi %add3A_1036, %rem3A_1037 : i32
        %eq3A_1039 = arith.constant 0 : i32
        %eq3A_1040 = arith.cmpi eq, %rem3A_1038, %eq3A_1039 : i32
        %convert_element_type3A_1041 = arith.extui %eq3A_1040 : i1 to i32
        %cond3A_1042 = arith.constant 0 : i32
        %cond3A_1043 = arith.cmpi ne, %convert_element_type3A_1041, %cond3A_1042 : i32
        scf.if %cond3A_1043 {
          %add3A_1107 = arith.constant 3 : i32
          %add3A_1108 = arith.addi %add3A_381, %add3A_1107 : i32
          %jit3A_1109 = arith.constant 16 : i32
          %div3A_1110 = arith.divsi %add3A_1108, %jit3A_1109 : i32
          %sign3A_1111 = arith.constant 0 : i32
          %sign3A_1112 = arith.cmpi sgt, %add3A_1108, %sign3A_1111 : i32
          %sign3A_1113 = arith.extui %sign3A_1112 : i1 to i32
          %sign3A_1114 = arith.constant 0 : i32
          %sign3A_1115 = arith.cmpi slt, %add3A_1108, %sign3A_1114 : i32
          %sign3A_1116 = arith.extui %sign3A_1115 : i1 to i32
          %sign3A_1117 = arith.subi %sign3A_1113, %sign3A_1116 : i32
          %sign3A_1118 = arith.constant 0 : i32
          %sign3A_1119 = arith.cmpi sgt, %jit3A_1109, %sign3A_1118 : i32
          %sign3A_1120 = arith.extui %sign3A_1119 : i1 to i32
          %sign3A_1121 = arith.constant 0 : i32
          %sign3A_1122 = arith.cmpi slt, %jit3A_1109, %sign3A_1121 : i32
          %sign3A_1123 = arith.extui %sign3A_1122 : i1 to i32
          %sign3A_1124 = arith.subi %sign3A_1120, %sign3A_1123 : i32
          %ne3A_1125 = arith.cmpi ne, %sign3A_1117, %sign3A_1124 : i32
          %rem3A_1126 = arith.remsi %add3A_1108, %jit3A_1109 : i32
          %ne3A_1127 = arith.constant 0 : i32
          %ne3A_1128 = arith.cmpi ne, %rem3A_1126, %ne3A_1127 : i32
          %and3A_1129 = arith.andi %ne3A_1125, %ne3A_1128 : i1
          %sub3A_1130 = arith.constant 1 : i32
          %sub3A_1131 = arith.subi %div3A_1110, %sub3A_1130 : i32
          %select_n3A_1132 = arith.select %and3A_1129, %sub3A_1131, %div3A_1110 : i32
          %dma_wait3A_1133 = arith.constant 0 : i32
          %dma_wait3A_1134 = arith.constant 0 : i32
          %dma_wait3A_1135 = arith.constant 0 : i32
          %dma_wait3A_1136 = tpu.memref_slice %arg5[%dma_wait3A_1133, %dma_wait3A_1134, %dma_wait3A_1135] : memref<2x4x512xi32, #tpu.memory_space<vmem>> -> memref<1x4x512xi32, #tpu.memory_space<vmem>>
          %dma_wait3A_1137 = tpu.memref_squeeze %dma_wait3A_1136 : memref<1x4x512xi32, #tpu.memory_space<vmem>> -> memref<4x512xi32, #tpu.memory_space<vmem>>
          %dma_wait3A_1138 = arith.constant 0 : i32
          %dma_wait3A_1139 = arith.constant 0 : i32
          %dma_wait3A_1140 = tpu.memref_slice %arg2[%dma_wait3A_1138, %dma_wait3A_1139] : memref<200x16384xi32, #tpu.memory_space<hbm>> -> memref<4x512xi32, #tpu.memory_space<hbm>>
          %dma_wait3A_1141 = arith.constant 0 : i32
          %dma_wait3A_1142 = arith.constant 0 : i32
          %dma_wait3A_1143 = tpu.memref_slice %arg5[%dma_wait3A_1133, %dma_wait3A_1141, %dma_wait3A_1142] : memref<2x4x512xi32, #tpu.memory_space<vmem>> -> memref<1x4x512xi32, #tpu.memory_space<vmem>>
          %dma_wait3A_1144 = tpu.memref_squeeze %dma_wait3A_1143 : memref<1x4x512xi32, #tpu.memory_space<vmem>> -> memref<4x512xi32, #tpu.memory_space<vmem>>
          %dma_wait3A_1145 = arith.constant 0 : i32
          %dma_wait3A_1146 = arith.constant 0 : i32
          %dma_wait3A_1147 = tpu.memref_slice %arg2[%dma_wait3A_1145, %dma_wait3A_1146] : memref<200x16384xi32, #tpu.memory_space<hbm>> -> memref<4x512xi32, #tpu.memory_space<hbm>>
          tpu.wait_dma2 semaphore(%arg13 : memref<!tpu.dma_semaphore, #tpu.memory_space<semaphore_mem>>) src(%dma_wait3A_1147 : memref<4x512xi32, #tpu.memory_space<hbm>>) dst(%dma_wait3A_1144 : memref<4x512xi32, #tpu.memory_space<vmem>>)
          %rem3A_1148 = arith.constant 2 : i32
          %rem3A_1149 = arith.remsi %select_n3A_1132, %rem3A_1148 : i32
          %scan3A_1150 = arith.constant 0 : i32
          %scan3A_1151 = arith.constant 0 : i32
          %scan3A_1152 = arith.constant 4 : i32
          %scan3A_1153 = arith.addi %scan3A_1151, %scan3A_1152 : i32
          %scan3A_1154 = arith.constant 1 : i32
          scf.for %scan3A_1156 = %scan3A_1151 to %scan3A_1153 step %scan3A_1154  : i32 {
            %scan3A_1157 = arith.constant 0 : i32
            %scan3A_1158 = arith.constant 32 : i32
            %scan3A_1159 = arith.addi %scan3A_1157, %scan3A_1158 : i32
            %scan3A_1160 = arith.constant 1 : i32
            scf.for %scan3A_1162 = %scan3A_1157 to %scan3A_1159 step %scan3A_1160  : i32 {
              %mul3A_1163 = arith.constant 16 : i32
              %mul3A_1164 = arith.muli %scan3A_1162, %mul3A_1163 : i32
              %get3A_1165 = arith.index_cast %rem3A_1149 : i32 to index
              %get3A_1166 = arith.index_cast %scan3A_1156 : i32 to index
              %get3A_1167 = arith.index_cast %mul3A_1164 : i32 to index
              %get3A_1168 = tpu.vector_load %arg5[%get3A_1165, %get3A_1166, %get3A_1167] {strides = array<i32>} : memref<2x4x512xi32, #tpu.memory_space<vmem>>, vector<16xi32>,
              %shift_right_logical3A = arith.constant 1 : i32
              %shift_right_logical3A_1169 = vector.broadcast %shift_right_logical3A : i32 to vector<16xi32>
              %shift_right_logical3A_1170 = arith.shrui %get3A_1168, %shift_right_logical3A_1169 : vector<16xi32>
              %mul3A_1171 = arith.constant 16 : i32
              %mul3A_1172 = arith.muli %scan3A_1162, %mul3A_1171 : i32
              %swap3A = arith.index_cast %rem3A_1149 : i32 to index
              %swap3A_1173 = arith.index_cast %scan3A_1156 : i32 to index
              %swap3A_1174 = arith.index_cast %mul3A_1172 : i32 to index
              %swap3A_1175 = tpu.vector_load %arg6[%swap3A, %swap3A_1173, %swap3A_1174] {strides = array<i32>} : memref<2x4x512xi32, #tpu.memory_space<vmem>>, vector<16xi32>,
              tpu.vector_store %arg6[%swap3A, %swap3A_1173, %swap3A_1174], %shift_right_logical3A_1170 {strides = array<i32>} : memref<2x4x512xi32, #tpu.memory_space<vmem>>, vector<16xi32>,
            }
            %scan3A_1161 = arith.constant 32 : i32
          }
          %scan3A_1155 = arith.constant 4 : i32
        } else {
        }
        %add3A_1044 = arith.constant 3 : i32
        %add3A_1045 = arith.addi %add3A_381, %add3A_1044 : i32
        %jit3A_1046 = arith.constant 16 : i32
        %div3A_1047 = arith.divsi %add3A_1045, %jit3A_1046 : i32
        %sign3A_1048 = arith.constant 0 : i32
        %sign3A_1049 = arith.cmpi sgt, %add3A_1045, %sign3A_1048 : i32
        %sign3A_1050 = arith.extui %sign3A_1049 : i1 to i32
        %sign3A_1051 = arith.constant 0 : i32
        %sign3A_1052 = arith.cmpi slt, %add3A_1045, %sign3A_1051 : i32
        %sign3A_1053 = arith.extui %sign3A_1052 : i1 to i32
        %sign3A_1054 = arith.subi %sign3A_1050, %sign3A_1053 : i32
        %sign3A_1055 = arith.constant 0 : i32
        %sign3A_1056 = arith.cmpi sgt, %jit3A_1046, %sign3A_1055 : i32
        %sign3A_1057 = arith.extui %sign3A_1056 : i1 to i32
        %sign3A_1058 = arith.constant 0 : i32
        %sign3A_1059 = arith.cmpi slt, %jit3A_1046, %sign3A_1058 : i32
        %sign3A_1060 = arith.extui %sign3A_1059 : i1 to i32
        %sign3A_1061 = arith.subi %sign3A_1057, %sign3A_1060 : i32
        %ne3A_1062 = arith.cmpi ne, %sign3A_1054, %sign3A_1061 : i32
        %rem3A_1063 = arith.remsi %add3A_1045, %jit3A_1046 : i32
        %ne3A_1064 = arith.constant 0 : i32
        %ne3A_1065 = arith.cmpi ne, %rem3A_1063, %ne3A_1064 : i32
        %and3A_1066 = arith.andi %ne3A_1062, %ne3A_1065 : i1
        %sub3A_1067 = arith.constant 1 : i32
        %sub3A_1068 = arith.subi %div3A_1047, %sub3A_1067 : i32
        %select_n3A_1069 = arith.select %and3A_1066, %sub3A_1068, %div3A_1047 : i32
        %rem3A_1070 = arith.constant 2 : i32
        %rem3A_1071 = arith.remsi %select_n3A_1069, %rem3A_1070 : i32
        %jit3A_1072 = arith.constant 4 : i32
        %div3A_1073 = arith.divsi %add3A_1045, %jit3A_1072 : i32
        %sign3A_1074 = arith.constant 0 : i32
        %sign3A_1075 = arith.cmpi sgt, %add3A_1045, %sign3A_1074 : i32
        %sign3A_1076 = arith.extui %sign3A_1075 : i1 to i32
        %sign3A_1077 = arith.constant 0 : i32
        %sign3A_1078 = arith.cmpi slt, %add3A_1045, %sign3A_1077 : i32
        %sign3A_1079 = arith.extui %sign3A_1078 : i1 to i32
        %sign3A_1080 = arith.subi %sign3A_1076, %sign3A_1079 : i32
        %sign3A_1081 = arith.constant 0 : i32
        %sign3A_1082 = arith.cmpi sgt, %jit3A_1072, %sign3A_1081 : i32
        %sign3A_1083 = arith.extui %sign3A_1082 : i1 to i32
        %sign3A_1084 = arith.constant 0 : i32
        %sign3A_1085 = arith.cmpi slt, %jit3A_1072, %sign3A_1084 : i32
        %sign3A_1086 = arith.extui %sign3A_1085 : i1 to i32
        %sign3A_1087 = arith.subi %sign3A_1083, %sign3A_1086 : i32
        %ne3A_1088 = arith.cmpi ne, %sign3A_1080, %sign3A_1087 : i32
        %rem3A_1089 = arith.remsi %add3A_1045, %jit3A_1072 : i32
        %ne3A_1090 = arith.constant 0 : i32
        %ne3A_1091 = arith.cmpi ne, %rem3A_1089, %ne3A_1090 : i32
        %and3A_1092 = arith.andi %ne3A_1088, %ne3A_1091 : i1
        %sub3A_1093 = arith.constant 1 : i32
        %sub3A_1094 = arith.subi %div3A_1073, %sub3A_1093 : i32
        %select_n3A_1095 = arith.select %and3A_1092, %sub3A_1094, %div3A_1073 : i32
        %rem3A_1096 = arith.constant 4 : i32
        %rem3A_1097 = arith.remsi %select_n3A_1095, %rem3A_1096 : i32
        %rem3A_1098 = arith.constant 4 : i32
        %rem3A_1099 = arith.remsi %add3A_1045, %rem3A_1098 : i32
        %mul3A_1100 = arith.constant 128 : i32
        %mul3A_1101 = arith.muli %rem3A_1099, %mul3A_1100 : i32
        %dma_start3A_1102 = tpu.memref_slice %arg6[%rem3A_1071, %rem3A_1097, %mul3A_1101] : memref<2x4x512xi32, #tpu.memory_space<vmem>> -> memref<1x1x128xi32, #tpu.memory_space<vmem>>
        %dma_start3A_1103 = tpu.memref_squeeze %dma_start3A_1102 : memref<1x1x128xi32, #tpu.memory_space<vmem>> -> memref<128xi32, #tpu.memory_space<vmem>>
        %dma_start3A_1104 = arith.constant 0 : i32
        %dma_start3A_1105 = arith.constant 0 : i32
        %dma_start3A_1106 = tpu.memref_slice %arg3[%dma_start3A_1104, %dma_start3A_1105] : memref<500000x128xf32, #tpu.memory_space<hbm>> -> memref<500000x128xf32, #tpu.memory_space<hbm>>
        tpu.enqueue_indirect_dma source(%dma_start3A_1106 : memref<500000x128xf32, #tpu.memory_space<hbm>>) target(%arg7 : memref<128x128xf32, #tpu.memory_space<vmem>>) offsets(%dma_start3A_1103 : memref<128xi32, #tpu.memory_space<vmem>>) semaphore(%arg14 : memref<!tpu.dma_semaphore, #tpu.memory_space<semaphore_mem>>)
      } else {
      }
      %ge3A_397 = arith.constant 2 : i32
      %ge3A_398 = arith.cmpi sge, %add3A_381, %ge3A_397 : i32
      %convert_element_type3A_399 = arith.extui %ge3A_398 : i1 to i32
      %cond3A_400 = arith.constant 0 : i32
      %cond3A_401 = arith.cmpi ne, %convert_element_type3A_399, %cond3A_400 : i32
      scf.if %cond3A_401 {
        %dma_wait3A_1035 = arith.constant 0 : i32
        %dma_wait3A_1036 = arith.constant 0 : i32
        %dma_wait3A_1037 = arith.constant 0 : i32
        %dma_wait3A_1038 = arith.constant 0 : i32
        %dma_wait3A_1039 = arith.constant 0 : i32
        %dma_wait3A_1040 = tpu.memref_slice %arg4[%dma_wait3A_1035, %dma_wait3A_1037, %dma_wait3A_1036, %dma_wait3A_1038, %dma_wait3A_1039] : memref<200x8x128x8x128xf32, #tpu.memory_space<hbm>> -> memref<1x8x1x8x128xf32, #tpu.memory_space<hbm>>
        %dma_wait3A_1041 = tpu.memref_squeeze %dma_wait3A_1040 : memref<1x8x1x8x128xf32, #tpu.memory_space<hbm>> -> memref<8x8x128xf32, #tpu.memory_space<hbm>>
        %dma_wait3A_1042 = arith.constant 0 : i32
        %dma_wait3A_1043 = arith.constant 0 : i32
        %dma_wait3A_1044 = arith.constant 0 : i32
        %dma_wait3A_1045 = tpu.memref_slice %arg4[%dma_wait3A_1035, %dma_wait3A_1042, %dma_wait3A_1036, %dma_wait3A_1043, %dma_wait3A_1044] : memref<200x8x128x8x128xf32, #tpu.memory_space<hbm>> -> memref<1x8x1x8x128xf32, #tpu.memory_space<hbm>>
        %dma_wait3A_1046 = tpu.memref_squeeze %dma_wait3A_1045 : memref<1x8x1x8x128xf32, #tpu.memory_space<hbm>> -> memref<8x8x128xf32, #tpu.memory_space<hbm>>
        tpu.wait_dma2 semaphore(%arg19 : memref<!tpu.dma_semaphore, #tpu.memory_space<semaphore_mem>>) src(%arg12 : memref<8x8x128xf32, #tpu.memory_space<vmem>>) dst(%dma_wait3A_1046 : memref<8x8x128xf32, #tpu.memory_space<hbm>>)
      } else {
      }
      %jit3A_402 = arith.constant 16 : i32
      %div3A_403 = arith.divsi %add3A_381, %jit3A_402 : i32
      %sign3A_404 = arith.constant 0 : i32
      %sign3A_405 = arith.cmpi sgt, %add3A_381, %sign3A_404 : i32
      %sign3A_406 = arith.extui %sign3A_405 : i1 to i32
      %sign3A_407 = arith.constant 0 : i32
      %sign3A_408 = arith.cmpi slt, %add3A_381, %sign3A_407 : i32
      %sign3A_409 = arith.extui %sign3A_408 : i1 to i32
      %sign3A_410 = arith.subi %sign3A_406, %sign3A_409 : i32
      %sign3A_411 = arith.constant 0 : i32
      %sign3A_412 = arith.cmpi sgt, %jit3A_402, %sign3A_411 : i32
      %sign3A_413 = arith.extui %sign3A_412 : i1 to i32
      %sign3A_414 = arith.constant 0 : i32
      %sign3A_415 = arith.cmpi slt, %jit3A_402, %sign3A_414 : i32
      %sign3A_416 = arith.extui %sign3A_415 : i1 to i32
      %sign3A_417 = arith.subi %sign3A_413, %sign3A_416 : i32
      %ne3A_418 = arith.cmpi ne, %sign3A_410, %sign3A_417 : i32
      %rem3A_419 = arith.remsi %add3A_381, %jit3A_402 : i32
      %ne3A_420 = arith.constant 0 : i32
      %ne3A_421 = arith.cmpi ne, %rem3A_419, %ne3A_420 : i32
      %and3A_422 = arith.andi %ne3A_418, %ne3A_421 : i1
      %sub3A_423 = arith.constant 1 : i32
      %sub3A_424 = arith.subi %div3A_403, %sub3A_423 : i32
      %select_n3A_425 = arith.select %and3A_422, %sub3A_424, %div3A_403 : i32
      %rem3A_426 = arith.constant 2 : i32
      %rem3A_427 = arith.remsi %select_n3A_425, %rem3A_426 : i32
      %jit3A_428 = arith.constant 4 : i32
      %div3A_429 = arith.divsi %add3A_381, %jit3A_428 : i32
      %sign3A_430 = arith.constant 0 : i32
      %sign3A_431 = arith.cmpi sgt, %add3A_381, %sign3A_430 : i32
      %sign3A_432 = arith.extui %sign3A_431 : i1 to i32
      %sign3A_433 = arith.constant 0 : i32
      %sign3A_434 = arith.cmpi slt, %add3A_381, %sign3A_433 : i32
      %sign3A_435 = arith.extui %sign3A_434 : i1 to i32
      %sign3A_436 = arith.subi %sign3A_432, %sign3A_435 : i32
      %sign3A_437 = arith.constant 0 : i32
      %sign3A_438 = arith.cmpi sgt, %jit3A_428, %sign3A_437 : i32
      %sign3A_439 = arith.extui %sign3A_438 : i1 to i32
      %sign3A_440 = arith.constant 0 : i32
      %sign3A_441 = arith.cmpi slt, %jit3A_428, %sign3A_440 : i32
      %sign3A_442 = arith.extui %sign3A_441 : i1 to i32
      %sign3A_443 = arith.subi %sign3A_439, %sign3A_442 : i32
      %ne3A_444 = arith.cmpi ne, %sign3A_436, %sign3A_443 : i32
      %rem3A_445 = arith.remsi %add3A_381, %jit3A_428 : i32
      %ne3A_446 = arith.constant 0 : i32
      %ne3A_447 = arith.cmpi ne, %rem3A_445, %ne3A_446 : i32
      %and3A_448 = arith.andi %ne3A_444, %ne3A_447 : i1
      %sub3A_449 = arith.constant 1 : i32
      %sub3A_450 = arith.subi %div3A_429, %sub3A_449 : i32
      %select_n3A_451 = arith.select %and3A_448, %sub3A_450, %div3A_429 : i32
      %rem3A_452 = arith.constant 4 : i32
      %rem3A_453 = arith.remsi %select_n3A_451, %rem3A_452 : i32
      %rem3A_454 = arith.constant 4 : i32
      %rem3A_455 = arith.remsi %add3A_381, %rem3A_454 : i32
      %mul3A_456 = arith.constant 128 : i32
      %mul3A_457 = arith.muli %rem3A_455, %mul3A_456 : i32
      %add3A_458 = arith.constant 0 : i32
      %add3A_459 = arith.addi %mul3A_457, %add3A_458 : i32
      %get3A_460 = arith.index_cast %rem3A_427 : i32 to index
      %get3A_461 = arith.index_cast %rem3A_453 : i32 to index
      %get3A_462 = arith.index_cast %add3A_459 : i32 to index
      %get3A_463 = tpu.vector_load %arg5[%get3A_460, %get3A_461, %get3A_462] {strides = array<i32>} : memref<2x4x512xi32, #tpu.memory_space<vmem>>, vector<16xi32>,
      %and3A_464 = arith.constant 1 : i32
      %and3A_465 = vector.broadcast %and3A_464 : i32 to vector<16xi32>
      %and3A_466 = arith.andi %get3A_463, %and3A_465 : vector<16xi32>
      %shift_left3A_467 = arith.constant 6 : i32
      %shift_left3A_468 = vector.broadcast %shift_left3A_467 : i32 to vector<16xi32>
      %shift_left3A_469 = arith.shli %and3A_466, %shift_left3A_468 : vector<16xi32>
      %add3A_470 = arith.constant 16 : i32
      %add3A_471 = arith.addi %mul3A_457, %add3A_470 : i32
      %get3A_472 = arith.index_cast %rem3A_427 : i32 to index
      %get3A_473 = arith.index_cast %rem3A_453 : i32 to index
      %get3A_474 = arith.index_cast %add3A_471 : i32 to index
      %get3A_475 = tpu.vector_load %arg5[%get3A_472, %get3A_473, %get3A_474] {strides = array<i32>} : memref<2x4x512xi32, #tpu.memory_space<vmem>>, vector<16xi32>,
      %and3A_476 = arith.constant 1 : i32
      %and3A_477 = vector.broadcast %and3A_476 : i32 to vector<16xi32>
      %and3A_478 = arith.andi %get3A_475, %and3A_477 : vector<16xi32>
      %shift_left3A_479 = arith.constant 6 : i32
      %shift_left3A_480 = vector.broadcast %shift_left3A_479 : i32 to vector<16xi32>
      %shift_left3A_481 = arith.shli %and3A_478, %shift_left3A_480 : vector<16xi32>
      %add3A_482 = arith.constant 32 : i32
      %add3A_483 = arith.addi %mul3A_457, %add3A_482 : i32
      %get3A_484 = arith.index_cast %rem3A_427 : i32 to index
      %get3A_485 = arith.index_cast %rem3A_453 : i32 to index
      %get3A_486 = arith.index_cast %add3A_483 : i32 to index
      %get3A_487 = tpu.vector_load %arg5[%get3A_484, %get3A_485, %get3A_486] {strides = array<i32>} : memref<2x4x512xi32, #tpu.memory_space<vmem>>, vector<16xi32>,
      %and3A_488 = arith.constant 1 : i32
      %and3A_489 = vector.broadcast %and3A_488 : i32 to vector<16xi32>
      %and3A_490 = arith.andi %get3A_487, %and3A_489 : vector<16xi32>
      %shift_left3A_491 = arith.constant 6 : i32
      %shift_left3A_492 = vector.broadcast %shift_left3A_491 : i32 to vector<16xi32>
      %shift_left3A_493 = arith.shli %and3A_490, %shift_left3A_492 : vector<16xi32>
      %add3A_494 = arith.constant 48 : i32
      %add3A_495 = arith.addi %mul3A_457, %add3A_494 : i32
      %get3A_496 = arith.index_cast %rem3A_427 : i32 to index
      %get3A_497 = arith.index_cast %rem3A_453 : i32 to index
      %get3A_498 = arith.index_cast %add3A_495 : i32 to index
      %get3A_499 = tpu.vector_load %arg5[%get3A_496, %get3A_497, %get3A_498] {strides = array<i32>} : memref<2x4x512xi32, #tpu.memory_space<vmem>>, vector<16xi32>,
      %and3A_500 = arith.constant 1 : i32
      %and3A_501 = vector.broadcast %and3A_500 : i32 to vector<16xi32>
      %and3A_502 = arith.andi %get3A_499, %and3A_501 : vector<16xi32>
      %shift_left3A_503 = arith.constant 6 : i32
      %shift_left3A_504 = vector.broadcast %shift_left3A_503 : i32 to vector<16xi32>
      %shift_left3A_505 = arith.shli %and3A_502, %shift_left3A_504 : vector<16xi32>
      %add3A_506 = arith.constant 64 : i32
      %add3A_507 = arith.addi %mul3A_457, %add3A_506 : i32
      %get3A_508 = arith.index_cast %rem3A_427 : i32 to index
      %get3A_509 = arith.index_cast %rem3A_453 : i32 to index
      %get3A_510 = arith.index_cast %add3A_507 : i32 to index
      %get3A_511 = tpu.vector_load %arg5[%get3A_508, %get3A_509, %get3A_510] {strides = array<i32>} : memref<2x4x512xi32, #tpu.memory_space<vmem>>, vector<16xi32>,
      %and3A_512 = arith.constant 1 : i32
      %and3A_513 = vector.broadcast %and3A_512 : i32 to vector<16xi32>
      %and3A_514 = arith.andi %get3A_511, %and3A_513 : vector<16xi32>
      %shift_left3A_515 = arith.constant 6 : i32
      %shift_left3A_516 = vector.broadcast %shift_left3A_515 : i32 to vector<16xi32>
      %shift_left3A_517 = arith.shli %and3A_514, %shift_left3A_516 : vector<16xi32>
      %add3A_518 = arith.constant 80 : i32
      %add3A_519 = arith.addi %mul3A_457, %add3A_518 : i32
      %get3A_520 = arith.index_cast %rem3A_427 : i32 to index
      %get3A_521 = arith.index_cast %rem3A_453 : i32 to index
      %get3A_522 = arith.index_cast %add3A_519 : i32 to index
      %get3A_523 = tpu.vector_load %arg5[%get3A_520, %get3A_521, %get3A_522] {strides = array<i32>} : memref<2x4x512xi32, #tpu.memory_space<vmem>>, vector<16xi32>,
      %and3A_524 = arith.constant 1 : i32
      %and3A_525 = vector.broadcast %and3A_524 : i32 to vector<16xi32>
      %and3A_526 = arith.andi %get3A_523, %and3A_525 : vector<16xi32>
      %shift_left3A_527 = arith.constant 6 : i32
      %shift_left3A_528 = vector.broadcast %shift_left3A_527 : i32 to vector<16xi32>
      %shift_left3A_529 = arith.shli %and3A_526, %shift_left3A_528 : vector<16xi32>
      %add3A_530 = arith.constant 96 : i32
      %add3A_531 = arith.addi %mul3A_457, %add3A_530 : i32
      %get3A_532 = arith.index_cast %rem3A_427 : i32 to index
      %get3A_533 = arith.index_cast %rem3A_453 : i32 to index
      %get3A_534 = arith.index_cast %add3A_531 : i32 to index
      %get3A_535 = tpu.vector_load %arg5[%get3A_532, %get3A_533, %get3A_534] {strides = array<i32>} : memref<2x4x512xi32, #tpu.memory_space<vmem>>, vector<16xi32>,
      %and3A_536 = arith.constant 1 : i32
      %and3A_537 = vector.broadcast %and3A_536 : i32 to vector<16xi32>
      %and3A_538 = arith.andi %get3A_535, %and3A_537 : vector<16xi32>
      %shift_left3A_539 = arith.constant 6 : i32
      %shift_left3A_540 = vector.broadcast %shift_left3A_539 : i32 to vector<16xi32>
      %shift_left3A_541 = arith.shli %and3A_538, %shift_left3A_540 : vector<16xi32>
      %add3A_542 = arith.constant 112 : i32
      %add3A_543 = arith.addi %mul3A_457, %add3A_542 : i32
      %get3A_544 = arith.index_cast %rem3A_427 : i32 to index
      %get3A_545 = arith.index_cast %rem3A_453 : i32 to index
      %get3A_546 = arith.index_cast %add3A_543 : i32 to index
      %get3A_547 = tpu.vector_load %arg5[%get3A_544, %get3A_545, %get3A_546] {strides = array<i32>} : memref<2x4x512xi32, #tpu.memory_space<vmem>>, vector<16xi32>,
      %and3A_548 = arith.constant 1 : i32
      %and3A_549 = vector.broadcast %and3A_548 : i32 to vector<16xi32>
      %and3A_550 = arith.andi %get3A_547, %and3A_549 : vector<16xi32>
      %shift_left3A_551 = arith.constant 6 : i32
      %shift_left3A_552 = vector.broadcast %shift_left3A_551 : i32 to vector<16xi32>
      %shift_left3A_553 = arith.shli %and3A_550, %shift_left3A_552 : vector<16xi32>
      %scan3A_554 = arith.constant 0 : i32
      %scan3A_555 = arith.constant 0 : i32
      %scan3A_556 = arith.constant 16 : i32
      %scan3A_557 = arith.addi %scan3A_555, %scan3A_556 : i32
      %scan3A_558 = arith.constant 1 : i32
      scf.for %scan3A_1035 = %scan3A_555 to %scan3A_557 step %scan3A_558  : i32 {
        %add3A_1036 = vector.broadcast %scan3A_1035 : i32 to vector<16xi32>
        %add3A_1037 = arith.addi %iota3A, %add3A_1036 : vector<16xi32>
        %rem3A_1038 = arith.remsi %add3A_1037, %broadcast_in_dim3A_29 : vector<16xi32>
        %add3A_1039 = arith.constant 0 : i32
        %add3A_1040 = vector.broadcast %add3A_1039 : i32 to vector<16xi32>
        %add3A_1041 = arith.addi %rem3A_1038, %add3A_1040 : vector<16xi32>
        %shift_right_logical3A = arith.constant 3 : i32
        %shift_right_logical3A_1042 = vector.broadcast %shift_right_logical3A : i32 to vector<16xi32>
        %shift_right_logical3A_1043 = arith.shrui %add3A_1041, %shift_right_logical3A_1042 : vector<16xi32>
        %and3A_1044 = arith.constant 7 : i32
        %and3A_1045 = vector.broadcast %and3A_1044 : i32 to vector<16xi32>
        %and3A_1046 = arith.andi %add3A_1041, %and3A_1045 : vector<16xi32>
        %add3A_1047 = arith.addi %add3A_1041, %shift_left3A_469 : vector<16xi32>
        %gather3A = tpu.vector_load_idx %arg8[%add3A_7, %add3A_1047] : memref<128x128xf32, #tpu.memory_space<vmem>>[vector<16xi32>, vector<16xi32>], vector<16xf32>,
        %add3A_1048 = arith.addi %add3A_1041, %shift_left3A_481 : vector<16xi32>
        %gather3A_1049 = tpu.vector_load_idx %arg8[%add3A_10, %add3A_1048] : memref<128x128xf32, #tpu.memory_space<vmem>>[vector<16xi32>, vector<16xi32>], vector<16xf32>,
        %add3A_1050 = arith.addi %add3A_1041, %shift_left3A_493 : vector<16xi32>
        %gather3A_1051 = tpu.vector_load_idx %arg8[%add3A_13, %add3A_1050] : memref<128x128xf32, #tpu.memory_space<vmem>>[vector<16xi32>, vector<16xi32>], vector<16xf32>,
        %add3A_1052 = arith.addi %add3A_1041, %shift_left3A_505 : vector<16xi32>
        %gather3A_1053 = tpu.vector_load_idx %arg8[%add3A_16, %add3A_1052] : memref<128x128xf32, #tpu.memory_space<vmem>>[vector<16xi32>, vector<16xi32>], vector<16xf32>,
        %add3A_1054 = arith.addi %add3A_1041, %shift_left3A_517 : vector<16xi32>
        %gather3A_1055 = tpu.vector_load_idx %arg8[%add3A_19, %add3A_1054] : memref<128x128xf32, #tpu.memory_space<vmem>>[vector<16xi32>, vector<16xi32>], vector<16xf32>,
        %add3A_1056 = arith.addi %add3A_1041, %shift_left3A_529 : vector<16xi32>
        %gather3A_1057 = tpu.vector_load_idx %arg8[%add3A_22, %add3A_1056] : memref<128x128xf32, #tpu.memory_space<vmem>>[vector<16xi32>, vector<16xi32>], vector<16xf32>,
        %add3A_1058 = arith.addi %add3A_1041, %shift_left3A_541 : vector<16xi32>
        %gather3A_1059 = tpu.vector_load_idx %arg8[%add3A_25, %add3A_1058] : memref<128x128xf32, #tpu.memory_space<vmem>>[vector<16xi32>, vector<16xi32>], vector<16xf32>,
        %add3A_1060 = arith.addi %add3A_1041, %shift_left3A_553 : vector<16xi32>
        %gather3A_1061 = tpu.vector_load_idx %arg8[%add3A_28, %add3A_1060] : memref<128x128xf32, #tpu.memory_space<vmem>>[vector<16xi32>, vector<16xi32>], vector<16xf32>,
        %add3A_1062 = arith.constant 16 : i32
        %add3A_1063 = vector.broadcast %add3A_1062 : i32 to vector<16xi32>
        %add3A_1064 = arith.addi %rem3A_1038, %add3A_1063 : vector<16xi32>
        %shift_right_logical3A_1065 = arith.constant 3 : i32
        %shift_right_logical3A_1066 = vector.broadcast %shift_right_logical3A_1065 : i32 to vector<16xi32>
        %shift_right_logical3A_1067 = arith.shrui %add3A_1064, %shift_right_logical3A_1066 : vector<16xi32>
        %and3A_1068 = arith.constant 7 : i32
        %and3A_1069 = vector.broadcast %and3A_1068 : i32 to vector<16xi32>
        %and3A_1070 = arith.andi %add3A_1064, %and3A_1069 : vector<16xi32>
        %add3A_1071 = arith.addi %add3A_1064, %shift_left3A_469 : vector<16xi32>
        %gather3A_1072 = tpu.vector_load_idx %arg8[%add3A_7, %add3A_1071] : memref<128x128xf32, #tpu.memory_space<vmem>>[vector<16xi32>, vector<16xi32>], vector<16xf32>,
        %add3A_1073 = arith.addi %add3A_1064, %shift_left3A_481 : vector<16xi32>
        %gather3A_1074 = tpu.vector_load_idx %arg8[%add3A_10, %add3A_1073] : memref<128x128xf32, #tpu.memory_space<vmem>>[vector<16xi32>, vector<16xi32>], vector<16xf32>,
        %add3A_1075 = arith.addi %add3A_1064, %shift_left3A_493 : vector<16xi32>
        %gather3A_1076 = tpu.vector_load_idx %arg8[%add3A_13, %add3A_1075] : memref<128x128xf32, #tpu.memory_space<vmem>>[vector<16xi32>, vector<16xi32>], vector<16xf32>,
        %add3A_1077 = arith.addi %add3A_1064, %shift_left3A_505 : vector<16xi32>
        %gather3A_1078 = tpu.vector_load_idx %arg8[%add3A_16, %add3A_1077] : memref<128x128xf32, #tpu.memory_space<vmem>>[vector<16xi32>, vector<16xi32>], vector<16xf32>,
        %add3A_1079 = arith.addi %add3A_1064, %shift_left3A_517 : vector<16xi32>
        %gather3A_1080 = tpu.vector_load_idx %arg8[%add3A_19, %add3A_1079] : memref<128x128xf32, #tpu.memory_space<vmem>>[vector<16xi32>, vector<16xi32>], vector<16xf32>,
        %add3A_1081 = arith.addi %add3A_1064, %shift_left3A_529 : vector<16xi32>
        %gather3A_1082 = tpu.vector_load_idx %arg8[%add3A_22, %add3A_1081] : memref<128x128xf32, #tpu.memory_space<vmem>>[vector<16xi32>, vector<16xi32>], vector<16xf32>,
        %add3A_1083 = arith.addi %add3A_1064, %shift_left3A_541 : vector<16xi32>
        %gather3A_1084 = tpu.vector_load_idx %arg8[%add3A_25, %add3A_1083] : memref<128x128xf32, #tpu.memory_space<vmem>>[vector<16xi32>, vector<16xi32>], vector<16xf32>,
        %add3A_1085 = arith.addi %add3A_1064, %shift_left3A_553 : vector<16xi32>
        %gather3A_1086 = tpu.vector_load_idx %arg8[%add3A_28, %add3A_1085] : memref<128x128xf32, #tpu.memory_space<vmem>>[vector<16xi32>, vector<16xi32>], vector<16xf32>,
        tpu.vector_store_idx %arg12[%shift_right_logical3A_1043, %and3A_1046, %add3A_7], %gather3A : memref<8x8x128xf32, #tpu.memory_space<vmem>>[vector<16xi32>, vector<16xi32>, vector<16xi32>], vector<16xf32>,
        tpu.vector_store_idx %arg12[%shift_right_logical3A_1043, %and3A_1046, %add3A_10], %gather3A_1049 : memref<8x8x128xf32, #tpu.memory_space<vmem>>[vector<16xi32>, vector<16xi32>, vector<16xi32>], vector<16xf32>,
        tpu.vector_store_idx %arg12[%shift_right_logical3A_1043, %and3A_1046, %add3A_13], %gather3A_1051 : memref<8x8x128xf32, #tpu.memory_space<vmem>>[vector<16xi32>, vector<16xi32>, vector<16xi32>], vector<16xf32>,
        tpu.vector_store_idx %arg12[%shift_right_logical3A_1043, %and3A_1046, %add3A_16], %gather3A_1053 : memref<8x8x128xf32, #tpu.memory_space<vmem>>[vector<16xi32>, vector<16xi32>, vector<16xi32>], vector<16xf32>,
        tpu.vector_store_idx %arg12[%shift_right_logical3A_1043, %and3A_1046, %add3A_19], %gather3A_1055 : memref<8x8x128xf32, #tpu.memory_space<vmem>>[vector<16xi32>, vector<16xi32>, vector<16xi32>], vector<16xf32>,
        tpu.vector_store_idx %arg12[%shift_right_logical3A_1043, %and3A_1046, %add3A_22], %gather3A_1057 : memref<8x8x128xf32, #tpu.memory_space<vmem>>[vector<16xi32>, vector<16xi32>, vector<16xi32>], vector<16xf32>,
        tpu.vector_store_idx %arg12[%shift_right_logical3A_1043, %and3A_1046, %add3A_25], %gather3A_1059 : memref<8x8x128xf32, #tpu.memory_space<vmem>>[vector<16xi32>, vector<16xi32>, vector<16xi32>], vector<16xf32>,
        tpu.vector_store_idx %arg12[%shift_right_logical3A_1043, %and3A_1046, %add3A_28], %gather3A_1061 : memref<8x8x128xf32, #tpu.memory_space<vmem>>[vector<16xi32>, vector<16xi32>, vector<16xi32>], vector<16xf32>,
        tpu.vector_store_idx %arg12[%shift_right_logical3A_1067, %and3A_1070, %add3A_7], %gather3A_1072 : memref<8x8x128xf32, #tpu.memory_space<vmem>>[vector<16xi32>, vector<16xi32>, vector<16xi32>], vector<16xf32>,
        tpu.vector_store_idx %arg12[%shift_right_logical3A_1067, %and3A_1070, %add3A_10], %gather3A_1074 : memref<8x8x128xf32, #tpu.memory_space<vmem>>[vector<16xi32>, vector<16xi32>, vector<16xi32>], vector<16xf32>,
        tpu.vector_store_idx %arg12[%shift_right_logical3A_1067, %and3A_1070, %add3A_13], %gather3A_1076 : memref<8x8x128xf32, #tpu.memory_space<vmem>>[vector<16xi32>, vector<16xi32>, vector<16xi32>], vector<16xf32>,
        tpu.vector_store_idx %arg12[%shift_right_logical3A_1067, %and3A_1070, %add3A_16], %gather3A_1078 : memref<8x8x128xf32, #tpu.memory_space<vmem>>[vector<16xi32>, vector<16xi32>, vector<16xi32>], vector<16xf32>,
        tpu.vector_store_idx %arg12[%shift_right_logical3A_1067, %and3A_1070, %add3A_19], %gather3A_1080 : memref<8x8x128xf32, #tpu.memory_space<vmem>>[vector<16xi32>, vector<16xi32>, vector<16xi32>], vector<16xf32>,
        tpu.vector_store_idx %arg12[%shift_right_logical3A_1067, %and3A_1070, %add3A_22], %gather3A_1082 : memref<8x8x128xf32, #tpu.memory_space<vmem>>[vector<16xi32>, vector<16xi32>, vector<16xi32>], vector<16xf32>,
        tpu.vector_store_idx %arg12[%shift_right_logical3A_1067, %and3A_1070, %add3A_25], %gather3A_1084 : memref<8x8x128xf32, #tpu.memory_space<vmem>>[vector<16xi32>, vector<16xi32>, vector<16xi32>], vector<16xf32>,
        tpu.vector_store_idx %arg12[%shift_right_logical3A_1067, %and3A_1070, %add3A_28], %gather3A_1086 : memref<8x8x128xf32, #tpu.memory_space<vmem>>[vector<16xi32>, vector<16xi32>, vector<16xi32>], vector<16xf32>,
        %add3A_1087 = arith.constant 32 : i32
        %add3A_1088 = vector.broadcast %add3A_1087 : i32 to vector<16xi32>
        %add3A_1089 = arith.addi %rem3A_1038, %add3A_1088 : vector<16xi32>
        %shift_right_logical3A_1090 = arith.constant 3 : i32
        %shift_right_logical3A_1091 = vector.broadcast %shift_right_logical3A_1090 : i32 to vector<16xi32>
        %shift_right_logical3A_1092 = arith.shrui %add3A_1089, %shift_right_logical3A_1091 : vector<16xi32>
        %and3A_1093 = arith.constant 7 : i32
        %and3A_1094 = vector.broadcast %and3A_1093 : i32 to vector<16xi32>
        %and3A_1095 = arith.andi %add3A_1089, %and3A_1094 : vector<16xi32>
        %add3A_1096 = arith.addi %add3A_1089, %shift_left3A_469 : vector<16xi32>
        %gather3A_1097 = tpu.vector_load_idx %arg8[%add3A_7, %add3A_1096] : memref<128x128xf32, #tpu.memory_space<vmem>>[vector<16xi32>, vector<16xi32>], vector<16xf32>,
        %add3A_1098 = arith.addi %add3A_1089, %shift_left3A_481 : vector<16xi32>
        %gather3A_1099 = tpu.vector_load_idx %arg8[%add3A_10, %add3A_1098] : memref<128x128xf32, #tpu.memory_space<vmem>>[vector<16xi32>, vector<16xi32>], vector<16xf32>,
        %add3A_1100 = arith.addi %add3A_1089, %shift_left3A_493 : vector<16xi32>
        %gather3A_1101 = tpu.vector_load_idx %arg8[%add3A_13, %add3A_1100] : memref<128x128xf32, #tpu.memory_space<vmem>>[vector<16xi32>, vector<16xi32>], vector<16xf32>,
        %add3A_1102 = arith.addi %add3A_1089, %shift_left3A_505 : vector<16xi32>
        %gather3A_1103 = tpu.vector_load_idx %arg8[%add3A_16, %add3A_1102] : memref<128x128xf32, #tpu.memory_space<vmem>>[vector<16xi32>, vector<16xi32>], vector<16xf32>,
        %add3A_1104 = arith.addi %add3A_1089, %shift_left3A_517 : vector<16xi32>
        %gather3A_1105 = tpu.vector_load_idx %arg8[%add3A_19, %add3A_1104] : memref<128x128xf32, #tpu.memory_space<vmem>>[vector<16xi32>, vector<16xi32>], vector<16xf32>,
        %add3A_1106 = arith.addi %add3A_1089, %shift_left3A_529 : vector<16xi32>
        %gather3A_1107 = tpu.vector_load_idx %arg8[%add3A_22, %add3A_1106] : memref<128x128xf32, #tpu.memory_space<vmem>>[vector<16xi32>, vector<16xi32>], vector<16xf32>,
        %add3A_1108 = arith.addi %add3A_1089, %shift_left3A_541 : vector<16xi32>
        %gather3A_1109 = tpu.vector_load_idx %arg8[%add3A_25, %add3A_1108] : memref<128x128xf32, #tpu.memory_space<vmem>>[vector<16xi32>, vector<16xi32>], vector<16xf32>,
        %add3A_1110 = arith.addi %add3A_1089, %shift_left3A_553 : vector<16xi32>
        %gather3A_1111 = tpu.vector_load_idx %arg8[%add3A_28, %add3A_1110] : memref<128x128xf32, #tpu.memory_space<vmem>>[vector<16xi32>, vector<16xi32>], vector<16xf32>,
        %add3A_1112 = arith.constant 48 : i32
        %add3A_1113 = vector.broadcast %add3A_1112 : i32 to vector<16xi32>
        %add3A_1114 = arith.addi %rem3A_1038, %add3A_1113 : vector<16xi32>
        %shift_right_logical3A_1115 = arith.constant 3 : i32
        %shift_right_logical3A_1116 = vector.broadcast %shift_right_logical3A_1115 : i32 to vector<16xi32>
        %shift_right_logical3A_1117 = arith.shrui %add3A_1114, %shift_right_logical3A_1116 : vector<16xi32>
        %and3A_1118 = arith.constant 7 : i32
        %and3A_1119 = vector.broadcast %and3A_1118 : i32 to vector<16xi32>
        %and3A_1120 = arith.andi %add3A_1114, %and3A_1119 : vector<16xi32>
        %add3A_1121 = arith.addi %add3A_1114, %shift_left3A_469 : vector<16xi32>
        %gather3A_1122 = tpu.vector_load_idx %arg8[%add3A_7, %add3A_1121] : memref<128x128xf32, #tpu.memory_space<vmem>>[vector<16xi32>, vector<16xi32>], vector<16xf32>,
        %add3A_1123 = arith.addi %add3A_1114, %shift_left3A_481 : vector<16xi32>
        %gather3A_1124 = tpu.vector_load_idx %arg8[%add3A_10, %add3A_1123] : memref<128x128xf32, #tpu.memory_space<vmem>>[vector<16xi32>, vector<16xi32>], vector<16xf32>,
        %add3A_1125 = arith.addi %add3A_1114, %shift_left3A_493 : vector<16xi32>
        %gather3A_1126 = tpu.vector_load_idx %arg8[%add3A_13, %add3A_1125] : memref<128x128xf32, #tpu.memory_space<vmem>>[vector<16xi32>, vector<16xi32>], vector<16xf32>,
        %add3A_1127 = arith.addi %add3A_1114, %shift_left3A_505 : vector<16xi32>
        %gather3A_1128 = tpu.vector_load_idx %arg8[%add3A_16, %add3A_1127] : memref<128x128xf32, #tpu.memory_space<vmem>>[vector<16xi32>, vector<16xi32>], vector<16xf32>,
        %add3A_1129 = arith.addi %add3A_1114, %shift_left3A_517 : vector<16xi32>
        %gather3A_1130 = tpu.vector_load_idx %arg8[%add3A_19, %add3A_1129] : memref<128x128xf32, #tpu.memory_space<vmem>>[vector<16xi32>, vector<16xi32>], vector<16xf32>,
        %add3A_1131 = arith.addi %add3A_1114, %shift_left3A_529 : vector<16xi32>
        %gather3A_1132 = tpu.vector_load_idx %arg8[%add3A_22, %add3A_1131] : memref<128x128xf32, #tpu.memory_space<vmem>>[vector<16xi32>, vector<16xi32>], vector<16xf32>,
        %add3A_1133 = arith.addi %add3A_1114, %shift_left3A_541 : vector<16xi32>
        %gather3A_1134 = tpu.vector_load_idx %arg8[%add3A_25, %add3A_1133] : memref<128x128xf32, #tpu.memory_space<vmem>>[vector<16xi32>, vector<16xi32>], vector<16xf32>,
        %add3A_1135 = arith.addi %add3A_1114, %shift_left3A_553 : vector<16xi32>
        %gather3A_1136 = tpu.vector_load_idx %arg8[%add3A_28, %add3A_1135] : memref<128x128xf32, #tpu.memory_space<vmem>>[vector<16xi32>, vector<16xi32>], vector<16xf32>,
        tpu.vector_store_idx %arg12[%shift_right_logical3A_1092, %and3A_1095, %add3A_7], %gather3A_1097 : memref<8x8x128xf32, #tpu.memory_space<vmem>>[vector<16xi32>, vector<16xi32>, vector<16xi32>], vector<16xf32>,
        tpu.vector_store_idx %arg12[%shift_right_logical3A_1092, %and3A_1095, %add3A_10], %gather3A_1099 : memref<8x8x128xf32, #tpu.memory_space<vmem>>[vector<16xi32>, vector<16xi32>, vector<16xi32>], vector<16xf32>,
        tpu.vector_store_idx %arg12[%shift_right_logical3A_1092, %and3A_1095, %add3A_13], %gather3A_1101 : memref<8x8x128xf32, #tpu.memory_space<vmem>>[vector<16xi32>, vector<16xi32>, vector<16xi32>], vector<16xf32>,
        tpu.vector_store_idx %arg12[%shift_right_logical3A_1092, %and3A_1095, %add3A_16], %gather3A_1103 : memref<8x8x128xf32, #tpu.memory_space<vmem>>[vector<16xi32>, vector<16xi32>, vector<16xi32>], vector<16xf32>,
        tpu.vector_store_idx %arg12[%shift_right_logical3A_1092, %and3A_1095, %add3A_19], %gather3A_1105 : memref<8x8x128xf32, #tpu.memory_space<vmem>>[vector<16xi32>, vector<16xi32>, vector<16xi32>], vector<16xf32>,
        tpu.vector_store_idx %arg12[%shift_right_logical3A_1092, %and3A_1095, %add3A_22], %gather3A_1107 : memref<8x8x128xf32, #tpu.memory_space<vmem>>[vector<16xi32>, vector<16xi32>, vector<16xi32>], vector<16xf32>,
        tpu.vector_store_idx %arg12[%shift_right_logical3A_1092, %and3A_1095, %add3A_25], %gather3A_1109 : memref<8x8x128xf32, #tpu.memory_space<vmem>>[vector<16xi32>, vector<16xi32>, vector<16xi32>], vector<16xf32>,
        tpu.vector_store_idx %arg12[%shift_right_logical3A_1092, %and3A_1095, %add3A_28], %gather3A_1111 : memref<8x8x128xf32, #tpu.memory_space<vmem>>[vector<16xi32>, vector<16xi32>, vector<16xi32>], vector<16xf32>,
        tpu.vector_store_idx %arg12[%shift_right_logical3A_1117, %and3A_1120, %add3A_7], %gather3A_1122 : memref<8x8x128xf32, #tpu.memory_space<vmem>>[vector<16xi32>, vector<16xi32>, vector<16xi32>], vector<16xf32>,
        tpu.vector_store_idx %arg12[%shift_right_logical3A_1117, %and3A_1120, %add3A_10], %gather3A_1124 : memref<8x8x128xf32, #tpu.memory_space<vmem>>[vector<16xi32>, vector<16xi32>, vector<16xi32>], vector<16xf32>,
        tpu.vector_store_idx %arg12[%shift_right_logical3A_1117, %and3A_1120, %add3A_13], %gather3A_1126 : memref<8x8x128xf32, #tpu.memory_space<vmem>>[vector<16xi32>, vector<16xi32>, vector<16xi32>], vector<16xf32>,
        tpu.vector_store_idx %arg12[%shift_right_logical3A_1117, %and3A_1120, %add3A_16], %gather3A_1128 : memref<8x8x128xf32, #tpu.memory_space<vmem>>[vector<16xi32>, vector<16xi32>, vector<16xi32>], vector<16xf32>,
        tpu.vector_store_idx %arg12[%shift_right_logical3A_1117, %and3A_1120, %add3A_19], %gather3A_1130 : memref<8x8x128xf32, #tpu.memory_space<vmem>>[vector<16xi32>, vector<16xi32>, vector<16xi32>], vector<16xf32>,
        tpu.vector_store_idx %arg12[%shift_right_logical3A_1117, %and3A_1120, %add3A_22], %gather3A_1132 : memref<8x8x128xf32, #tpu.memory_space<vmem>>[vector<16xi32>, vector<16xi32>, vector<16xi32>], vector<16xf32>,
        tpu.vector_store_idx %arg12[%shift_right_logical3A_1117, %and3A_1120, %add3A_25], %gather3A_1134 : memref<8x8x128xf32, #tpu.memory_space<vmem>>[vector<16xi32>, vector<16xi32>, vector<16xi32>], vector<16xf32>,
        tpu.vector_store_idx %arg12[%shift_right_logical3A_1117, %and3A_1120, %add3A_28], %gather3A_1136 : memref<8x8x128xf32, #tpu.memory_space<vmem>>[vector<16xi32>, vector<16xi32>, vector<16xi32>], vector<16xf32>,
      }
      %scan3A_559 = arith.constant 16 : i32
      %jit3A_560 = arith.constant 4 : i32
      %div3A_561 = arith.divsi %add3A_381, %jit3A_560 : i32
      %sign3A_562 = arith.constant 0 : i32
      %sign3A_563 = arith.cmpi sgt, %add3A_381, %sign3A_562 : i32
      %sign3A_564 = arith.extui %sign3A_563 : i1 to i32
      %sign3A_565 = arith.constant 0 : i32
      %sign3A_566 = arith.cmpi slt, %add3A_381, %sign3A_565 : i32
      %sign3A_567 = arith.extui %sign3A_566 : i1 to i32
      %sign3A_568 = arith.subi %sign3A_564, %sign3A_567 : i32
      %sign3A_569 = arith.constant 0 : i32
      %sign3A_570 = arith.cmpi sgt, %jit3A_560, %sign3A_569 : i32
      %sign3A_571 = arith.extui %sign3A_570 : i1 to i32
      %sign3A_572 = arith.constant 0 : i32
      %sign3A_573 = arith.cmpi slt, %jit3A_560, %sign3A_572 : i32
      %sign3A_574 = arith.extui %sign3A_573 : i1 to i32
      %sign3A_575 = arith.subi %sign3A_571, %sign3A_574 : i32
      %ne3A_576 = arith.cmpi ne, %sign3A_568, %sign3A_575 : i32
      %rem3A_577 = arith.remsi %add3A_381, %jit3A_560 : i32
      %ne3A_578 = arith.constant 0 : i32
      %ne3A_579 = arith.cmpi ne, %rem3A_577, %ne3A_578 : i32
      %and3A_580 = arith.andi %ne3A_576, %ne3A_579 : i1
      %sub3A_581 = arith.constant 1 : i32
      %sub3A_582 = arith.subi %div3A_561, %sub3A_581 : i32
      %select_n3A_583 = arith.select %and3A_580, %sub3A_582, %div3A_561 : i32
      %rem3A_584 = arith.constant 4 : i32
      %rem3A_585 = arith.remsi %add3A_381, %rem3A_584 : i32
      %add3A_586 = arith.addi %mul3A_2, %rem3A_585 : i32
      %dma_start3A_587 = arith.constant 0 : i32
      %dma_start3A_588 = arith.constant 0 : i32
      %dma_start3A_589 = arith.constant 0 : i32
      %dma_start3A_590 = tpu.memref_slice %arg4[%select_n3A_583, %dma_start3A_587, %add3A_586, %dma_start3A_588, %dma_start3A_589] : memref<200x8x128x8x128xf32, #tpu.memory_space<hbm>> -> memref<1x8x1x8x128xf32, #tpu.memory_space<hbm>>
      %dma_start3A_591 = tpu.memref_squeeze %dma_start3A_590 : memref<1x8x1x8x128xf32, #tpu.memory_space<hbm>> -> memref<8x8x128xf32, #tpu.memory_space<hbm>>
      %dma_start3A_592 = arith.constant 0 : i32
      %dma_start3A_593 = arith.constant 0 : i32
      %dma_start3A_594 = arith.constant 0 : i32
      %dma_start3A_595 = tpu.memref_slice %arg4[%select_n3A_583, %dma_start3A_592, %add3A_586, %dma_start3A_593, %dma_start3A_594] : memref<200x8x128x8x128xf32, #tpu.memory_space<hbm>> -> memref<1x8x1x8x128xf32, #tpu.memory_space<hbm>>
      %dma_start3A_596 = tpu.memref_squeeze %dma_start3A_595 : memref<1x8x1x8x128xf32, #tpu.memory_space<hbm>> -> memref<8x8x128xf32, #tpu.memory_space<hbm>>
      tpu.enqueue_dma source(%arg12 : memref<8x8x128xf32, #tpu.memory_space<vmem>>) target(%dma_start3A_596 : memref<8x8x128xf32, #tpu.memory_space<hbm>>) target_semaphore(%arg19 : memref<!tpu.dma_semaphore, #tpu.memory_space<semaphore_mem>>)
      %mul3A_597 = arith.constant 4 : i32
      %mul3A_598 = arith.muli %mul3A_597, %scan3A_158 : i32
      %add3A_599 = arith.constant 2 : i32
      %add3A_600 = arith.addi %mul3A_598, %add3A_599 : i32
      %dma_wait3A_601 = arith.constant 0 : i32
      %dma_wait3A_602 = arith.constant 0 : i32
      %dma_wait3A_603 = arith.constant 0 : i32
      %dma_wait3A_604 = tpu.memref_slice %arg6[%dma_wait3A_601, %dma_wait3A_602, %dma_wait3A_603] : memref<2x4x512xi32, #tpu.memory_space<vmem>> -> memref<1x1x128xi32, #tpu.memory_space<vmem>>
      %dma_wait3A_605 = tpu.memref_squeeze %dma_wait3A_604 : memref<1x1x128xi32, #tpu.memory_space<vmem>> -> memref<128xi32, #tpu.memory_space<vmem>>
      %dma_wait3A_606 = arith.constant 0 : i32
      %dma_wait3A_607 = arith.constant 0 : i32
      %dma_wait3A_608 = tpu.memref_slice %arg3[%dma_wait3A_606, %dma_wait3A_607] : memref<500000x128xf32, #tpu.memory_space<hbm>> -> memref<500000x128xf32, #tpu.memory_space<hbm>>
      tpu.wait_indirect_dma semaphore(%arg16 : memref<!tpu.dma_semaphore, #tpu.memory_space<semaphore_mem>>) src(%dma_wait3A_608 : memref<500000x128xf32, #tpu.memory_space<hbm>>) dst(%arg9 : memref<128x128xf32, #tpu.memory_space<vmem>>)
      %add3A_609 = arith.constant 3 : i32
      %add3A_610 = arith.addi %add3A_600, %add3A_609 : i32
      %lt3A_611 = arith.constant 800 : i32
      %lt3A_612 = arith.cmpi slt, %add3A_610, %lt3A_611 : i32
      %convert_element_type3A_613 = arith.extui %lt3A_612 : i1 to i32
      %cond3A_614 = arith.constant 0 : i32
      %cond3A_615 = arith.cmpi ne, %convert_element_type3A_613, %cond3A_614 : i32
      scf.if %cond3A_615 {
        %add3A_1035 = arith.constant 3 : i32
        %add3A_1036 = arith.addi %add3A_600, %add3A_1035 : i32
        %jit3A_1037 = arith.constant 16 : i32
        %div3A_1038 = arith.divsi %add3A_1036, %jit3A_1037 : i32
        %sign3A_1039 = arith.constant 0 : i32
        %sign3A_1040 = arith.cmpi sgt, %add3A_1036, %sign3A_1039 : i32
        %sign3A_1041 = arith.extui %sign3A_1040 : i1 to i32
        %sign3A_1042 = arith.constant 0 : i32
        %sign3A_1043 = arith.cmpi slt, %add3A_1036, %sign3A_1042 : i32
        %sign3A_1044 = arith.extui %sign3A_1043 : i1 to i32
        %sign3A_1045 = arith.subi %sign3A_1041, %sign3A_1044 : i32
        %sign3A_1046 = arith.constant 0 : i32
        %sign3A_1047 = arith.cmpi sgt, %jit3A_1037, %sign3A_1046 : i32
        %sign3A_1048 = arith.extui %sign3A_1047 : i1 to i32
        %sign3A_1049 = arith.constant 0 : i32
        %sign3A_1050 = arith.cmpi slt, %jit3A_1037, %sign3A_1049 : i32
        %sign3A_1051 = arith.extui %sign3A_1050 : i1 to i32
        %sign3A_1052 = arith.subi %sign3A_1048, %sign3A_1051 : i32
        %ne3A_1053 = arith.cmpi ne, %sign3A_1045, %sign3A_1052 : i32
        %rem3A_1054 = arith.remsi %add3A_1036, %jit3A_1037 : i32
        %ne3A_1055 = arith.constant 0 : i32
        %ne3A_1056 = arith.cmpi ne, %rem3A_1054, %ne3A_1055 : i32
        %and3A_1057 = arith.andi %ne3A_1053, %ne3A_1056 : i1
        %sub3A_1058 = arith.constant 1 : i32
        %sub3A_1059 = arith.subi %div3A_1038, %sub3A_1058 : i32
        %select_n3A_1060 = arith.select %and3A_1057, %sub3A_1059, %div3A_1038 : i32
        %rem3A_1061 = arith.constant 2 : i32
        %rem3A_1062 = arith.remsi %select_n3A_1060, %rem3A_1061 : i32
        %jit3A_1063 = arith.constant 4 : i32
        %div3A_1064 = arith.divsi %add3A_1036, %jit3A_1063 : i32
        %sign3A_1065 = arith.constant 0 : i32
        %sign3A_1066 = arith.cmpi sgt, %add3A_1036, %sign3A_1065 : i32
        %sign3A_1067 = arith.extui %sign3A_1066 : i1 to i32
        %sign3A_1068 = arith.constant 0 : i32
        %sign3A_1069 = arith.cmpi slt, %add3A_1036, %sign3A_1068 : i32
        %sign3A_1070 = arith.extui %sign3A_1069 : i1 to i32
        %sign3A_1071 = arith.subi %sign3A_1067, %sign3A_1070 : i32
        %sign3A_1072 = arith.constant 0 : i32
        %sign3A_1073 = arith.cmpi sgt, %jit3A_1063, %sign3A_1072 : i32
        %sign3A_1074 = arith.extui %sign3A_1073 : i1 to i32
        %sign3A_1075 = arith.constant 0 : i32
        %sign3A_1076 = arith.cmpi slt, %jit3A_1063, %sign3A_1075 : i32
        %sign3A_1077 = arith.extui %sign3A_1076 : i1 to i32
        %sign3A_1078 = arith.subi %sign3A_1074, %sign3A_1077 : i32
        %ne3A_1079 = arith.cmpi ne, %sign3A_1071, %sign3A_1078 : i32
        %rem3A_1080 = arith.remsi %add3A_1036, %jit3A_1063 : i32
        %ne3A_1081 = arith.constant 0 : i32
        %ne3A_1082 = arith.cmpi ne, %rem3A_1080, %ne3A_1081 : i32
        %and3A_1083 = arith.andi %ne3A_1079, %ne3A_1082 : i1
        %sub3A_1084 = arith.constant 1 : i32
        %sub3A_1085 = arith.subi %div3A_1064, %sub3A_1084 : i32
        %select_n3A_1086 = arith.select %and3A_1083, %sub3A_1085, %div3A_1064 : i32
        %rem3A_1087 = arith.constant 4 : i32
        %rem3A_1088 = arith.remsi %select_n3A_1086, %rem3A_1087 : i32
        %rem3A_1089 = arith.constant 4 : i32
        %rem3A_1090 = arith.remsi %add3A_1036, %rem3A_1089 : i32
        %mul3A_1091 = arith.constant 128 : i32
        %mul3A_1092 = arith.muli %rem3A_1090, %mul3A_1091 : i32
        %dma_start3A_1093 = tpu.memref_slice %arg6[%rem3A_1062, %rem3A_1088, %mul3A_1092] : memref<2x4x512xi32, #tpu.memory_space<vmem>> -> memref<1x1x128xi32, #tpu.memory_space<vmem>>
        %dma_start3A_1094 = tpu.memref_squeeze %dma_start3A_1093 : memref<1x1x128xi32, #tpu.memory_space<vmem>> -> memref<128xi32, #tpu.memory_space<vmem>>
        %dma_start3A_1095 = arith.constant 0 : i32
        %dma_start3A_1096 = arith.constant 0 : i32
        %dma_start3A_1097 = tpu.memref_slice %arg3[%dma_start3A_1095, %dma_start3A_1096] : memref<500000x128xf32, #tpu.memory_space<hbm>> -> memref<500000x128xf32, #tpu.memory_space<hbm>>
        tpu.enqueue_indirect_dma source(%dma_start3A_1097 : memref<500000x128xf32, #tpu.memory_space<hbm>>) target(%arg8 : memref<128x128xf32, #tpu.memory_space<vmem>>) offsets(%dma_start3A_1094 : memref<128xi32, #tpu.memory_space<vmem>>) semaphore(%arg15 : memref<!tpu.dma_semaphore, #tpu.memory_space<semaphore_mem>>)
      } else {
      }
      %ge3A_616 = arith.constant 2 : i32
      %ge3A_617 = arith.cmpi sge, %add3A_600, %ge3A_616 : i32
      %convert_element_type3A_618 = arith.extui %ge3A_617 : i1 to i32
      %cond3A_619 = arith.constant 0 : i32
      %cond3A_620 = arith.cmpi ne, %convert_element_type3A_618, %cond3A_619 : i32
      scf.if %cond3A_620 {
        %dma_wait3A_1035 = arith.constant 0 : i32
        %dma_wait3A_1036 = arith.constant 0 : i32
        %dma_wait3A_1037 = arith.constant 0 : i32
        %dma_wait3A_1038 = arith.constant 0 : i32
        %dma_wait3A_1039 = arith.constant 0 : i32
        %dma_wait3A_1040 = tpu.memref_slice %arg4[%dma_wait3A_1035, %dma_wait3A_1037, %dma_wait3A_1036, %dma_wait3A_1038, %dma_wait3A_1039] : memref<200x8x128x8x128xf32, #tpu.memory_space<hbm>> -> memref<1x8x1x8x128xf32, #tpu.memory_space<hbm>>
        %dma_wait3A_1041 = tpu.memref_squeeze %dma_wait3A_1040 : memref<1x8x1x8x128xf32, #tpu.memory_space<hbm>> -> memref<8x8x128xf32, #tpu.memory_space<hbm>>
        %dma_wait3A_1042 = arith.constant 0 : i32
        %dma_wait3A_1043 = arith.constant 0 : i32
        %dma_wait3A_1044 = arith.constant 0 : i32
        %dma_wait3A_1045 = tpu.memref_slice %arg4[%dma_wait3A_1035, %dma_wait3A_1042, %dma_wait3A_1036, %dma_wait3A_1043, %dma_wait3A_1044] : memref<200x8x128x8x128xf32, #tpu.memory_space<hbm>> -> memref<1x8x1x8x128xf32, #tpu.memory_space<hbm>>
        %dma_wait3A_1046 = tpu.memref_squeeze %dma_wait3A_1045 : memref<1x8x1x8x128xf32, #tpu.memory_space<hbm>> -> memref<8x8x128xf32, #tpu.memory_space<hbm>>
        tpu.wait_dma2 semaphore(%arg18 : memref<!tpu.dma_semaphore, #tpu.memory_space<semaphore_mem>>) src(%arg11 : memref<8x8x128xf32, #tpu.memory_space<vmem>>) dst(%dma_wait3A_1046 : memref<8x8x128xf32, #tpu.memory_space<hbm>>)
      } else {
      }
      %jit3A_621 = arith.constant 16 : i32
      %div3A_622 = arith.divsi %add3A_600, %jit3A_621 : i32
      %sign3A_623 = arith.constant 0 : i32
      %sign3A_624 = arith.cmpi sgt, %add3A_600, %sign3A_623 : i32
      %sign3A_625 = arith.extui %sign3A_624 : i1 to i32
      %sign3A_626 = arith.constant 0 : i32
      %sign3A_627 = arith.cmpi slt, %add3A_600, %sign3A_626 : i32
      %sign3A_628 = arith.extui %sign3A_627 : i1 to i32
      %sign3A_629 = arith.subi %sign3A_625, %sign3A_628 : i32
      %sign3A_630 = arith.constant 0 : i32
      %sign3A_631 = arith.cmpi sgt, %jit3A_621, %sign3A_630 : i32
      %sign3A_632 = arith.extui %sign3A_631 : i1 to i32
      %sign3A_633 = arith.constant 0 : i32
      %sign3A_634 = arith.cmpi slt, %jit3A_621, %sign3A_633 : i32
      %sign3A_635 = arith.extui %sign3A_634 : i1 to i32
      %sign3A_636 = arith.subi %sign3A_632, %sign3A_635 : i32
      %ne3A_637 = arith.cmpi ne, %sign3A_629, %sign3A_636 : i32
      %rem3A_638 = arith.remsi %add3A_600, %jit3A_621 : i32
      %ne3A_639 = arith.constant 0 : i32
      %ne3A_640 = arith.cmpi ne, %rem3A_638, %ne3A_639 : i32
      %and3A_641 = arith.andi %ne3A_637, %ne3A_640 : i1
      %sub3A_642 = arith.constant 1 : i32
      %sub3A_643 = arith.subi %div3A_622, %sub3A_642 : i32
      %select_n3A_644 = arith.select %and3A_641, %sub3A_643, %div3A_622 : i32
      %rem3A_645 = arith.constant 2 : i32
      %rem3A_646 = arith.remsi %select_n3A_644, %rem3A_645 : i32
      %jit3A_647 = arith.constant 4 : i32
      %div3A_648 = arith.divsi %add3A_600, %jit3A_647 : i32
      %sign3A_649 = arith.constant 0 : i32
      %sign3A_650 = arith.cmpi sgt, %add3A_600, %sign3A_649 : i32
      %sign3A_651 = arith.extui %sign3A_650 : i1 to i32
      %sign3A_652 = arith.constant 0 : i32
      %sign3A_653 = arith.cmpi slt, %add3A_600, %sign3A_652 : i32
      %sign3A_654 = arith.extui %sign3A_653 : i1 to i32
      %sign3A_655 = arith.subi %sign3A_651, %sign3A_654 : i32
      %sign3A_656 = arith.constant 0 : i32
      %sign3A_657 = arith.cmpi sgt, %jit3A_647, %sign3A_656 : i32
      %sign3A_658 = arith.extui %sign3A_657 : i1 to i32
      %sign3A_659 = arith.constant 0 : i32
      %sign3A_660 = arith.cmpi slt, %jit3A_647, %sign3A_659 : i32
      %sign3A_661 = arith.extui %sign3A_660 : i1 to i32
      %sign3A_662 = arith.subi %sign3A_658, %sign3A_661 : i32
      %ne3A_663 = arith.cmpi ne, %sign3A_655, %sign3A_662 : i32
      %rem3A_664 = arith.remsi %add3A_600, %jit3A_647 : i32
      %ne3A_665 = arith.constant 0 : i32
      %ne3A_666 = arith.cmpi ne, %rem3A_664, %ne3A_665 : i32
      %and3A_667 = arith.andi %ne3A_663, %ne3A_666 : i1
      %sub3A_668 = arith.constant 1 : i32
      %sub3A_669 = arith.subi %div3A_648, %sub3A_668 : i32
      %select_n3A_670 = arith.select %and3A_667, %sub3A_669, %div3A_648 : i32
      %rem3A_671 = arith.constant 4 : i32
      %rem3A_672 = arith.remsi %select_n3A_670, %rem3A_671 : i32
      %rem3A_673 = arith.constant 4 : i32
      %rem3A_674 = arith.remsi %add3A_600, %rem3A_673 : i32
      %mul3A_675 = arith.constant 128 : i32
      %mul3A_676 = arith.muli %rem3A_674, %mul3A_675 : i32
      %add3A_677 = arith.constant 0 : i32
      %add3A_678 = arith.addi %mul3A_676, %add3A_677 : i32
      %get3A_679 = arith.index_cast %rem3A_646 : i32 to index
      %get3A_680 = arith.index_cast %rem3A_672 : i32 to index
      %get3A_681 = arith.index_cast %add3A_678 : i32 to index
      %get3A_682 = tpu.vector_load %arg5[%get3A_679, %get3A_680, %get3A_681] {strides = array<i32>} : memref<2x4x512xi32, #tpu.memory_space<vmem>>, vector<16xi32>,
      %and3A_683 = arith.constant 1 : i32
      %and3A_684 = vector.broadcast %and3A_683 : i32 to vector<16xi32>
      %and3A_685 = arith.andi %get3A_682, %and3A_684 : vector<16xi32>
      %shift_left3A_686 = arith.constant 6 : i32
      %shift_left3A_687 = vector.broadcast %shift_left3A_686 : i32 to vector<16xi32>
      %shift_left3A_688 = arith.shli %and3A_685, %shift_left3A_687 : vector<16xi32>
      %add3A_689 = arith.constant 16 : i32
      %add3A_690 = arith.addi %mul3A_676, %add3A_689 : i32
      %get3A_691 = arith.index_cast %rem3A_646 : i32 to index
      %get3A_692 = arith.index_cast %rem3A_672 : i32 to index
      %get3A_693 = arith.index_cast %add3A_690 : i32 to index
      %get3A_694 = tpu.vector_load %arg5[%get3A_691, %get3A_692, %get3A_693] {strides = array<i32>} : memref<2x4x512xi32, #tpu.memory_space<vmem>>, vector<16xi32>,
      %and3A_695 = arith.constant 1 : i32
      %and3A_696 = vector.broadcast %and3A_695 : i32 to vector<16xi32>
      %and3A_697 = arith.andi %get3A_694, %and3A_696 : vector<16xi32>
      %shift_left3A_698 = arith.constant 6 : i32
      %shift_left3A_699 = vector.broadcast %shift_left3A_698 : i32 to vector<16xi32>
      %shift_left3A_700 = arith.shli %and3A_697, %shift_left3A_699 : vector<16xi32>
      %add3A_701 = arith.constant 32 : i32
      %add3A_702 = arith.addi %mul3A_676, %add3A_701 : i32
      %get3A_703 = arith.index_cast %rem3A_646 : i32 to index
      %get3A_704 = arith.index_cast %rem3A_672 : i32 to index
      %get3A_705 = arith.index_cast %add3A_702 : i32 to index
      %get3A_706 = tpu.vector_load %arg5[%get3A_703, %get3A_704, %get3A_705] {strides = array<i32>} : memref<2x4x512xi32, #tpu.memory_space<vmem>>, vector<16xi32>,
      %and3A_707 = arith.constant 1 : i32
      %and3A_708 = vector.broadcast %and3A_707 : i32 to vector<16xi32>
      %and3A_709 = arith.andi %get3A_706, %and3A_708 : vector<16xi32>
      %shift_left3A_710 = arith.constant 6 : i32
      %shift_left3A_711 = vector.broadcast %shift_left3A_710 : i32 to vector<16xi32>
      %shift_left3A_712 = arith.shli %and3A_709, %shift_left3A_711 : vector<16xi32>
      %add3A_713 = arith.constant 48 : i32
      %add3A_714 = arith.addi %mul3A_676, %add3A_713 : i32
      %get3A_715 = arith.index_cast %rem3A_646 : i32 to index
      %get3A_716 = arith.index_cast %rem3A_672 : i32 to index
      %get3A_717 = arith.index_cast %add3A_714 : i32 to index
      %get3A_718 = tpu.vector_load %arg5[%get3A_715, %get3A_716, %get3A_717] {strides = array<i32>} : memref<2x4x512xi32, #tpu.memory_space<vmem>>, vector<16xi32>,
      %and3A_719 = arith.constant 1 : i32
      %and3A_720 = vector.broadcast %and3A_719 : i32 to vector<16xi32>
      %and3A_721 = arith.andi %get3A_718, %and3A_720 : vector<16xi32>
      %shift_left3A_722 = arith.constant 6 : i32
      %shift_left3A_723 = vector.broadcast %shift_left3A_722 : i32 to vector<16xi32>
      %shift_left3A_724 = arith.shli %and3A_721, %shift_left3A_723 : vector<16xi32>
      %add3A_725 = arith.constant 64 : i32
      %add3A_726 = arith.addi %mul3A_676, %add3A_725 : i32
      %get3A_727 = arith.index_cast %rem3A_646 : i32 to index
      %get3A_728 = arith.index_cast %rem3A_672 : i32 to index
      %get3A_729 = arith.index_cast %add3A_726 : i32 to index
      %get3A_730 = tpu.vector_load %arg5[%get3A_727, %get3A_728, %get3A_729] {strides = array<i32>} : memref<2x4x512xi32, #tpu.memory_space<vmem>>, vector<16xi32>,
      %and3A_731 = arith.constant 1 : i32
      %and3A_732 = vector.broadcast %and3A_731 : i32 to vector<16xi32>
      %and3A_733 = arith.andi %get3A_730, %and3A_732 : vector<16xi32>
      %shift_left3A_734 = arith.constant 6 : i32
      %shift_left3A_735 = vector.broadcast %shift_left3A_734 : i32 to vector<16xi32>
      %shift_left3A_736 = arith.shli %and3A_733, %shift_left3A_735 : vector<16xi32>
      %add3A_737 = arith.constant 80 : i32
      %add3A_738 = arith.addi %mul3A_676, %add3A_737 : i32
      %get3A_739 = arith.index_cast %rem3A_646 : i32 to index
      %get3A_740 = arith.index_cast %rem3A_672 : i32 to index
      %get3A_741 = arith.index_cast %add3A_738 : i32 to index
      %get3A_742 = tpu.vector_load %arg5[%get3A_739, %get3A_740, %get3A_741] {strides = array<i32>} : memref<2x4x512xi32, #tpu.memory_space<vmem>>, vector<16xi32>,
      %and3A_743 = arith.constant 1 : i32
      %and3A_744 = vector.broadcast %and3A_743 : i32 to vector<16xi32>
      %and3A_745 = arith.andi %get3A_742, %and3A_744 : vector<16xi32>
      %shift_left3A_746 = arith.constant 6 : i32
      %shift_left3A_747 = vector.broadcast %shift_left3A_746 : i32 to vector<16xi32>
      %shift_left3A_748 = arith.shli %and3A_745, %shift_left3A_747 : vector<16xi32>
      %add3A_749 = arith.constant 96 : i32
      %add3A_750 = arith.addi %mul3A_676, %add3A_749 : i32
      %get3A_751 = arith.index_cast %rem3A_646 : i32 to index
      %get3A_752 = arith.index_cast %rem3A_672 : i32 to index
      %get3A_753 = arith.index_cast %add3A_750 : i32 to index
      %get3A_754 = tpu.vector_load %arg5[%get3A_751, %get3A_752, %get3A_753] {strides = array<i32>} : memref<2x4x512xi32, #tpu.memory_space<vmem>>, vector<16xi32>,
      %and3A_755 = arith.constant 1 : i32
      %and3A_756 = vector.broadcast %and3A_755 : i32 to vector<16xi32>
      %and3A_757 = arith.andi %get3A_754, %and3A_756 : vector<16xi32>
      %shift_left3A_758 = arith.constant 6 : i32
      %shift_left3A_759 = vector.broadcast %shift_left3A_758 : i32 to vector<16xi32>
      %shift_left3A_760 = arith.shli %and3A_757, %shift_left3A_759 : vector<16xi32>
      %add3A_761 = arith.constant 112 : i32
      %add3A_762 = arith.addi %mul3A_676, %add3A_761 : i32
      %get3A_763 = arith.index_cast %rem3A_646 : i32 to index
      %get3A_764 = arith.index_cast %rem3A_672 : i32 to index
      %get3A_765 = arith.index_cast %add3A_762 : i32 to index
      %get3A_766 = tpu.vector_load %arg5[%get3A_763, %get3A_764, %get3A_765] {strides = array<i32>} : memref<2x4x512xi32, #tpu.memory_space<vmem>>, vector<16xi32>,
      %and3A_767 = arith.constant 1 : i32
      %and3A_768 = vector.broadcast %and3A_767 : i32 to vector<16xi32>
      %and3A_769 = arith.andi %get3A_766, %and3A_768 : vector<16xi32>
      %shift_left3A_770 = arith.constant 6 : i32
      %shift_left3A_771 = vector.broadcast %shift_left3A_770 : i32 to vector<16xi32>
      %shift_left3A_772 = arith.shli %and3A_769, %shift_left3A_771 : vector<16xi32>
      %scan3A_773 = arith.constant 0 : i32
      %scan3A_774 = arith.constant 0 : i32
      %scan3A_775 = arith.constant 16 : i32
      %scan3A_776 = arith.addi %scan3A_774, %scan3A_775 : i32
      %scan3A_777 = arith.constant 1 : i32
      scf.for %scan3A_1035 = %scan3A_774 to %scan3A_776 step %scan3A_777  : i32 {
        %add3A_1036 = vector.broadcast %scan3A_1035 : i32 to vector<16xi32>
        %add3A_1037 = arith.addi %iota3A, %add3A_1036 : vector<16xi32>
        %rem3A_1038 = arith.remsi %add3A_1037, %broadcast_in_dim3A_29 : vector<16xi32>
        %add3A_1039 = arith.constant 0 : i32
        %add3A_1040 = vector.broadcast %add3A_1039 : i32 to vector<16xi32>
        %add3A_1041 = arith.addi %rem3A_1038, %add3A_1040 : vector<16xi32>
        %shift_right_logical3A = arith.constant 3 : i32
        %shift_right_logical3A_1042 = vector.broadcast %shift_right_logical3A : i32 to vector<16xi32>
        %shift_right_logical3A_1043 = arith.shrui %add3A_1041, %shift_right_logical3A_1042 : vector<16xi32>
        %and3A_1044 = arith.constant 7 : i32
        %and3A_1045 = vector.broadcast %and3A_1044 : i32 to vector<16xi32>
        %and3A_1046 = arith.andi %add3A_1041, %and3A_1045 : vector<16xi32>
        %add3A_1047 = arith.addi %add3A_1041, %shift_left3A_688 : vector<16xi32>
        %gather3A = tpu.vector_load_idx %arg9[%add3A_7, %add3A_1047] : memref<128x128xf32, #tpu.memory_space<vmem>>[vector<16xi32>, vector<16xi32>], vector<16xf32>,
        %add3A_1048 = arith.addi %add3A_1041, %shift_left3A_700 : vector<16xi32>
        %gather3A_1049 = tpu.vector_load_idx %arg9[%add3A_10, %add3A_1048] : memref<128x128xf32, #tpu.memory_space<vmem>>[vector<16xi32>, vector<16xi32>], vector<16xf32>,
        %add3A_1050 = arith.addi %add3A_1041, %shift_left3A_712 : vector<16xi32>
        %gather3A_1051 = tpu.vector_load_idx %arg9[%add3A_13, %add3A_1050] : memref<128x128xf32, #tpu.memory_space<vmem>>[vector<16xi32>, vector<16xi32>], vector<16xf32>,
        %add3A_1052 = arith.addi %add3A_1041, %shift_left3A_724 : vector<16xi32>
        %gather3A_1053 = tpu.vector_load_idx %arg9[%add3A_16, %add3A_1052] : memref<128x128xf32, #tpu.memory_space<vmem>>[vector<16xi32>, vector<16xi32>], vector<16xf32>,
        %add3A_1054 = arith.addi %add3A_1041, %shift_left3A_736 : vector<16xi32>
        %gather3A_1055 = tpu.vector_load_idx %arg9[%add3A_19, %add3A_1054] : memref<128x128xf32, #tpu.memory_space<vmem>>[vector<16xi32>, vector<16xi32>], vector<16xf32>,
        %add3A_1056 = arith.addi %add3A_1041, %shift_left3A_748 : vector<16xi32>
        %gather3A_1057 = tpu.vector_load_idx %arg9[%add3A_22, %add3A_1056] : memref<128x128xf32, #tpu.memory_space<vmem>>[vector<16xi32>, vector<16xi32>], vector<16xf32>,
        %add3A_1058 = arith.addi %add3A_1041, %shift_left3A_760 : vector<16xi32>
        %gather3A_1059 = tpu.vector_load_idx %arg9[%add3A_25, %add3A_1058] : memref<128x128xf32, #tpu.memory_space<vmem>>[vector<16xi32>, vector<16xi32>], vector<16xf32>,
        %add3A_1060 = arith.addi %add3A_1041, %shift_left3A_772 : vector<16xi32>
        %gather3A_1061 = tpu.vector_load_idx %arg9[%add3A_28, %add3A_1060] : memref<128x128xf32, #tpu.memory_space<vmem>>[vector<16xi32>, vector<16xi32>], vector<16xf32>,
        %add3A_1062 = arith.constant 16 : i32
        %add3A_1063 = vector.broadcast %add3A_1062 : i32 to vector<16xi32>
        %add3A_1064 = arith.addi %rem3A_1038, %add3A_1063 : vector<16xi32>
        %shift_right_logical3A_1065 = arith.constant 3 : i32
        %shift_right_logical3A_1066 = vector.broadcast %shift_right_logical3A_1065 : i32 to vector<16xi32>
        %shift_right_logical3A_1067 = arith.shrui %add3A_1064, %shift_right_logical3A_1066 : vector<16xi32>
        %and3A_1068 = arith.constant 7 : i32
        %and3A_1069 = vector.broadcast %and3A_1068 : i32 to vector<16xi32>
        %and3A_1070 = arith.andi %add3A_1064, %and3A_1069 : vector<16xi32>
        %add3A_1071 = arith.addi %add3A_1064, %shift_left3A_688 : vector<16xi32>
        %gather3A_1072 = tpu.vector_load_idx %arg9[%add3A_7, %add3A_1071] : memref<128x128xf32, #tpu.memory_space<vmem>>[vector<16xi32>, vector<16xi32>], vector<16xf32>,
        %add3A_1073 = arith.addi %add3A_1064, %shift_left3A_700 : vector<16xi32>
        %gather3A_1074 = tpu.vector_load_idx %arg9[%add3A_10, %add3A_1073] : memref<128x128xf32, #tpu.memory_space<vmem>>[vector<16xi32>, vector<16xi32>], vector<16xf32>,
        %add3A_1075 = arith.addi %add3A_1064, %shift_left3A_712 : vector<16xi32>
        %gather3A_1076 = tpu.vector_load_idx %arg9[%add3A_13, %add3A_1075] : memref<128x128xf32, #tpu.memory_space<vmem>>[vector<16xi32>, vector<16xi32>], vector<16xf32>,
        %add3A_1077 = arith.addi %add3A_1064, %shift_left3A_724 : vector<16xi32>
        %gather3A_1078 = tpu.vector_load_idx %arg9[%add3A_16, %add3A_1077] : memref<128x128xf32, #tpu.memory_space<vmem>>[vector<16xi32>, vector<16xi32>], vector<16xf32>,
        %add3A_1079 = arith.addi %add3A_1064, %shift_left3A_736 : vector<16xi32>
        %gather3A_1080 = tpu.vector_load_idx %arg9[%add3A_19, %add3A_1079] : memref<128x128xf32, #tpu.memory_space<vmem>>[vector<16xi32>, vector<16xi32>], vector<16xf32>,
        %add3A_1081 = arith.addi %add3A_1064, %shift_left3A_748 : vector<16xi32>
        %gather3A_1082 = tpu.vector_load_idx %arg9[%add3A_22, %add3A_1081] : memref<128x128xf32, #tpu.memory_space<vmem>>[vector<16xi32>, vector<16xi32>], vector<16xf32>,
        %add3A_1083 = arith.addi %add3A_1064, %shift_left3A_760 : vector<16xi32>
        %gather3A_1084 = tpu.vector_load_idx %arg9[%add3A_25, %add3A_1083] : memref<128x128xf32, #tpu.memory_space<vmem>>[vector<16xi32>, vector<16xi32>], vector<16xf32>,
        %add3A_1085 = arith.addi %add3A_1064, %shift_left3A_772 : vector<16xi32>
        %gather3A_1086 = tpu.vector_load_idx %arg9[%add3A_28, %add3A_1085] : memref<128x128xf32, #tpu.memory_space<vmem>>[vector<16xi32>, vector<16xi32>], vector<16xf32>,
        tpu.vector_store_idx %arg11[%shift_right_logical3A_1043, %and3A_1046, %add3A_7], %gather3A : memref<8x8x128xf32, #tpu.memory_space<vmem>>[vector<16xi32>, vector<16xi32>, vector<16xi32>], vector<16xf32>,
        tpu.vector_store_idx %arg11[%shift_right_logical3A_1043, %and3A_1046, %add3A_10], %gather3A_1049 : memref<8x8x128xf32, #tpu.memory_space<vmem>>[vector<16xi32>, vector<16xi32>, vector<16xi32>], vector<16xf32>,
        tpu.vector_store_idx %arg11[%shift_right_logical3A_1043, %and3A_1046, %add3A_13], %gather3A_1051 : memref<8x8x128xf32, #tpu.memory_space<vmem>>[vector<16xi32>, vector<16xi32>, vector<16xi32>], vector<16xf32>,
        tpu.vector_store_idx %arg11[%shift_right_logical3A_1043, %and3A_1046, %add3A_16], %gather3A_1053 : memref<8x8x128xf32, #tpu.memory_space<vmem>>[vector<16xi32>, vector<16xi32>, vector<16xi32>], vector<16xf32>,
        tpu.vector_store_idx %arg11[%shift_right_logical3A_1043, %and3A_1046, %add3A_19], %gather3A_1055 : memref<8x8x128xf32, #tpu.memory_space<vmem>>[vector<16xi32>, vector<16xi32>, vector<16xi32>], vector<16xf32>,
        tpu.vector_store_idx %arg11[%shift_right_logical3A_1043, %and3A_1046, %add3A_22], %gather3A_1057 : memref<8x8x128xf32, #tpu.memory_space<vmem>>[vector<16xi32>, vector<16xi32>, vector<16xi32>], vector<16xf32>,
        tpu.vector_store_idx %arg11[%shift_right_logical3A_1043, %and3A_1046, %add3A_25], %gather3A_1059 : memref<8x8x128xf32, #tpu.memory_space<vmem>>[vector<16xi32>, vector<16xi32>, vector<16xi32>], vector<16xf32>,
        tpu.vector_store_idx %arg11[%shift_right_logical3A_1043, %and3A_1046, %add3A_28], %gather3A_1061 : memref<8x8x128xf32, #tpu.memory_space<vmem>>[vector<16xi32>, vector<16xi32>, vector<16xi32>], vector<16xf32>,
        tpu.vector_store_idx %arg11[%shift_right_logical3A_1067, %and3A_1070, %add3A_7], %gather3A_1072 : memref<8x8x128xf32, #tpu.memory_space<vmem>>[vector<16xi32>, vector<16xi32>, vector<16xi32>], vector<16xf32>,
        tpu.vector_store_idx %arg11[%shift_right_logical3A_1067, %and3A_1070, %add3A_10], %gather3A_1074 : memref<8x8x128xf32, #tpu.memory_space<vmem>>[vector<16xi32>, vector<16xi32>, vector<16xi32>], vector<16xf32>,
        tpu.vector_store_idx %arg11[%shift_right_logical3A_1067, %and3A_1070, %add3A_13], %gather3A_1076 : memref<8x8x128xf32, #tpu.memory_space<vmem>>[vector<16xi32>, vector<16xi32>, vector<16xi32>], vector<16xf32>,
        tpu.vector_store_idx %arg11[%shift_right_logical3A_1067, %and3A_1070, %add3A_16], %gather3A_1078 : memref<8x8x128xf32, #tpu.memory_space<vmem>>[vector<16xi32>, vector<16xi32>, vector<16xi32>], vector<16xf32>,
        tpu.vector_store_idx %arg11[%shift_right_logical3A_1067, %and3A_1070, %add3A_19], %gather3A_1080 : memref<8x8x128xf32, #tpu.memory_space<vmem>>[vector<16xi32>, vector<16xi32>, vector<16xi32>], vector<16xf32>,
        tpu.vector_store_idx %arg11[%shift_right_logical3A_1067, %and3A_1070, %add3A_22], %gather3A_1082 : memref<8x8x128xf32, #tpu.memory_space<vmem>>[vector<16xi32>, vector<16xi32>, vector<16xi32>], vector<16xf32>,
        tpu.vector_store_idx %arg11[%shift_right_logical3A_1067, %and3A_1070, %add3A_25], %gather3A_1084 : memref<8x8x128xf32, #tpu.memory_space<vmem>>[vector<16xi32>, vector<16xi32>, vector<16xi32>], vector<16xf32>,
        tpu.vector_store_idx %arg11[%shift_right_logical3A_1067, %and3A_1070, %add3A_28], %gather3A_1086 : memref<8x8x128xf32, #tpu.memory_space<vmem>>[vector<16xi32>, vector<16xi32>, vector<16xi32>], vector<16xf32>,
        %add3A_1087 = arith.constant 32 : i32
        %add3A_1088 = vector.broadcast %add3A_1087 : i32 to vector<16xi32>
        %add3A_1089 = arith.addi %rem3A_1038, %add3A_1088 : vector<16xi32>
        %shift_right_logical3A_1090 = arith.constant 3 : i32
        %shift_right_logical3A_1091 = vector.broadcast %shift_right_logical3A_1090 : i32 to vector<16xi32>
        %shift_right_logical3A_1092 = arith.shrui %add3A_1089, %shift_right_logical3A_1091 : vector<16xi32>
        %and3A_1093 = arith.constant 7 : i32
        %and3A_1094 = vector.broadcast %and3A_1093 : i32 to vector<16xi32>
        %and3A_1095 = arith.andi %add3A_1089, %and3A_1094 : vector<16xi32>
        %add3A_1096 = arith.addi %add3A_1089, %shift_left3A_688 : vector<16xi32>
        %gather3A_1097 = tpu.vector_load_idx %arg9[%add3A_7, %add3A_1096] : memref<128x128xf32, #tpu.memory_space<vmem>>[vector<16xi32>, vector<16xi32>], vector<16xf32>,
        %add3A_1098 = arith.addi %add3A_1089, %shift_left3A_700 : vector<16xi32>
        %gather3A_1099 = tpu.vector_load_idx %arg9[%add3A_10, %add3A_1098] : memref<128x128xf32, #tpu.memory_space<vmem>>[vector<16xi32>, vector<16xi32>], vector<16xf32>,
        %add3A_1100 = arith.addi %add3A_1089, %shift_left3A_712 : vector<16xi32>
        %gather3A_1101 = tpu.vector_load_idx %arg9[%add3A_13, %add3A_1100] : memref<128x128xf32, #tpu.memory_space<vmem>>[vector<16xi32>, vector<16xi32>], vector<16xf32>,
        %add3A_1102 = arith.addi %add3A_1089, %shift_left3A_724 : vector<16xi32>
        %gather3A_1103 = tpu.vector_load_idx %arg9[%add3A_16, %add3A_1102] : memref<128x128xf32, #tpu.memory_space<vmem>>[vector<16xi32>, vector<16xi32>], vector<16xf32>,
        %add3A_1104 = arith.addi %add3A_1089, %shift_left3A_736 : vector<16xi32>
        %gather3A_1105 = tpu.vector_load_idx %arg9[%add3A_19, %add3A_1104] : memref<128x128xf32, #tpu.memory_space<vmem>>[vector<16xi32>, vector<16xi32>], vector<16xf32>,
        %add3A_1106 = arith.addi %add3A_1089, %shift_left3A_748 : vector<16xi32>
        %gather3A_1107 = tpu.vector_load_idx %arg9[%add3A_22, %add3A_1106] : memref<128x128xf32, #tpu.memory_space<vmem>>[vector<16xi32>, vector<16xi32>], vector<16xf32>,
        %add3A_1108 = arith.addi %add3A_1089, %shift_left3A_760 : vector<16xi32>
        %gather3A_1109 = tpu.vector_load_idx %arg9[%add3A_25, %add3A_1108] : memref<128x128xf32, #tpu.memory_space<vmem>>[vector<16xi32>, vector<16xi32>], vector<16xf32>,
        %add3A_1110 = arith.addi %add3A_1089, %shift_left3A_772 : vector<16xi32>
        %gather3A_1111 = tpu.vector_load_idx %arg9[%add3A_28, %add3A_1110] : memref<128x128xf32, #tpu.memory_space<vmem>>[vector<16xi32>, vector<16xi32>], vector<16xf32>,
        %add3A_1112 = arith.constant 48 : i32
        %add3A_1113 = vector.broadcast %add3A_1112 : i32 to vector<16xi32>
        %add3A_1114 = arith.addi %rem3A_1038, %add3A_1113 : vector<16xi32>
        %shift_right_logical3A_1115 = arith.constant 3 : i32
        %shift_right_logical3A_1116 = vector.broadcast %shift_right_logical3A_1115 : i32 to vector<16xi32>
        %shift_right_logical3A_1117 = arith.shrui %add3A_1114, %shift_right_logical3A_1116 : vector<16xi32>
        %and3A_1118 = arith.constant 7 : i32
        %and3A_1119 = vector.broadcast %and3A_1118 : i32 to vector<16xi32>
        %and3A_1120 = arith.andi %add3A_1114, %and3A_1119 : vector<16xi32>
        %add3A_1121 = arith.addi %add3A_1114, %shift_left3A_688 : vector<16xi32>
        %gather3A_1122 = tpu.vector_load_idx %arg9[%add3A_7, %add3A_1121] : memref<128x128xf32, #tpu.memory_space<vmem>>[vector<16xi32>, vector<16xi32>], vector<16xf32>,
        %add3A_1123 = arith.addi %add3A_1114, %shift_left3A_700 : vector<16xi32>
        %gather3A_1124 = tpu.vector_load_idx %arg9[%add3A_10, %add3A_1123] : memref<128x128xf32, #tpu.memory_space<vmem>>[vector<16xi32>, vector<16xi32>], vector<16xf32>,
        %add3A_1125 = arith.addi %add3A_1114, %shift_left3A_712 : vector<16xi32>
        %gather3A_1126 = tpu.vector_load_idx %arg9[%add3A_13, %add3A_1125] : memref<128x128xf32, #tpu.memory_space<vmem>>[vector<16xi32>, vector<16xi32>], vector<16xf32>,
        %add3A_1127 = arith.addi %add3A_1114, %shift_left3A_724 : vector<16xi32>
        %gather3A_1128 = tpu.vector_load_idx %arg9[%add3A_16, %add3A_1127] : memref<128x128xf32, #tpu.memory_space<vmem>>[vector<16xi32>, vector<16xi32>], vector<16xf32>,
        %add3A_1129 = arith.addi %add3A_1114, %shift_left3A_736 : vector<16xi32>
        %gather3A_1130 = tpu.vector_load_idx %arg9[%add3A_19, %add3A_1129] : memref<128x128xf32, #tpu.memory_space<vmem>>[vector<16xi32>, vector<16xi32>], vector<16xf32>,
        %add3A_1131 = arith.addi %add3A_1114, %shift_left3A_748 : vector<16xi32>
        %gather3A_1132 = tpu.vector_load_idx %arg9[%add3A_22, %add3A_1131] : memref<128x128xf32, #tpu.memory_space<vmem>>[vector<16xi32>, vector<16xi32>], vector<16xf32>,
        %add3A_1133 = arith.addi %add3A_1114, %shift_left3A_760 : vector<16xi32>
        %gather3A_1134 = tpu.vector_load_idx %arg9[%add3A_25, %add3A_1133] : memref<128x128xf32, #tpu.memory_space<vmem>>[vector<16xi32>, vector<16xi32>], vector<16xf32>,
        %add3A_1135 = arith.addi %add3A_1114, %shift_left3A_772 : vector<16xi32>
        %gather3A_1136 = tpu.vector_load_idx %arg9[%add3A_28, %add3A_1135] : memref<128x128xf32, #tpu.memory_space<vmem>>[vector<16xi32>, vector<16xi32>], vector<16xf32>,
        tpu.vector_store_idx %arg11[%shift_right_logical3A_1092, %and3A_1095, %add3A_7], %gather3A_1097 : memref<8x8x128xf32, #tpu.memory_space<vmem>>[vector<16xi32>, vector<16xi32>, vector<16xi32>], vector<16xf32>,
        tpu.vector_store_idx %arg11[%shift_right_logical3A_1092, %and3A_1095, %add3A_10], %gather3A_1099 : memref<8x8x128xf32, #tpu.memory_space<vmem>>[vector<16xi32>, vector<16xi32>, vector<16xi32>], vector<16xf32>,
        tpu.vector_store_idx %arg11[%shift_right_logical3A_1092, %and3A_1095, %add3A_13], %gather3A_1101 : memref<8x8x128xf32, #tpu.memory_space<vmem>>[vector<16xi32>, vector<16xi32>, vector<16xi32>], vector<16xf32>,
        tpu.vector_store_idx %arg11[%shift_right_logical3A_1092, %and3A_1095, %add3A_16], %gather3A_1103 : memref<8x8x128xf32, #tpu.memory_space<vmem>>[vector<16xi32>, vector<16xi32>, vector<16xi32>], vector<16xf32>,
        tpu.vector_store_idx %arg11[%shift_right_logical3A_1092, %and3A_1095, %add3A_19], %gather3A_1105 : memref<8x8x128xf32, #tpu.memory_space<vmem>>[vector<16xi32>, vector<16xi32>, vector<16xi32>], vector<16xf32>,
        tpu.vector_store_idx %arg11[%shift_right_logical3A_1092, %and3A_1095, %add3A_22], %gather3A_1107 : memref<8x8x128xf32, #tpu.memory_space<vmem>>[vector<16xi32>, vector<16xi32>, vector<16xi32>], vector<16xf32>,
        tpu.vector_store_idx %arg11[%shift_right_logical3A_1092, %and3A_1095, %add3A_25], %gather3A_1109 : memref<8x8x128xf32, #tpu.memory_space<vmem>>[vector<16xi32>, vector<16xi32>, vector<16xi32>], vector<16xf32>,
        tpu.vector_store_idx %arg11[%shift_right_logical3A_1092, %and3A_1095, %add3A_28], %gather3A_1111 : memref<8x8x128xf32, #tpu.memory_space<vmem>>[vector<16xi32>, vector<16xi32>, vector<16xi32>], vector<16xf32>,
        tpu.vector_store_idx %arg11[%shift_right_logical3A_1117, %and3A_1120, %add3A_7], %gather3A_1122 : memref<8x8x128xf32, #tpu.memory_space<vmem>>[vector<16xi32>, vector<16xi32>, vector<16xi32>], vector<16xf32>,
        tpu.vector_store_idx %arg11[%shift_right_logical3A_1117, %and3A_1120, %add3A_10], %gather3A_1124 : memref<8x8x128xf32, #tpu.memory_space<vmem>>[vector<16xi32>, vector<16xi32>, vector<16xi32>], vector<16xf32>,
        tpu.vector_store_idx %arg11[%shift_right_logical3A_1117, %and3A_1120, %add3A_13], %gather3A_1126 : memref<8x8x128xf32, #tpu.memory_space<vmem>>[vector<16xi32>, vector<16xi32>, vector<16xi32>], vector<16xf32>,
        tpu.vector_store_idx %arg11[%shift_right_logical3A_1117, %and3A_1120, %add3A_16], %gather3A_1128 : memref<8x8x128xf32, #tpu.memory_space<vmem>>[vector<16xi32>, vector<16xi32>, vector<16xi32>], vector<16xf32>,
        tpu.vector_store_idx %arg11[%shift_right_logical3A_1117, %and3A_1120, %add3A_19], %gather3A_1130 : memref<8x8x128xf32, #tpu.memory_space<vmem>>[vector<16xi32>, vector<16xi32>, vector<16xi32>], vector<16xf32>,
        tpu.vector_store_idx %arg11[%shift_right_logical3A_1117, %and3A_1120, %add3A_22], %gather3A_1132 : memref<8x8x128xf32, #tpu.memory_space<vmem>>[vector<16xi32>, vector<16xi32>, vector<16xi32>], vector<16xf32>,
        tpu.vector_store_idx %arg11[%shift_right_logical3A_1117, %and3A_1120, %add3A_25], %gather3A_1134 : memref<8x8x128xf32, #tpu.memory_space<vmem>>[vector<16xi32>, vector<16xi32>, vector<16xi32>], vector<16xf32>,
        tpu.vector_store_idx %arg11[%shift_right_logical3A_1117, %and3A_1120, %add3A_28], %gather3A_1136 : memref<8x8x128xf32, #tpu.memory_space<vmem>>[vector<16xi32>, vector<16xi32>, vector<16xi32>], vector<16xf32>,
      }
      %scan3A_778 = arith.constant 16 : i32
      %jit3A_779 = arith.constant 4 : i32
      %div3A_780 = arith.divsi %add3A_600, %jit3A_779 : i32
      %sign3A_781 = arith.constant 0 : i32
      %sign3A_782 = arith.cmpi sgt, %add3A_600, %sign3A_781 : i32
      %sign3A_783 = arith.extui %sign3A_782 : i1 to i32
      %sign3A_784 = arith.constant 0 : i32
      %sign3A_785 = arith.cmpi slt, %add3A_600, %sign3A_784 : i32
      %sign3A_786 = arith.extui %sign3A_785 : i1 to i32
      %sign3A_787 = arith.subi %sign3A_783, %sign3A_786 : i32
      %sign3A_788 = arith.constant 0 : i32
      %sign3A_789 = arith.cmpi sgt, %jit3A_779, %sign3A_788 : i32
      %sign3A_790 = arith.extui %sign3A_789 : i1 to i32
      %sign3A_791 = arith.constant 0 : i32
      %sign3A_792 = arith.cmpi slt, %jit3A_779, %sign3A_791 : i32
      %sign3A_793 = arith.extui %sign3A_792 : i1 to i32
      %sign3A_794 = arith.subi %sign3A_790, %sign3A_793 : i32
      %ne3A_795 = arith.cmpi ne, %sign3A_787, %sign3A_794 : i32
      %rem3A_796 = arith.remsi %add3A_600, %jit3A_779 : i32
      %ne3A_797 = arith.constant 0 : i32
      %ne3A_798 = arith.cmpi ne, %rem3A_796, %ne3A_797 : i32
      %and3A_799 = arith.andi %ne3A_795, %ne3A_798 : i1
      %sub3A_800 = arith.constant 1 : i32
      %sub3A_801 = arith.subi %div3A_780, %sub3A_800 : i32
      %select_n3A_802 = arith.select %and3A_799, %sub3A_801, %div3A_780 : i32
      %rem3A_803 = arith.constant 4 : i32
      %rem3A_804 = arith.remsi %add3A_600, %rem3A_803 : i32
      %add3A_805 = arith.addi %mul3A_2, %rem3A_804 : i32
      %dma_start3A_806 = arith.constant 0 : i32
      %dma_start3A_807 = arith.constant 0 : i32
      %dma_start3A_808 = arith.constant 0 : i32
      %dma_start3A_809 = tpu.memref_slice %arg4[%select_n3A_802, %dma_start3A_806, %add3A_805, %dma_start3A_807, %dma_start3A_808] : memref<200x8x128x8x128xf32, #tpu.memory_space<hbm>> -> memref<1x8x1x8x128xf32, #tpu.memory_space<hbm>>
      %dma_start3A_810 = tpu.memref_squeeze %dma_start3A_809 : memref<1x8x1x8x128xf32, #tpu.memory_space<hbm>> -> memref<8x8x128xf32, #tpu.memory_space<hbm>>
      %dma_start3A_811 = arith.constant 0 : i32
      %dma_start3A_812 = arith.constant 0 : i32
      %dma_start3A_813 = arith.constant 0 : i32
      %dma_start3A_814 = tpu.memref_slice %arg4[%select_n3A_802, %dma_start3A_811, %add3A_805, %dma_start3A_812, %dma_start3A_813] : memref<200x8x128x8x128xf32, #tpu.memory_space<hbm>> -> memref<1x8x1x8x128xf32, #tpu.memory_space<hbm>>
      %dma_start3A_815 = tpu.memref_squeeze %dma_start3A_814 : memref<1x8x1x8x128xf32, #tpu.memory_space<hbm>> -> memref<8x8x128xf32, #tpu.memory_space<hbm>>
      tpu.enqueue_dma source(%arg11 : memref<8x8x128xf32, #tpu.memory_space<vmem>>) target(%dma_start3A_815 : memref<8x8x128xf32, #tpu.memory_space<hbm>>) target_semaphore(%arg18 : memref<!tpu.dma_semaphore, #tpu.memory_space<semaphore_mem>>)
      %mul3A_816 = arith.constant 4 : i32
      %mul3A_817 = arith.muli %mul3A_816, %scan3A_158 : i32
      %add3A_818 = arith.constant 3 : i32
      %add3A_819 = arith.addi %mul3A_817, %add3A_818 : i32
      %dma_wait3A_820 = arith.constant 0 : i32
      %dma_wait3A_821 = arith.constant 0 : i32
      %dma_wait3A_822 = arith.constant 0 : i32
      %dma_wait3A_823 = tpu.memref_slice %arg6[%dma_wait3A_820, %dma_wait3A_821, %dma_wait3A_822] : memref<2x4x512xi32, #tpu.memory_space<vmem>> -> memref<1x1x128xi32, #tpu.memory_space<vmem>>
      %dma_wait3A_824 = tpu.memref_squeeze %dma_wait3A_823 : memref<1x1x128xi32, #tpu.memory_space<vmem>> -> memref<128xi32, #tpu.memory_space<vmem>>
      %dma_wait3A_825 = arith.constant 0 : i32
      %dma_wait3A_826 = arith.constant 0 : i32
      %dma_wait3A_827 = tpu.memref_slice %arg3[%dma_wait3A_825, %dma_wait3A_826] : memref<500000x128xf32, #tpu.memory_space<hbm>> -> memref<500000x128xf32, #tpu.memory_space<hbm>>
      tpu.wait_indirect_dma semaphore(%arg17 : memref<!tpu.dma_semaphore, #tpu.memory_space<semaphore_mem>>) src(%dma_wait3A_827 : memref<500000x128xf32, #tpu.memory_space<hbm>>) dst(%arg10 : memref<128x128xf32, #tpu.memory_space<vmem>>)
      %add3A_828 = arith.constant 3 : i32
      %add3A_829 = arith.addi %add3A_819, %add3A_828 : i32
      %lt3A_830 = arith.constant 800 : i32
      %lt3A_831 = arith.cmpi slt, %add3A_829, %lt3A_830 : i32
      %convert_element_type3A_832 = arith.extui %lt3A_831 : i1 to i32
      %cond3A_833 = arith.constant 0 : i32
      %cond3A_834 = arith.cmpi ne, %convert_element_type3A_832, %cond3A_833 : i32
      scf.if %cond3A_834 {
        %add3A_1035 = arith.constant 3 : i32
        %add3A_1036 = arith.addi %add3A_819, %add3A_1035 : i32
        %jit3A_1037 = arith.constant 16 : i32
        %div3A_1038 = arith.divsi %add3A_1036, %jit3A_1037 : i32
        %sign3A_1039 = arith.constant 0 : i32
        %sign3A_1040 = arith.cmpi sgt, %add3A_1036, %sign3A_1039 : i32
        %sign3A_1041 = arith.extui %sign3A_1040 : i1 to i32
        %sign3A_1042 = arith.constant 0 : i32
        %sign3A_1043 = arith.cmpi slt, %add3A_1036, %sign3A_1042 : i32
        %sign3A_1044 = arith.extui %sign3A_1043 : i1 to i32
        %sign3A_1045 = arith.subi %sign3A_1041, %sign3A_1044 : i32
        %sign3A_1046 = arith.constant 0 : i32
        %sign3A_1047 = arith.cmpi sgt, %jit3A_1037, %sign3A_1046 : i32
        %sign3A_1048 = arith.extui %sign3A_1047 : i1 to i32
        %sign3A_1049 = arith.constant 0 : i32
        %sign3A_1050 = arith.cmpi slt, %jit3A_1037, %sign3A_1049 : i32
        %sign3A_1051 = arith.extui %sign3A_1050 : i1 to i32
        %sign3A_1052 = arith.subi %sign3A_1048, %sign3A_1051 : i32
        %ne3A_1053 = arith.cmpi ne, %sign3A_1045, %sign3A_1052 : i32
        %rem3A_1054 = arith.remsi %add3A_1036, %jit3A_1037 : i32
        %ne3A_1055 = arith.constant 0 : i32
        %ne3A_1056 = arith.cmpi ne, %rem3A_1054, %ne3A_1055 : i32
        %and3A_1057 = arith.andi %ne3A_1053, %ne3A_1056 : i1
        %sub3A_1058 = arith.constant 1 : i32
        %sub3A_1059 = arith.subi %div3A_1038, %sub3A_1058 : i32
        %select_n3A_1060 = arith.select %and3A_1057, %sub3A_1059, %div3A_1038 : i32
        %rem3A_1061 = arith.constant 2 : i32
        %rem3A_1062 = arith.remsi %select_n3A_1060, %rem3A_1061 : i32
        %jit3A_1063 = arith.constant 4 : i32
        %div3A_1064 = arith.divsi %add3A_1036, %jit3A_1063 : i32
        %sign3A_1065 = arith.constant 0 : i32
        %sign3A_1066 = arith.cmpi sgt, %add3A_1036, %sign3A_1065 : i32
        %sign3A_1067 = arith.extui %sign3A_1066 : i1 to i32
        %sign3A_1068 = arith.constant 0 : i32
        %sign3A_1069 = arith.cmpi slt, %add3A_1036, %sign3A_1068 : i32
        %sign3A_1070 = arith.extui %sign3A_1069 : i1 to i32
        %sign3A_1071 = arith.subi %sign3A_1067, %sign3A_1070 : i32
        %sign3A_1072 = arith.constant 0 : i32
        %sign3A_1073 = arith.cmpi sgt, %jit3A_1063, %sign3A_1072 : i32
        %sign3A_1074 = arith.extui %sign3A_1073 : i1 to i32
        %sign3A_1075 = arith.constant 0 : i32
        %sign3A_1076 = arith.cmpi slt, %jit3A_1063, %sign3A_1075 : i32
        %sign3A_1077 = arith.extui %sign3A_1076 : i1 to i32
        %sign3A_1078 = arith.subi %sign3A_1074, %sign3A_1077 : i32
        %ne3A_1079 = arith.cmpi ne, %sign3A_1071, %sign3A_1078 : i32
        %rem3A_1080 = arith.remsi %add3A_1036, %jit3A_1063 : i32
        %ne3A_1081 = arith.constant 0 : i32
        %ne3A_1082 = arith.cmpi ne, %rem3A_1080, %ne3A_1081 : i32
        %and3A_1083 = arith.andi %ne3A_1079, %ne3A_1082 : i1
        %sub3A_1084 = arith.constant 1 : i32
        %sub3A_1085 = arith.subi %div3A_1064, %sub3A_1084 : i32
        %select_n3A_1086 = arith.select %and3A_1083, %sub3A_1085, %div3A_1064 : i32
        %rem3A_1087 = arith.constant 4 : i32
        %rem3A_1088 = arith.remsi %select_n3A_1086, %rem3A_1087 : i32
        %rem3A_1089 = arith.constant 4 : i32
        %rem3A_1090 = arith.remsi %add3A_1036, %rem3A_1089 : i32
        %mul3A_1091 = arith.constant 128 : i32
        %mul3A_1092 = arith.muli %rem3A_1090, %mul3A_1091 : i32
        %dma_start3A_1093 = tpu.memref_slice %arg6[%rem3A_1062, %rem3A_1088, %mul3A_1092] : memref<2x4x512xi32, #tpu.memory_space<vmem>> -> memref<1x1x128xi32, #tpu.memory_space<vmem>>
        %dma_start3A_1094 = tpu.memref_squeeze %dma_start3A_1093 : memref<1x1x128xi32, #tpu.memory_space<vmem>> -> memref<128xi32, #tpu.memory_space<vmem>>
        %dma_start3A_1095 = arith.constant 0 : i32
        %dma_start3A_1096 = arith.constant 0 : i32
        %dma_start3A_1097 = tpu.memref_slice %arg3[%dma_start3A_1095, %dma_start3A_1096] : memref<500000x128xf32, #tpu.memory_space<hbm>> -> memref<500000x128xf32, #tpu.memory_space<hbm>>
        tpu.enqueue_indirect_dma source(%dma_start3A_1097 : memref<500000x128xf32, #tpu.memory_space<hbm>>) target(%arg9 : memref<128x128xf32, #tpu.memory_space<vmem>>) offsets(%dma_start3A_1094 : memref<128xi32, #tpu.memory_space<vmem>>) semaphore(%arg16 : memref<!tpu.dma_semaphore, #tpu.memory_space<semaphore_mem>>)
      } else {
      }
      %ge3A_835 = arith.constant 2 : i32
      %ge3A_836 = arith.cmpi sge, %add3A_819, %ge3A_835 : i32
      %convert_element_type3A_837 = arith.extui %ge3A_836 : i1 to i32
      %cond3A_838 = arith.constant 0 : i32
      %cond3A_839 = arith.cmpi ne, %convert_element_type3A_837, %cond3A_838 : i32
      scf.if %cond3A_839 {
        %dma_wait3A_1035 = arith.constant 0 : i32
        %dma_wait3A_1036 = arith.constant 0 : i32
        %dma_wait3A_1037 = arith.constant 0 : i32
        %dma_wait3A_1038 = arith.constant 0 : i32
        %dma_wait3A_1039 = arith.constant 0 : i32
        %dma_wait3A_1040 = tpu.memref_slice %arg4[%dma_wait3A_1035, %dma_wait3A_1037, %dma_wait3A_1036, %dma_wait3A_1038, %dma_wait3A_1039] : memref<200x8x128x8x128xf32, #tpu.memory_space<hbm>> -> memref<1x8x1x8x128xf32, #tpu.memory_space<hbm>>
        %dma_wait3A_1041 = tpu.memref_squeeze %dma_wait3A_1040 : memref<1x8x1x8x128xf32, #tpu.memory_space<hbm>> -> memref<8x8x128xf32, #tpu.memory_space<hbm>>
        %dma_wait3A_1042 = arith.constant 0 : i32
        %dma_wait3A_1043 = arith.constant 0 : i32
        %dma_wait3A_1044 = arith.constant 0 : i32
        %dma_wait3A_1045 = tpu.memref_slice %arg4[%dma_wait3A_1035, %dma_wait3A_1042, %dma_wait3A_1036, %dma_wait3A_1043, %dma_wait3A_1044] : memref<200x8x128x8x128xf32, #tpu.memory_space<hbm>> -> memref<1x8x1x8x128xf32, #tpu.memory_space<hbm>>
        %dma_wait3A_1046 = tpu.memref_squeeze %dma_wait3A_1045 : memref<1x8x1x8x128xf32, #tpu.memory_space<hbm>> -> memref<8x8x128xf32, #tpu.memory_space<hbm>>
        tpu.wait_dma2 semaphore(%arg19 : memref<!tpu.dma_semaphore, #tpu.memory_space<semaphore_mem>>) src(%arg12 : memref<8x8x128xf32, #tpu.memory_space<vmem>>) dst(%dma_wait3A_1046 : memref<8x8x128xf32, #tpu.memory_space<hbm>>)
      } else {
      }
      %jit3A_840 = arith.constant 16 : i32
      %div3A_841 = arith.divsi %add3A_819, %jit3A_840 : i32
      %sign3A_842 = arith.constant 0 : i32
      %sign3A_843 = arith.cmpi sgt, %add3A_819, %sign3A_842 : i32
      %sign3A_844 = arith.extui %sign3A_843 : i1 to i32
      %sign3A_845 = arith.constant 0 : i32
      %sign3A_846 = arith.cmpi slt, %add3A_819, %sign3A_845 : i32
      %sign3A_847 = arith.extui %sign3A_846 : i1 to i32
      %sign3A_848 = arith.subi %sign3A_844, %sign3A_847 : i32
      %sign3A_849 = arith.constant 0 : i32
      %sign3A_850 = arith.cmpi sgt, %jit3A_840, %sign3A_849 : i32
      %sign3A_851 = arith.extui %sign3A_850 : i1 to i32
      %sign3A_852 = arith.constant 0 : i32
      %sign3A_853 = arith.cmpi slt, %jit3A_840, %sign3A_852 : i32
      %sign3A_854 = arith.extui %sign3A_853 : i1 to i32
      %sign3A_855 = arith.subi %sign3A_851, %sign3A_854 : i32
      %ne3A_856 = arith.cmpi ne, %sign3A_848, %sign3A_855 : i32
      %rem3A_857 = arith.remsi %add3A_819, %jit3A_840 : i32
      %ne3A_858 = arith.constant 0 : i32
      %ne3A_859 = arith.cmpi ne, %rem3A_857, %ne3A_858 : i32
      %and3A_860 = arith.andi %ne3A_856, %ne3A_859 : i1
      %sub3A_861 = arith.constant 1 : i32
      %sub3A_862 = arith.subi %div3A_841, %sub3A_861 : i32
      %select_n3A_863 = arith.select %and3A_860, %sub3A_862, %div3A_841 : i32
      %rem3A_864 = arith.constant 2 : i32
      %rem3A_865 = arith.remsi %select_n3A_863, %rem3A_864 : i32
      %jit3A_866 = arith.constant 4 : i32
      %div3A_867 = arith.divsi %add3A_819, %jit3A_866 : i32
      %sign3A_868 = arith.constant 0 : i32
      %sign3A_869 = arith.cmpi sgt, %add3A_819, %sign3A_868 : i32
      %sign3A_870 = arith.extui %sign3A_869 : i1 to i32
      %sign3A_871 = arith.constant 0 : i32
      %sign3A_872 = arith.cmpi slt, %add3A_819, %sign3A_871 : i32
      %sign3A_873 = arith.extui %sign3A_872 : i1 to i32
      %sign3A_874 = arith.subi %sign3A_870, %sign3A_873 : i32
      %sign3A_875 = arith.constant 0 : i32
      %sign3A_876 = arith.cmpi sgt, %jit3A_866, %sign3A_875 : i32
      %sign3A_877 = arith.extui %sign3A_876 : i1 to i32
      %sign3A_878 = arith.constant 0 : i32
      %sign3A_879 = arith.cmpi slt, %jit3A_866, %sign3A_878 : i32
      %sign3A_880 = arith.extui %sign3A_879 : i1 to i32
      %sign3A_881 = arith.subi %sign3A_877, %sign3A_880 : i32
      %ne3A_882 = arith.cmpi ne, %sign3A_874, %sign3A_881 : i32
      %rem3A_883 = arith.remsi %add3A_819, %jit3A_866 : i32
      %ne3A_884 = arith.constant 0 : i32
      %ne3A_885 = arith.cmpi ne, %rem3A_883, %ne3A_884 : i32
      %and3A_886 = arith.andi %ne3A_882, %ne3A_885 : i1
      %sub3A_887 = arith.constant 1 : i32
      %sub3A_888 = arith.subi %div3A_867, %sub3A_887 : i32
      %select_n3A_889 = arith.select %and3A_886, %sub3A_888, %div3A_867 : i32
      %rem3A_890 = arith.constant 4 : i32
      %rem3A_891 = arith.remsi %select_n3A_889, %rem3A_890 : i32
      %rem3A_892 = arith.constant 4 : i32
      %rem3A_893 = arith.remsi %add3A_819, %rem3A_892 : i32
      %mul3A_894 = arith.constant 128 : i32
      %mul3A_895 = arith.muli %rem3A_893, %mul3A_894 : i32
      %add3A_896 = arith.constant 0 : i32
      %add3A_897 = arith.addi %mul3A_895, %add3A_896 : i32
      %get3A_898 = arith.index_cast %rem3A_865 : i32 to index
      %get3A_899 = arith.index_cast %rem3A_891 : i32 to index
      %get3A_900 = arith.index_cast %add3A_897 : i32 to index
      %get3A_901 = tpu.vector_load %arg5[%get3A_898, %get3A_899, %get3A_900] {strides = array<i32>} : memref<2x4x512xi32, #tpu.memory_space<vmem>>, vector<16xi32>,
      %and3A_902 = arith.constant 1 : i32
      %and3A_903 = vector.broadcast %and3A_902 : i32 to vector<16xi32>
      %and3A_904 = arith.andi %get3A_901, %and3A_903 : vector<16xi32>
      %shift_left3A_905 = arith.constant 6 : i32
      %shift_left3A_906 = vector.broadcast %shift_left3A_905 : i32 to vector<16xi32>
      %shift_left3A_907 = arith.shli %and3A_904, %shift_left3A_906 : vector<16xi32>
      %add3A_908 = arith.constant 16 : i32
      %add3A_909 = arith.addi %mul3A_895, %add3A_908 : i32
      %get3A_910 = arith.index_cast %rem3A_865 : i32 to index
      %get3A_911 = arith.index_cast %rem3A_891 : i32 to index
      %get3A_912 = arith.index_cast %add3A_909 : i32 to index
      %get3A_913 = tpu.vector_load %arg5[%get3A_910, %get3A_911, %get3A_912] {strides = array<i32>} : memref<2x4x512xi32, #tpu.memory_space<vmem>>, vector<16xi32>,
      %and3A_914 = arith.constant 1 : i32
      %and3A_915 = vector.broadcast %and3A_914 : i32 to vector<16xi32>
      %and3A_916 = arith.andi %get3A_913, %and3A_915 : vector<16xi32>
      %shift_left3A_917 = arith.constant 6 : i32
      %shift_left3A_918 = vector.broadcast %shift_left3A_917 : i32 to vector<16xi32>
      %shift_left3A_919 = arith.shli %and3A_916, %shift_left3A_918 : vector<16xi32>
      %add3A_920 = arith.constant 32 : i32
      %add3A_921 = arith.addi %mul3A_895, %add3A_920 : i32
      %get3A_922 = arith.index_cast %rem3A_865 : i32 to index
      %get3A_923 = arith.index_cast %rem3A_891 : i32 to index
      %get3A_924 = arith.index_cast %add3A_921 : i32 to index
      %get3A_925 = tpu.vector_load %arg5[%get3A_922, %get3A_923, %get3A_924] {strides = array<i32>} : memref<2x4x512xi32, #tpu.memory_space<vmem>>, vector<16xi32>,
      %and3A_926 = arith.constant 1 : i32
      %and3A_927 = vector.broadcast %and3A_926 : i32 to vector<16xi32>
      %and3A_928 = arith.andi %get3A_925, %and3A_927 : vector<16xi32>
      %shift_left3A_929 = arith.constant 6 : i32
      %shift_left3A_930 = vector.broadcast %shift_left3A_929 : i32 to vector<16xi32>
      %shift_left3A_931 = arith.shli %and3A_928, %shift_left3A_930 : vector<16xi32>
      %add3A_932 = arith.constant 48 : i32
      %add3A_933 = arith.addi %mul3A_895, %add3A_932 : i32
      %get3A_934 = arith.index_cast %rem3A_865 : i32 to index
      %get3A_935 = arith.index_cast %rem3A_891 : i32 to index
      %get3A_936 = arith.index_cast %add3A_933 : i32 to index
      %get3A_937 = tpu.vector_load %arg5[%get3A_934, %get3A_935, %get3A_936] {strides = array<i32>} : memref<2x4x512xi32, #tpu.memory_space<vmem>>, vector<16xi32>,
      %and3A_938 = arith.constant 1 : i32
      %and3A_939 = vector.broadcast %and3A_938 : i32 to vector<16xi32>
      %and3A_940 = arith.andi %get3A_937, %and3A_939 : vector<16xi32>
      %shift_left3A_941 = arith.constant 6 : i32
      %shift_left3A_942 = vector.broadcast %shift_left3A_941 : i32 to vector<16xi32>
      %shift_left3A_943 = arith.shli %and3A_940, %shift_left3A_942 : vector<16xi32>
      %add3A_944 = arith.constant 64 : i32
      %add3A_945 = arith.addi %mul3A_895, %add3A_944 : i32
      %get3A_946 = arith.index_cast %rem3A_865 : i32 to index
      %get3A_947 = arith.index_cast %rem3A_891 : i32 to index
      %get3A_948 = arith.index_cast %add3A_945 : i32 to index
      %get3A_949 = tpu.vector_load %arg5[%get3A_946, %get3A_947, %get3A_948] {strides = array<i32>} : memref<2x4x512xi32, #tpu.memory_space<vmem>>, vector<16xi32>,
      %and3A_950 = arith.constant 1 : i32
      %and3A_951 = vector.broadcast %and3A_950 : i32 to vector<16xi32>
      %and3A_952 = arith.andi %get3A_949, %and3A_951 : vector<16xi32>
      %shift_left3A_953 = arith.constant 6 : i32
      %shift_left3A_954 = vector.broadcast %shift_left3A_953 : i32 to vector<16xi32>
      %shift_left3A_955 = arith.shli %and3A_952, %shift_left3A_954 : vector<16xi32>
      %add3A_956 = arith.constant 80 : i32
      %add3A_957 = arith.addi %mul3A_895, %add3A_956 : i32
      %get3A_958 = arith.index_cast %rem3A_865 : i32 to index
      %get3A_959 = arith.index_cast %rem3A_891 : i32 to index
      %get3A_960 = arith.index_cast %add3A_957 : i32 to index
      %get3A_961 = tpu.vector_load %arg5[%get3A_958, %get3A_959, %get3A_960] {strides = array<i32>} : memref<2x4x512xi32, #tpu.memory_space<vmem>>, vector<16xi32>,
      %and3A_962 = arith.constant 1 : i32
      %and3A_963 = vector.broadcast %and3A_962 : i32 to vector<16xi32>
      %and3A_964 = arith.andi %get3A_961, %and3A_963 : vector<16xi32>
      %shift_left3A_965 = arith.constant 6 : i32
      %shift_left3A_966 = vector.broadcast %shift_left3A_965 : i32 to vector<16xi32>
      %shift_left3A_967 = arith.shli %and3A_964, %shift_left3A_966 : vector<16xi32>
      %add3A_968 = arith.constant 96 : i32
      %add3A_969 = arith.addi %mul3A_895, %add3A_968 : i32
      %get3A_970 = arith.index_cast %rem3A_865 : i32 to index
      %get3A_971 = arith.index_cast %rem3A_891 : i32 to index
      %get3A_972 = arith.index_cast %add3A_969 : i32 to index
      %get3A_973 = tpu.vector_load %arg5[%get3A_970, %get3A_971, %get3A_972] {strides = array<i32>} : memref<2x4x512xi32, #tpu.memory_space<vmem>>, vector<16xi32>,
      %and3A_974 = arith.constant 1 : i32
      %and3A_975 = vector.broadcast %and3A_974 : i32 to vector<16xi32>
      %and3A_976 = arith.andi %get3A_973, %and3A_975 : vector<16xi32>
      %shift_left3A_977 = arith.constant 6 : i32
      %shift_left3A_978 = vector.broadcast %shift_left3A_977 : i32 to vector<16xi32>
      %shift_left3A_979 = arith.shli %and3A_976, %shift_left3A_978 : vector<16xi32>
      %add3A_980 = arith.constant 112 : i32
      %add3A_981 = arith.addi %mul3A_895, %add3A_980 : i32
      %get3A_982 = arith.index_cast %rem3A_865 : i32 to index
      %get3A_983 = arith.index_cast %rem3A_891 : i32 to index
      %get3A_984 = arith.index_cast %add3A_981 : i32 to index
      %get3A_985 = tpu.vector_load %arg5[%get3A_982, %get3A_983, %get3A_984] {strides = array<i32>} : memref<2x4x512xi32, #tpu.memory_space<vmem>>, vector<16xi32>,
      %and3A_986 = arith.constant 1 : i32
      %and3A_987 = vector.broadcast %and3A_986 : i32 to vector<16xi32>
      %and3A_988 = arith.andi %get3A_985, %and3A_987 : vector<16xi32>
      %shift_left3A_989 = arith.constant 6 : i32
      %shift_left3A_990 = vector.broadcast %shift_left3A_989 : i32 to vector<16xi32>
      %shift_left3A_991 = arith.shli %and3A_988, %shift_left3A_990 : vector<16xi32>
      %scan3A_992 = arith.constant 0 : i32
      %scan3A_993 = arith.constant 0 : i32
      %scan3A_994 = arith.constant 16 : i32
      %scan3A_995 = arith.addi %scan3A_993, %scan3A_994 : i32
      %scan3A_996 = arith.constant 1 : i32
      scf.for %scan3A_1035 = %scan3A_993 to %scan3A_995 step %scan3A_996  : i32 {
        %add3A_1036 = vector.broadcast %scan3A_1035 : i32 to vector<16xi32>
        %add3A_1037 = arith.addi %iota3A, %add3A_1036 : vector<16xi32>
        %rem3A_1038 = arith.remsi %add3A_1037, %broadcast_in_dim3A_29 : vector<16xi32>
        %add3A_1039 = arith.constant 0 : i32
        %add3A_1040 = vector.broadcast %add3A_1039 : i32 to vector<16xi32>
        %add3A_1041 = arith.addi %rem3A_1038, %add3A_1040 : vector<16xi32>
        %shift_right_logical3A = arith.constant 3 : i32
        %shift_right_logical3A_1042 = vector.broadcast %shift_right_logical3A : i32 to vector<16xi32>
        %shift_right_logical3A_1043 = arith.shrui %add3A_1041, %shift_right_logical3A_1042 : vector<16xi32>
        %and3A_1044 = arith.constant 7 : i32
        %and3A_1045 = vector.broadcast %and3A_1044 : i32 to vector<16xi32>
        %and3A_1046 = arith.andi %add3A_1041, %and3A_1045 : vector<16xi32>
        %add3A_1047 = arith.addi %add3A_1041, %shift_left3A_907 : vector<16xi32>
        %gather3A = tpu.vector_load_idx %arg10[%add3A_7, %add3A_1047] : memref<128x128xf32, #tpu.memory_space<vmem>>[vector<16xi32>, vector<16xi32>], vector<16xf32>,
        %add3A_1048 = arith.addi %add3A_1041, %shift_left3A_919 : vector<16xi32>
        %gather3A_1049 = tpu.vector_load_idx %arg10[%add3A_10, %add3A_1048] : memref<128x128xf32, #tpu.memory_space<vmem>>[vector<16xi32>, vector<16xi32>], vector<16xf32>,
        %add3A_1050 = arith.addi %add3A_1041, %shift_left3A_931 : vector<16xi32>
        %gather3A_1051 = tpu.vector_load_idx %arg10[%add3A_13, %add3A_1050] : memref<128x128xf32, #tpu.memory_space<vmem>>[vector<16xi32>, vector<16xi32>], vector<16xf32>,
        %add3A_1052 = arith.addi %add3A_1041, %shift_left3A_943 : vector<16xi32>
        %gather3A_1053 = tpu.vector_load_idx %arg10[%add3A_16, %add3A_1052] : memref<128x128xf32, #tpu.memory_space<vmem>>[vector<16xi32>, vector<16xi32>], vector<16xf32>,
        %add3A_1054 = arith.addi %add3A_1041, %shift_left3A_955 : vector<16xi32>
        %gather3A_1055 = tpu.vector_load_idx %arg10[%add3A_19, %add3A_1054] : memref<128x128xf32, #tpu.memory_space<vmem>>[vector<16xi32>, vector<16xi32>], vector<16xf32>,
        %add3A_1056 = arith.addi %add3A_1041, %shift_left3A_967 : vector<16xi32>
        %gather3A_1057 = tpu.vector_load_idx %arg10[%add3A_22, %add3A_1056] : memref<128x128xf32, #tpu.memory_space<vmem>>[vector<16xi32>, vector<16xi32>], vector<16xf32>,
        %add3A_1058 = arith.addi %add3A_1041, %shift_left3A_979 : vector<16xi32>
        %gather3A_1059 = tpu.vector_load_idx %arg10[%add3A_25, %add3A_1058] : memref<128x128xf32, #tpu.memory_space<vmem>>[vector<16xi32>, vector<16xi32>], vector<16xf32>,
        %add3A_1060 = arith.addi %add3A_1041, %shift_left3A_991 : vector<16xi32>
        %gather3A_1061 = tpu.vector_load_idx %arg10[%add3A_28, %add3A_1060] : memref<128x128xf32, #tpu.memory_space<vmem>>[vector<16xi32>, vector<16xi32>], vector<16xf32>,
        %add3A_1062 = arith.constant 16 : i32
        %add3A_1063 = vector.broadcast %add3A_1062 : i32 to vector<16xi32>
        %add3A_1064 = arith.addi %rem3A_1038, %add3A_1063 : vector<16xi32>
        %shift_right_logical3A_1065 = arith.constant 3 : i32
        %shift_right_logical3A_1066 = vector.broadcast %shift_right_logical3A_1065 : i32 to vector<16xi32>
        %shift_right_logical3A_1067 = arith.shrui %add3A_1064, %shift_right_logical3A_1066 : vector<16xi32>
        %and3A_1068 = arith.constant 7 : i32
        %and3A_1069 = vector.broadcast %and3A_1068 : i32 to vector<16xi32>
        %and3A_1070 = arith.andi %add3A_1064, %and3A_1069 : vector<16xi32>
        %add3A_1071 = arith.addi %add3A_1064, %shift_left3A_907 : vector<16xi32>
        %gather3A_1072 = tpu.vector_load_idx %arg10[%add3A_7, %add3A_1071] : memref<128x128xf32, #tpu.memory_space<vmem>>[vector<16xi32>, vector<16xi32>], vector<16xf32>,
        %add3A_1073 = arith.addi %add3A_1064, %shift_left3A_919 : vector<16xi32>
        %gather3A_1074 = tpu.vector_load_idx %arg10[%add3A_10, %add3A_1073] : memref<128x128xf32, #tpu.memory_space<vmem>>[vector<16xi32>, vector<16xi32>], vector<16xf32>,
        %add3A_1075 = arith.addi %add3A_1064, %shift_left3A_931 : vector<16xi32>
        %gather3A_1076 = tpu.vector_load_idx %arg10[%add3A_13, %add3A_1075] : memref<128x128xf32, #tpu.memory_space<vmem>>[vector<16xi32>, vector<16xi32>], vector<16xf32>,
        %add3A_1077 = arith.addi %add3A_1064, %shift_left3A_943 : vector<16xi32>
        %gather3A_1078 = tpu.vector_load_idx %arg10[%add3A_16, %add3A_1077] : memref<128x128xf32, #tpu.memory_space<vmem>>[vector<16xi32>, vector<16xi32>], vector<16xf32>,
        %add3A_1079 = arith.addi %add3A_1064, %shift_left3A_955 : vector<16xi32>
        %gather3A_1080 = tpu.vector_load_idx %arg10[%add3A_19, %add3A_1079] : memref<128x128xf32, #tpu.memory_space<vmem>>[vector<16xi32>, vector<16xi32>], vector<16xf32>,
        %add3A_1081 = arith.addi %add3A_1064, %shift_left3A_967 : vector<16xi32>
        %gather3A_1082 = tpu.vector_load_idx %arg10[%add3A_22, %add3A_1081] : memref<128x128xf32, #tpu.memory_space<vmem>>[vector<16xi32>, vector<16xi32>], vector<16xf32>,
        %add3A_1083 = arith.addi %add3A_1064, %shift_left3A_979 : vector<16xi32>
        %gather3A_1084 = tpu.vector_load_idx %arg10[%add3A_25, %add3A_1083] : memref<128x128xf32, #tpu.memory_space<vmem>>[vector<16xi32>, vector<16xi32>], vector<16xf32>,
        %add3A_1085 = arith.addi %add3A_1064, %shift_left3A_991 : vector<16xi32>
        %gather3A_1086 = tpu.vector_load_idx %arg10[%add3A_28, %add3A_1085] : memref<128x128xf32, #tpu.memory_space<vmem>>[vector<16xi32>, vector<16xi32>], vector<16xf32>,
        tpu.vector_store_idx %arg12[%shift_right_logical3A_1043, %and3A_1046, %add3A_7], %gather3A : memref<8x8x128xf32, #tpu.memory_space<vmem>>[vector<16xi32>, vector<16xi32>, vector<16xi32>], vector<16xf32>,
        tpu.vector_store_idx %arg12[%shift_right_logical3A_1043, %and3A_1046, %add3A_10], %gather3A_1049 : memref<8x8x128xf32, #tpu.memory_space<vmem>>[vector<16xi32>, vector<16xi32>, vector<16xi32>], vector<16xf32>,
        tpu.vector_store_idx %arg12[%shift_right_logical3A_1043, %and3A_1046, %add3A_13], %gather3A_1051 : memref<8x8x128xf32, #tpu.memory_space<vmem>>[vector<16xi32>, vector<16xi32>, vector<16xi32>], vector<16xf32>,
        tpu.vector_store_idx %arg12[%shift_right_logical3A_1043, %and3A_1046, %add3A_16], %gather3A_1053 : memref<8x8x128xf32, #tpu.memory_space<vmem>>[vector<16xi32>, vector<16xi32>, vector<16xi32>], vector<16xf32>,
        tpu.vector_store_idx %arg12[%shift_right_logical3A_1043, %and3A_1046, %add3A_19], %gather3A_1055 : memref<8x8x128xf32, #tpu.memory_space<vmem>>[vector<16xi32>, vector<16xi32>, vector<16xi32>], vector<16xf32>,
        tpu.vector_store_idx %arg12[%shift_right_logical3A_1043, %and3A_1046, %add3A_22], %gather3A_1057 : memref<8x8x128xf32, #tpu.memory_space<vmem>>[vector<16xi32>, vector<16xi32>, vector<16xi32>], vector<16xf32>,
        tpu.vector_store_idx %arg12[%shift_right_logical3A_1043, %and3A_1046, %add3A_25], %gather3A_1059 : memref<8x8x128xf32, #tpu.memory_space<vmem>>[vector<16xi32>, vector<16xi32>, vector<16xi32>], vector<16xf32>,
        tpu.vector_store_idx %arg12[%shift_right_logical3A_1043, %and3A_1046, %add3A_28], %gather3A_1061 : memref<8x8x128xf32, #tpu.memory_space<vmem>>[vector<16xi32>, vector<16xi32>, vector<16xi32>], vector<16xf32>,
        tpu.vector_store_idx %arg12[%shift_right_logical3A_1067, %and3A_1070, %add3A_7], %gather3A_1072 : memref<8x8x128xf32, #tpu.memory_space<vmem>>[vector<16xi32>, vector<16xi32>, vector<16xi32>], vector<16xf32>,
        tpu.vector_store_idx %arg12[%shift_right_logical3A_1067, %and3A_1070, %add3A_10], %gather3A_1074 : memref<8x8x128xf32, #tpu.memory_space<vmem>>[vector<16xi32>, vector<16xi32>, vector<16xi32>], vector<16xf32>,
        tpu.vector_store_idx %arg12[%shift_right_logical3A_1067, %and3A_1070, %add3A_13], %gather3A_1076 : memref<8x8x128xf32, #tpu.memory_space<vmem>>[vector<16xi32>, vector<16xi32>, vector<16xi32>], vector<16xf32>,
        tpu.vector_store_idx %arg12[%shift_right_logical3A_1067, %and3A_1070, %add3A_16], %gather3A_1078 : memref<8x8x128xf32, #tpu.memory_space<vmem>>[vector<16xi32>, vector<16xi32>, vector<16xi32>], vector<16xf32>,
        tpu.vector_store_idx %arg12[%shift_right_logical3A_1067, %and3A_1070, %add3A_19], %gather3A_1080 : memref<8x8x128xf32, #tpu.memory_space<vmem>>[vector<16xi32>, vector<16xi32>, vector<16xi32>], vector<16xf32>,
        tpu.vector_store_idx %arg12[%shift_right_logical3A_1067, %and3A_1070, %add3A_22], %gather3A_1082 : memref<8x8x128xf32, #tpu.memory_space<vmem>>[vector<16xi32>, vector<16xi32>, vector<16xi32>], vector<16xf32>,
        tpu.vector_store_idx %arg12[%shift_right_logical3A_1067, %and3A_1070, %add3A_25], %gather3A_1084 : memref<8x8x128xf32, #tpu.memory_space<vmem>>[vector<16xi32>, vector<16xi32>, vector<16xi32>], vector<16xf32>,
        tpu.vector_store_idx %arg12[%shift_right_logical3A_1067, %and3A_1070, %add3A_28], %gather3A_1086 : memref<8x8x128xf32, #tpu.memory_space<vmem>>[vector<16xi32>, vector<16xi32>, vector<16xi32>], vector<16xf32>,
        %add3A_1087 = arith.constant 32 : i32
        %add3A_1088 = vector.broadcast %add3A_1087 : i32 to vector<16xi32>
        %add3A_1089 = arith.addi %rem3A_1038, %add3A_1088 : vector<16xi32>
        %shift_right_logical3A_1090 = arith.constant 3 : i32
        %shift_right_logical3A_1091 = vector.broadcast %shift_right_logical3A_1090 : i32 to vector<16xi32>
        %shift_right_logical3A_1092 = arith.shrui %add3A_1089, %shift_right_logical3A_1091 : vector<16xi32>
        %and3A_1093 = arith.constant 7 : i32
        %and3A_1094 = vector.broadcast %and3A_1093 : i32 to vector<16xi32>
        %and3A_1095 = arith.andi %add3A_1089, %and3A_1094 : vector<16xi32>
        %add3A_1096 = arith.addi %add3A_1089, %shift_left3A_907 : vector<16xi32>
        %gather3A_1097 = tpu.vector_load_idx %arg10[%add3A_7, %add3A_1096] : memref<128x128xf32, #tpu.memory_space<vmem>>[vector<16xi32>, vector<16xi32>], vector<16xf32>,
        %add3A_1098 = arith.addi %add3A_1089, %shift_left3A_919 : vector<16xi32>
        %gather3A_1099 = tpu.vector_load_idx %arg10[%add3A_10, %add3A_1098] : memref<128x128xf32, #tpu.memory_space<vmem>>[vector<16xi32>, vector<16xi32>], vector<16xf32>,
        %add3A_1100 = arith.addi %add3A_1089, %shift_left3A_931 : vector<16xi32>
        %gather3A_1101 = tpu.vector_load_idx %arg10[%add3A_13, %add3A_1100] : memref<128x128xf32, #tpu.memory_space<vmem>>[vector<16xi32>, vector<16xi32>], vector<16xf32>,
        %add3A_1102 = arith.addi %add3A_1089, %shift_left3A_943 : vector<16xi32>
        %gather3A_1103 = tpu.vector_load_idx %arg10[%add3A_16, %add3A_1102] : memref<128x128xf32, #tpu.memory_space<vmem>>[vector<16xi32>, vector<16xi32>], vector<16xf32>,
        %add3A_1104 = arith.addi %add3A_1089, %shift_left3A_955 : vector<16xi32>
        %gather3A_1105 = tpu.vector_load_idx %arg10[%add3A_19, %add3A_1104] : memref<128x128xf32, #tpu.memory_space<vmem>>[vector<16xi32>, vector<16xi32>], vector<16xf32>,
        %add3A_1106 = arith.addi %add3A_1089, %shift_left3A_967 : vector<16xi32>
        %gather3A_1107 = tpu.vector_load_idx %arg10[%add3A_22, %add3A_1106] : memref<128x128xf32, #tpu.memory_space<vmem>>[vector<16xi32>, vector<16xi32>], vector<16xf32>,
        %add3A_1108 = arith.addi %add3A_1089, %shift_left3A_979 : vector<16xi32>
        %gather3A_1109 = tpu.vector_load_idx %arg10[%add3A_25, %add3A_1108] : memref<128x128xf32, #tpu.memory_space<vmem>>[vector<16xi32>, vector<16xi32>], vector<16xf32>,
        %add3A_1110 = arith.addi %add3A_1089, %shift_left3A_991 : vector<16xi32>
        %gather3A_1111 = tpu.vector_load_idx %arg10[%add3A_28, %add3A_1110] : memref<128x128xf32, #tpu.memory_space<vmem>>[vector<16xi32>, vector<16xi32>], vector<16xf32>,
        %add3A_1112 = arith.constant 48 : i32
        %add3A_1113 = vector.broadcast %add3A_1112 : i32 to vector<16xi32>
        %add3A_1114 = arith.addi %rem3A_1038, %add3A_1113 : vector<16xi32>
        %shift_right_logical3A_1115 = arith.constant 3 : i32
        %shift_right_logical3A_1116 = vector.broadcast %shift_right_logical3A_1115 : i32 to vector<16xi32>
        %shift_right_logical3A_1117 = arith.shrui %add3A_1114, %shift_right_logical3A_1116 : vector<16xi32>
        %and3A_1118 = arith.constant 7 : i32
        %and3A_1119 = vector.broadcast %and3A_1118 : i32 to vector<16xi32>
        %and3A_1120 = arith.andi %add3A_1114, %and3A_1119 : vector<16xi32>
        %add3A_1121 = arith.addi %add3A_1114, %shift_left3A_907 : vector<16xi32>
        %gather3A_1122 = tpu.vector_load_idx %arg10[%add3A_7, %add3A_1121] : memref<128x128xf32, #tpu.memory_space<vmem>>[vector<16xi32>, vector<16xi32>], vector<16xf32>,
        %add3A_1123 = arith.addi %add3A_1114, %shift_left3A_919 : vector<16xi32>
        %gather3A_1124 = tpu.vector_load_idx %arg10[%add3A_10, %add3A_1123] : memref<128x128xf32, #tpu.memory_space<vmem>>[vector<16xi32>, vector<16xi32>], vector<16xf32>,
        %add3A_1125 = arith.addi %add3A_1114, %shift_left3A_931 : vector<16xi32>
        %gather3A_1126 = tpu.vector_load_idx %arg10[%add3A_13, %add3A_1125] : memref<128x128xf32, #tpu.memory_space<vmem>>[vector<16xi32>, vector<16xi32>], vector<16xf32>,
        %add3A_1127 = arith.addi %add3A_1114, %shift_left3A_943 : vector<16xi32>
        %gather3A_1128 = tpu.vector_load_idx %arg10[%add3A_16, %add3A_1127] : memref<128x128xf32, #tpu.memory_space<vmem>>[vector<16xi32>, vector<16xi32>], vector<16xf32>,
        %add3A_1129 = arith.addi %add3A_1114, %shift_left3A_955 : vector<16xi32>
        %gather3A_1130 = tpu.vector_load_idx %arg10[%add3A_19, %add3A_1129] : memref<128x128xf32, #tpu.memory_space<vmem>>[vector<16xi32>, vector<16xi32>], vector<16xf32>,
        %add3A_1131 = arith.addi %add3A_1114, %shift_left3A_967 : vector<16xi32>
        %gather3A_1132 = tpu.vector_load_idx %arg10[%add3A_22, %add3A_1131] : memref<128x128xf32, #tpu.memory_space<vmem>>[vector<16xi32>, vector<16xi32>], vector<16xf32>,
        %add3A_1133 = arith.addi %add3A_1114, %shift_left3A_979 : vector<16xi32>
        %gather3A_1134 = tpu.vector_load_idx %arg10[%add3A_25, %add3A_1133] : memref<128x128xf32, #tpu.memory_space<vmem>>[vector<16xi32>, vector<16xi32>], vector<16xf32>,
        %add3A_1135 = arith.addi %add3A_1114, %shift_left3A_991 : vector<16xi32>
        %gather3A_1136 = tpu.vector_load_idx %arg10[%add3A_28, %add3A_1135] : memref<128x128xf32, #tpu.memory_space<vmem>>[vector<16xi32>, vector<16xi32>], vector<16xf32>,
        tpu.vector_store_idx %arg12[%shift_right_logical3A_1092, %and3A_1095, %add3A_7], %gather3A_1097 : memref<8x8x128xf32, #tpu.memory_space<vmem>>[vector<16xi32>, vector<16xi32>, vector<16xi32>], vector<16xf32>,
        tpu.vector_store_idx %arg12[%shift_right_logical3A_1092, %and3A_1095, %add3A_10], %gather3A_1099 : memref<8x8x128xf32, #tpu.memory_space<vmem>>[vector<16xi32>, vector<16xi32>, vector<16xi32>], vector<16xf32>,
        tpu.vector_store_idx %arg12[%shift_right_logical3A_1092, %and3A_1095, %add3A_13], %gather3A_1101 : memref<8x8x128xf32, #tpu.memory_space<vmem>>[vector<16xi32>, vector<16xi32>, vector<16xi32>], vector<16xf32>,
        tpu.vector_store_idx %arg12[%shift_right_logical3A_1092, %and3A_1095, %add3A_16], %gather3A_1103 : memref<8x8x128xf32, #tpu.memory_space<vmem>>[vector<16xi32>, vector<16xi32>, vector<16xi32>], vector<16xf32>,
        tpu.vector_store_idx %arg12[%shift_right_logical3A_1092, %and3A_1095, %add3A_19], %gather3A_1105 : memref<8x8x128xf32, #tpu.memory_space<vmem>>[vector<16xi32>, vector<16xi32>, vector<16xi32>], vector<16xf32>,
        tpu.vector_store_idx %arg12[%shift_right_logical3A_1092, %and3A_1095, %add3A_22], %gather3A_1107 : memref<8x8x128xf32, #tpu.memory_space<vmem>>[vector<16xi32>, vector<16xi32>, vector<16xi32>], vector<16xf32>,
        tpu.vector_store_idx %arg12[%shift_right_logical3A_1092, %and3A_1095, %add3A_25], %gather3A_1109 : memref<8x8x128xf32, #tpu.memory_space<vmem>>[vector<16xi32>, vector<16xi32>, vector<16xi32>], vector<16xf32>,
        tpu.vector_store_idx %arg12[%shift_right_logical3A_1092, %and3A_1095, %add3A_28], %gather3A_1111 : memref<8x8x128xf32, #tpu.memory_space<vmem>>[vector<16xi32>, vector<16xi32>, vector<16xi32>], vector<16xf32>,
        tpu.vector_store_idx %arg12[%shift_right_logical3A_1117, %and3A_1120, %add3A_7], %gather3A_1122 : memref<8x8x128xf32, #tpu.memory_space<vmem>>[vector<16xi32>, vector<16xi32>, vector<16xi32>], vector<16xf32>,
        tpu.vector_store_idx %arg12[%shift_right_logical3A_1117, %and3A_1120, %add3A_10], %gather3A_1124 : memref<8x8x128xf32, #tpu.memory_space<vmem>>[vector<16xi32>, vector<16xi32>, vector<16xi32>], vector<16xf32>,
        tpu.vector_store_idx %arg12[%shift_right_logical3A_1117, %and3A_1120, %add3A_13], %gather3A_1126 : memref<8x8x128xf32, #tpu.memory_space<vmem>>[vector<16xi32>, vector<16xi32>, vector<16xi32>], vector<16xf32>,
        tpu.vector_store_idx %arg12[%shift_right_logical3A_1117, %and3A_1120, %add3A_16], %gather3A_1128 : memref<8x8x128xf32, #tpu.memory_space<vmem>>[vector<16xi32>, vector<16xi32>, vector<16xi32>], vector<16xf32>,
        tpu.vector_store_idx %arg12[%shift_right_logical3A_1117, %and3A_1120, %add3A_19], %gather3A_1130 : memref<8x8x128xf32, #tpu.memory_space<vmem>>[vector<16xi32>, vector<16xi32>, vector<16xi32>], vector<16xf32>,
        tpu.vector_store_idx %arg12[%shift_right_logical3A_1117, %and3A_1120, %add3A_22], %gather3A_1132 : memref<8x8x128xf32, #tpu.memory_space<vmem>>[vector<16xi32>, vector<16xi32>, vector<16xi32>], vector<16xf32>,
        tpu.vector_store_idx %arg12[%shift_right_logical3A_1117, %and3A_1120, %add3A_25], %gather3A_1134 : memref<8x8x128xf32, #tpu.memory_space<vmem>>[vector<16xi32>, vector<16xi32>, vector<16xi32>], vector<16xf32>,
        tpu.vector_store_idx %arg12[%shift_right_logical3A_1117, %and3A_1120, %add3A_28], %gather3A_1136 : memref<8x8x128xf32, #tpu.memory_space<vmem>>[vector<16xi32>, vector<16xi32>, vector<16xi32>], vector<16xf32>,
      }
      %scan3A_997 = arith.constant 16 : i32
      %jit3A_998 = arith.constant 4 : i32
      %div3A_999 = arith.divsi %add3A_819, %jit3A_998 : i32
      %sign3A_1000 = arith.constant 0 : i32
      %sign3A_1001 = arith.cmpi sgt, %add3A_819, %sign3A_1000 : i32
      %sign3A_1002 = arith.extui %sign3A_1001 : i1 to i32
      %sign3A_1003 = arith.constant 0 : i32
      %sign3A_1004 = arith.cmpi slt, %add3A_819, %sign3A_1003 : i32
      %sign3A_1005 = arith.extui %sign3A_1004 : i1 to i32
      %sign3A_1006 = arith.subi %sign3A_1002, %sign3A_1005 : i32
      %sign3A_1007 = arith.constant 0 : i32
      %sign3A_1008 = arith.cmpi sgt, %jit3A_998, %sign3A_1007 : i32
      %sign3A_1009 = arith.extui %sign3A_1008 : i1 to i32
      %sign3A_1010 = arith.constant 0 : i32
      %sign3A_1011 = arith.cmpi slt, %jit3A_998, %sign3A_1010 : i32
      %sign3A_1012 = arith.extui %sign3A_1011 : i1 to i32
      %sign3A_1013 = arith.subi %sign3A_1009, %sign3A_1012 : i32
      %ne3A_1014 = arith.cmpi ne, %sign3A_1006, %sign3A_1013 : i32
      %rem3A_1015 = arith.remsi %add3A_819, %jit3A_998 : i32
      %ne3A_1016 = arith.constant 0 : i32
      %ne3A_1017 = arith.cmpi ne, %rem3A_1015, %ne3A_1016 : i32
      %and3A_1018 = arith.andi %ne3A_1014, %ne3A_1017 : i1
      %sub3A_1019 = arith.constant 1 : i32
      %sub3A_1020 = arith.subi %div3A_999, %sub3A_1019 : i32
      %select_n3A_1021 = arith.select %and3A_1018, %sub3A_1020, %div3A_999 : i32
      %rem3A_1022 = arith.constant 4 : i32
      %rem3A_1023 = arith.remsi %add3A_819, %rem3A_1022 : i32
      %add3A_1024 = arith.addi %mul3A_2, %rem3A_1023 : i32
      %dma_start3A_1025 = arith.constant 0 : i32
      %dma_start3A_1026 = arith.constant 0 : i32
      %dma_start3A_1027 = arith.constant 0 : i32
      %dma_start3A_1028 = tpu.memref_slice %arg4[%select_n3A_1021, %dma_start3A_1025, %add3A_1024, %dma_start3A_1026, %dma_start3A_1027] : memref<200x8x128x8x128xf32, #tpu.memory_space<hbm>> -> memref<1x8x1x8x128xf32, #tpu.memory_space<hbm>>
      %dma_start3A_1029 = tpu.memref_squeeze %dma_start3A_1028 : memref<1x8x1x8x128xf32, #tpu.memory_space<hbm>> -> memref<8x8x128xf32, #tpu.memory_space<hbm>>
      %dma_start3A_1030 = arith.constant 0 : i32
      %dma_start3A_1031 = arith.constant 0 : i32
      %dma_start3A_1032 = arith.constant 0 : i32
      %dma_start3A_1033 = tpu.memref_slice %arg4[%select_n3A_1021, %dma_start3A_1030, %add3A_1024, %dma_start3A_1031, %dma_start3A_1032] : memref<200x8x128x8x128xf32, #tpu.memory_space<hbm>> -> memref<1x8x1x8x128xf32, #tpu.memory_space<hbm>>
      %dma_start3A_1034 = tpu.memref_squeeze %dma_start3A_1033 : memref<1x8x1x8x128xf32, #tpu.memory_space<hbm>> -> memref<8x8x128xf32, #tpu.memory_space<hbm>>
      tpu.enqueue_dma source(%arg12 : memref<8x8x128xf32, #tpu.memory_space<vmem>>) target(%dma_start3A_1034 : memref<8x8x128xf32, #tpu.memory_space<hbm>>) target_semaphore(%arg19 : memref<!tpu.dma_semaphore, #tpu.memory_space<semaphore_mem>>)
    }
    %scan3A_133 = arith.constant 200 : i32
    %dma_wait3A_134 = arith.constant 0 : i32
    %dma_wait3A_135 = arith.constant 0 : i32
    %dma_wait3A_136 = arith.constant 0 : i32
    %dma_wait3A_137 = arith.constant 0 : i32
    %dma_wait3A_138 = arith.constant 0 : i32
    %dma_wait3A_139 = tpu.memref_slice %arg4[%dma_wait3A_134, %dma_wait3A_136, %dma_wait3A_135, %dma_wait3A_137, %dma_wait3A_138] : memref<200x8x128x8x128xf32, #tpu.memory_space<hbm>> -> memref<1x8x1x8x128xf32, #tpu.memory_space<hbm>>
    %dma_wait3A_140 = tpu.memref_squeeze %dma_wait3A_139 : memref<1x8x1x8x128xf32, #tpu.memory_space<hbm>> -> memref<8x8x128xf32, #tpu.memory_space<hbm>>
    %dma_wait3A_141 = arith.constant 0 : i32
    %dma_wait3A_142 = arith.constant 0 : i32
    %dma_wait3A_143 = arith.constant 0 : i32
    %dma_wait3A_144 = tpu.memref_slice %arg4[%dma_wait3A_134, %dma_wait3A_141, %dma_wait3A_135, %dma_wait3A_142, %dma_wait3A_143] : memref<200x8x128x8x128xf32, #tpu.memory_space<hbm>> -> memref<1x8x1x8x128xf32, #tpu.memory_space<hbm>>
    %dma_wait3A_145 = tpu.memref_squeeze %dma_wait3A_144 : memref<1x8x1x8x128xf32, #tpu.memory_space<hbm>> -> memref<8x8x128xf32, #tpu.memory_space<hbm>>
    tpu.wait_dma2 semaphore(%arg18 : memref<!tpu.dma_semaphore, #tpu.memory_space<semaphore_mem>>) src(%arg11 : memref<8x8x128xf32, #tpu.memory_space<vmem>>) dst(%dma_wait3A_145 : memref<8x8x128xf32, #tpu.memory_space<hbm>>)
    %dma_wait3A_146 = arith.constant 0 : i32
    %dma_wait3A_147 = arith.constant 0 : i32
    %dma_wait3A_148 = arith.constant 0 : i32
    %dma_wait3A_149 = arith.constant 0 : i32
    %dma_wait3A_150 = arith.constant 0 : i32
    %dma_wait3A_151 = tpu.memref_slice %arg4[%dma_wait3A_146, %dma_wait3A_148, %dma_wait3A_147, %dma_wait3A_149, %dma_wait3A_150] : memref<200x8x128x8x128xf32, #tpu.memory_space<hbm>> -> memref<1x8x1x8x128xf32, #tpu.memory_space<hbm>>
    %dma_wait3A_152 = tpu.memref_squeeze %dma_wait3A_151 : memref<1x8x1x8x128xf32, #tpu.memory_space<hbm>> -> memref<8x8x128xf32, #tpu.memory_space<hbm>>
    %dma_wait3A_153 = arith.constant 0 : i32
    %dma_wait3A_154 = arith.constant 0 : i32
    %dma_wait3A_155 = arith.constant 0 : i32
    %dma_wait3A_156 = tpu.memref_slice %arg4[%dma_wait3A_146, %dma_wait3A_153, %dma_wait3A_147, %dma_wait3A_154, %dma_wait3A_155] : memref<200x8x128x8x128xf32, #tpu.memory_space<hbm>> -> memref<1x8x1x8x128xf32, #tpu.memory_space<hbm>>
    %dma_wait3A_157 = tpu.memref_squeeze %dma_wait3A_156 : memref<1x8x1x8x128xf32, #tpu.memory_space<hbm>> -> memref<8x8x128xf32, #tpu.memory_space<hbm>>
    tpu.wait_dma2 semaphore(%arg19 : memref<!tpu.dma_semaphore, #tpu.memory_space<semaphore_mem>>) src(%arg12 : memref<8x8x128xf32, #tpu.memory_space<vmem>>) dst(%dma_wait3A_157 : memref<8x8x128xf32, #tpu.memory_space<hbm>>)
    return
  }
}

</mosaic_0001>

<sc_bundles>
// kernel: kernel.3.cloned.1.call-start
scs
__scs_entry_jumppad:
0x0: {  	(pc) =	sbr.rel $0x88, $3  }
0x1: {  	(tag) =	ssettag $0x0;
	lr =	simm.s32 $0x1  }
0x2: {  	[smem:$0x3F9F] =	sst lr;
	_ =	strace $0xD0000000  }
0x3: {  	_ = 	snop  }
0x4: {  	_ = 	snop  }
0x5: {  	_ = 	snop  }
0x6: {  	_ = 	snop  }
0x7: {  	_ = 	snop  }
__scs_overlays_trampoline_lowered:
0x8: {  	[smem:$0x3FAE] =	sst s0  }
0x9: {  	[smem:$0x3FAF] =	sst s1  }
0xa: {  	[smem:$0x3FB0] =	sst s2  }
0xb: {  	[smem:$0x3FB1] =	sst s3  }
0xc: {  	[smem:$0x3FB2] =	sst s4  }
0xd: {  	[smem:$0x3FB3] =	sst s5  }
0xe: {  	[smem:$0x3FB4] =	sst s6  }
0xf: {  	[smem:$0x3FB5] =	sst s7  }
0x10: {  	[smem:$0x3FB6] =	sst s8  }
0x11: {  	[smem:$0x3FB7] =	sst s9;
	s0 =	simm.s32 @!p0 $0x0  }
0x12: {  	s1 =	sld [smem:$0x3F9D];
	s0 =	simm.s32 @p0 $0x1  }
0x13: {  	[smem:$0x3FB8] =	sst s0;
	s0 =	simm.s32 @!p1 $0x0  }
0x14: {  	s2 =	sld [smem:$0x3F9C];
	s0 =	simm.s32 @p1 $0x1  }
0x15: {  	[smem:$0x3FB9] =	sst s0;
	s0 =	simm.s32 @!p2 $0x0  }
0x16: {  	s3 =	sld [smem:$0x3FDB];
	s0 =	simm.s32 @p2 $0x1  }
0x17: {  	s4 =	simm.s32 $0x1BF5;
	[smem:$0x3FBB] =	sst s0  }
0x18: {  	s0 =	sld [smem:$0x3F9E];
	_ =	swait.ge [sflag:s4], $0x0  }
0x19: {  	s7 =	sld [smem:$0x3F9F]  }
0x1a: {  	s8 =	sadd.s32 $0xFFFFE003, lr  }
0x1b: {  	s9 =	sadd.s32 $0xFFFFFEF7, lr;
	s5 =	simm.s32 $0xFFFFFFFF;
	p2 =	slt.u32 s8, $0xFFFFF086  }
0x1c: {  	p1 =	slt.u32 s9, $0xF7A;
	s5 =	simm.s32 @!p2 $0x0  }
0x1d: {  	s5 =	simm.s32 @p1 $0x1;
	p0 =	seq.s32 s7, s2  }
0x1e: {  	s7 =	smul.u32 @!p0 $0xF7A, s2;
	p2 =	seq.s32 @!p0 s5, $0x0  }
0x1f: {  	s9 =	smul.u32 $0xF7A, s1;
	s8 =	simm.s32 @!p0 $0x1BF5;
	p2 =	por !p2, p0  }
0x20: {  	[sflag:s8] =	ssyncset.s32 @!p0 $0xFFFFF086;
	s6 =	sadd.s32 @!p0 s3, s7;
	s7 =	simm.s32 @!p0 $0x108  }
0x21: {  	s3 =	sadd.s32 s3, s9;
	s6 =	sadd.s32 @!p0 $0x88, s6;
	s7 =	simm.s32 @p2 $0x1082  }
0x22: {  	[simem:s7], [sflag:s8] =	dma.local @!p0 [hbm:s6], $0xF7A  }
0x23: {  	s9 =	sor.u32 $0xD0000000, s2;
	s6 =	simm.s32 $0x108;
	_ =	swait.ge @!p0 [sflag:s8], $0x0  }
0x24: {  	s3 =	sadd.s32 $0x88, s3;
	s6 =	simm.s32 @!p1 $0x1082;
	[sflag:s4] =	ssyncset.s32 $0xFFFFF086  }
0x25: {  	[simem:s6], [sflag:s4] =	dma.local [hbm:s3], $0xF7A  }
0x26: {  	[smem:$0x3F9F] =	sst s1;
	(tag) =	ssettag s2;
	_ =	strace s9  }
0x27: {  	s1 =	sld [smem:$0x3FAF]  }
0x28: {  	s2 =	sld [smem:$0x3FB0]  }
0x29: {  	s4 =	sld [smem:$0x3FB2]  }
0x2a: {  	p0 =	seq.s32 s5, $0x0;
	s5 =	sld [smem:$0x3FB3]  }
0x2b: {  	s6 =	sld [smem:$0x3FB4]  }
0x2c: {  	s7 =	sld [smem:$0x3FB5]  }
0x2d: {  	s3 =	simm.s32 $0x108;
	s8 =	sld [smem:$0x3FB6]  }
0x2e: {  	s3 =	simm.s32 @!p0 $0x1082;
	s9 =	sld [smem:$0x3FB7]  }
0x2f: {  	lr =	sadd.s32 s0, s3;
	s0 =	sld [smem:$0x3FAE]  }
0x30: {  	s3 =	sld [smem:$0x3FB1]  }
0x31: {  	[smem:$0x3FBA] =	sst s10  }
0x32: {  	s10 =	sld [smem:$0x3FB8];
	_ =	sdelay $0x3  }
0x33: {  	p0 =	seq.s32 s10, $0x1;
	s10 =	sld [smem:$0x3FBA];
	_ =	sdelay $0x3  }
0x34: {  	[smem:$0x3FBA] =	sst s10  }
0x35: {  	s10 =	sld [smem:$0x3FB9];
	_ =	sdelay $0x3  }
0x36: {  	p1 =	seq.s32 s10, $0x1;
	s10 =	sld [smem:$0x3FBA];
	_ =	sdelay $0x3  }
0x37: {  	[smem:$0x3FBA] =	sst s10  }
0x38: {  	s10 =	sld [smem:$0x3FBB]  }
0x39: {  	_ = 	snop;
	(pc) =	sbr.ind lr, $3  }
0x3a: {  	_ = 	snop  }
0x3b: {  	_ = 	snop  }
0x3c: {  	p2 =	seq.s32 s10, $0x1;
	s10 =	sld [smem:$0x3FBA]  }
0x3d: {  	_ =	shalt  }
0x3e: {  	_ =	shalt  }
0x3f: {  	_ =	shalt  }
0x40: {  	_ =	shalt  }
0x41: {  	_ =	shalt  }
0x42: {  	_ =	shalt  }
0x43: {  	_ =	shalt  }
0x44: {  	_ =	shalt  }
0x45: {  	_ =	shalt  }
0x46: {  	_ =	shalt  }
0x47: {  	_ =	shalt  }
0x48: {  	_ =	shalt  }
0x49: {  	_ =	shalt  }
0x4a: {  	_ =	shalt  }
0x4b: {  	_ =	shalt  }
0x4c: {  	_ =	shalt  }
0x4d: {  	_ =	shalt  }
0x4e: {  	_ =	shalt  }
0x4f: {  	_ =	shalt  }
0x50: {  	_ =	shalt  }
0x51: {  	_ =	shalt  }
0x52: {  	_ =	shalt  }
0x53: {  	_ =	shalt  }
0x54: {  	_ =	shalt  }
0x55: {  	_ =	shalt  }
0x56: {  	_ =	shalt  }
0x57: {  	_ =	shalt  }
0x58: {  	_ =	shalt  }
0x59: {  	_ =	shalt  }
0x5a: {  	_ =	shalt  }
0x5b: {  	_ =	shalt  }
0x5c: {  	_ =	shalt  }
0x5d: {  	_ =	shalt  }
0x5e: {  	_ =	shalt  }
0x5f: {  	_ =	shalt  }
0x60: {  	_ =	shalt  }
0x61: {  	_ =	shalt  }
0x62: {  	_ =	shalt  }
0x63: {  	_ =	shalt  }
0x64: {  	_ =	shalt  }
0x65: {  	_ =	shalt  }
0x66: {  	_ =	shalt  }
0x67: {  	_ =	shalt  }
0x68: {  	_ =	shalt  }
0x69: {  	_ =	shalt  }
0x6a: {  	_ =	shalt  }
0x6b: {  	_ =	shalt  }
0x6c: {  	_ =	shalt  }
0x6d: {  	_ =	shalt  }
0x6e: {  	_ =	shalt  }
0x6f: {  	_ =	shalt  }
0x70: {  	_ =	shalt  }
0x71: {  	_ =	shalt  }
0x72: {  	_ =	shalt  }
0x73: {  	_ =	shalt  }
0x74: {  	_ =	shalt  }
0x75: {  	_ =	shalt  }
0x76: {  	_ =	shalt  }
0x77: {  	_ =	shalt  }
0x78: {  	_ =	shalt  }
0x79: {  	_ =	shalt  }
0x7a: {  	_ =	shalt  }
0x7b: {  	_ =	shalt  }
0x7c: {  	_ =	shalt  }
0x7d: {  	_ =	shalt  }
0x7e: {  	_ =	shalt  }
0x7f: {  	_ =	shalt  }
0x80: {  	_ =	shalt  }
0x81: {  	_ =	shalt  }
0x82: {  	_ =	shalt  }
0x83: {  	_ =	shalt  }
0x84: {  	_ =	shalt  }
0x85: {  	_ =	shalt  }
0x86: {  	_ =	shalt  }
0x87: {  	_ =	shalt  }
.Lfunc_end0:
.L_simem_size_0:
called_computation_lowered:
.L_overlay_start_0:
0x88: {  	s2 =	sld [smem:$0x3FD9]  }
0x89: {  	s3 =	sld [smem:$0x3FFE];
	_ =	sdelay $0x1  }
0x8a: {  	s1 =	srdreg.scid  }
0x8b: {  	s0 =	sand.u32 $0x1, s1  }
0x8c: {  	s17 =	sshll.u32 s0, $0xA;
	s2 =	sadd.s32 s3, s2  }
0x8d: {  	s2 =	sadd.s32 s2, s17  }
0x8e: {  	[smem:$0x3FC6] =	sst s2  }
0x8f: {  	_ = 	snop  }
0x90: {  	s2 =	sld [smem:$0x3FC9]  }
0x91: {  	s18 =	sld [smem:$0x3FD0];
	(tm) =	ssettm $0x1  }
0x92: {  	s4 =	sld [smem:$0x3FFB];
	_ =	sdelay $0x3  }
0x93: {  	_ =	strace s4  }
0x94: {  	s4 =	sld [smem:$0x3FFC];
	_ =	sdelay $0x3  }
0x95: {  	_ =	strace s4  }
0x96: {  	s4 =	sld [smem:$0x3FFD];
	_ =	sdelay $0x3  }
0x97: {  	_ =	strace s4  }
0x98: {  	_ =	strace $0x8FFFFFFF  }
0x99: {  	s19 =	sld [smem:$0x3FDB];
	_ =	sdelay $0x1  }
0x9a: {  	s5 =	simm.s32 $_scs_section_size  }
0x9b: {  	s6 =	simm.s32 $_size__tile_overlayer_lowered;
	s7 =	simm.s32 $_tile_overlayer_lowered  }
0x9c: {  	s22 =	simm.s32 $0x1BFF;
	s21 =	sshll.u32 s7, $0x1;
	s4 =	sadd.s32 s5, s19  }
0x9d: {  	s8 =	simm.s32 $0x0;
	s20 =	sshll.u32 s6, $0x1;
	s6 =	sadd.s32 s21, s4  }
0x9e: {  	[timem:s8], [sflag:s22] =	dma.local [hbm:s6], s20  }
0x9f: {  	_ =	swait.ge [sflag:s22], s20  }
0xa0: {  	s5 =	ssub.s32 $0x0, s20;
	[sflag:s22] =	ssyncset.done $0x0  }
0xa1: {  	[sflag:s22] =	ssyncadd.s32 s5;
	_ =	sdelay $0x1  }
0xa2: {  	s23 =	simm.s32 $0x1B8B  }
0xa3: {  	_ =	swait.ge [sflag:s23], $0x1  }
0xa4: {  	[sflag:s23] =	ssyncset.done $0x0  }
0xa5: {  	s25 =	simm.s32 $0x1B8E;
	s24 =	sld [smem:$0x3FFE];
	[sflag:s23] =	ssyncadd.s32 $0xFFFFFFFF  }
0xa6: {  	s26 =	simm.s32 $execute0_lowered;
	[smem:$0x3FD2] =	sst s25  }
0xa7: {  	s6 =	sshll.u32 s26, $0x1;
	_ =	strace $0x80000046;
	[dreg:$0x1] =	wrdreg $0xFFFFFFFF  }
0xa8: {  	s28 =	simm.s32 $_size_execute0_lowered;
	s4 =	sadd.s32 s4, s6;
	[dreg:$0x0] =	wrdreg $0x0  }
0xa9: {  	s6 =	sshll.u32 s28, $0x1;
	[dreg:$0x2] =	wrdreg s4  }
0xaa: {  	[dreg:$0x3] =	wrdreg s6  }
0xab: {  	[dreg:$0x4] =	wrdreg $0xC0  }
0xac: {  	_ =	task [dreg:s8], $0x5FFFF  }
0xad: {  	[dreg:$0x1] =	wrdreg $0xFFFFFFFF  }
0xae: {  	[dreg:$0x0] =	wrdreg $0x60  }
0xaf: {  	[dreg:$0x2] =	wrdreg s2  }
0xb0: {  	[dreg:$0x3] =	wrdreg s24  }
0xb1: {  	[dreg:$0x4] =	wrdreg s18  }
0xb2: {  	[dreg:$0x5] =	wrdreg $0x9  }
0xb3: {  	_ =	task.clear_ibuf [dreg:s8], $0x6FFFF;
	_ =	strace $0x90000046  }
0xb4: {  	s29 =	simm.s32 $0x9;
	_ =	strace $0x80000048  }
0xb5: {  	_ =	swait.ge [sflag:s29], $0x1  }
0xb6: {  	[sflag:s29] =	ssyncadd.s32 $0xFFFFFFFF  }
0xb7: {  	_ =	strace $0x90000048  }
0xb8: {  	_ =	sfence  }
0xb9: {  	s30 =	sld [smem:$0x0];
	_ =	sdelay $0x2  }
0xba: {  	s31 =	sshll.u32 s1, $0xD;
	s1 =	sshrl.u32 s1, $0x2  }
0xbb: {  	s3 =	sand.u32 $0x4000, s31;
	s1 =	sadd.s32 s1, s30  }
0xbc: {  	s0 =	sor.u32 s3, s0;
	s1 =	sshll.u32 s1, $0x11  }
0xbd: {  	s0 =	sor.u32 s1, s0  }
0xbe: {  	s0 =	sadd.s32 $0x8F2B, s0  }
0xbf: {  	[sflag:s0] =	ssyncadd.remote.s32 $0x1  }
0xc0: {  	_ =	sfence.sel $0xFFFF  }
0xc1: {  	[dreg:$0x0] =	wrdreg $0xFFFFFFFF;
	(pc) =	sbr.abs _section_cstart, $3  }
0xc2: {  	[dreg:$0x1] =	wrdreg $0xFFFFFFFF  }
0xc3: {  	_ =	task.clear_ibuf [dreg:s8], $0x2FFFF;
	_ =	strace $0x9FFFFFFF  }
0xc4: {  	(tm) =	ssettm $0x7FFFFFFF  }
0xc5: {  	_ =	shalt  }
tec
execute0_lowered:
.L_overlay_start_1:
0x0: {  	(tag) =	ssettag $0x1  }
0x1: {  	s0 =	rddreg [dreg:$0x0]  }
0x2: {  	s1 =	rddreg [dreg:$0x1]  }
0x3: {  	s2 =	rddreg [dreg:$0x2];
	s3 =	simm.s32 $0x0;
	s24 =	srdreg.scid  }
0x4: {  	s5 =	stileid.u32;
	s15 =	simm.s32 $0x200;
	s12 =	simm.s32 $0x400  }
0x5: {  	s22 =	simm.s32 $0x80;
	s17 =	simm.s32 $0x2000;
	s19 =	simm.s32 $0x6000  }
0x6: {  	s21 =	simm.s32 $0xA000;
	s23 =	simm.s32 $0xE000;
	s30 =	simm.s32 $0x3  }
0x7: {  	s28 =	simm.s32 $0x7;
	s29 =	simm.s32 $0x14000;
	s31 =	simm.s32 $0x6  }
0x8: {  	[smem:$0x7FF] =	sst s3;
	s3 =	sand.u32 $0x1, s24;
	s5 =	sshll.u32 s5, $0xA  }
0x9: {  	s24 =	simm.s32 $0x12000;
	s4 =	ssub.s32 $0x2, s3;
	s6 =	sshll.u32 s3, $0x9  }
0xa: {  	v0 =	vlaneseq.u32;
	_ =	strace $0x80000047;
	s25 =	sshrl.u32 s4, $0x1;
	s5 =	sor.u32 s6, s5  }
0xb: {  	v1 =	vmul.u32 $0x80, v0;
	v9 =	vor.u32 $0x10, v0;
	v10 =	vor.u32 $0x20, v0;
	s3 =	sadd.s32 $0x400, s1;
	s1 =	ssub.s32 s4, s25;
	s4 =	sadd.s32 s0, s5  }
0xc: {  	v11 =	vor.u32 $0x30, v0;
	v12 =	vor.u32 $0x40, v0;
	v13 =	vor.u32 $0x50, v0;
	s5 =	sadd.s32 s2, s5;
	s25 =	simm.s32 $0x20000;
	s2 =	simm.s32 $0x0  }
0xd: {  	v14 =	vor.u32 $0x60, v0;
	v15 =	vor.u32 $0x70, v0;
	v2 =	vor.u32 $0x800, v1;
	s0 =	sadd.s32 $0x40, s4;
	s8 =	sadd.s32 $0x80, s5;
	s9 =	sadd.s32 $0x100, s5  }
0xe: {  	v3 =	vor.u32 $0x1000, v1;
	v4 =	vor.u32 $0x1800, v1;
	v5 =	vor.u32 $0x2000, v1;
	s14 =	sadd.s32 $0x180, s5;
	s26 =	smax.u32 s1, $0x1;
	[dreg:$0x4] =	wrdreg s0  }
0xf: {  	v6 =	vor.u32 $0x2800, v1;
	v7 =	vor.u32 $0x3000, v1;
	v8 =	vor.u32 $0x3800, v1;
	[dreg:$0x5] =	wrdreg s26;
	s26 =	simm.s32 $0x2;
	s0 =	simm.s32 $0x5  }
.LBB2_1:
0x10: {  	[dreg:$0x6] =	wrdreg s2;
	s20 =	simm.s32 $0x0;
	s6 =	simm.s32 $0x1  }
0x11: {  	[tilespmem:s20], [sflag:$0x1] =	stream.strided.gather [hbm4b:s4+s15], $0x800, s12, s15, $0x38;
	[tilespmem:$0x16000] =	vst v63  }
0x12: {  	_ =	swait.ge [sflag:s6], $0x800  }
0x13: {  	s1 =	sand.u32 $0x70, s20;
	s2 =	sand.u32 $0x600, s20;
	[sflag:s6] =	ssyncset.done $0x0  }
0x14: {  	s2 =	sor.u32 s1, s2;
	[sflag:s6] =	ssyncadd.s32 $0xFFFFF800  }
0x15: {  	s1 =	simm.s32 $0x10;
	s6 =	simm.s32 $0x0;
	v16 =	vld [tilespmem:s2+$0x0]  }
.LBB2_2:
0x16: {  	p0 =	sne.s32 s1, $0x1F0  }
.Ltmp0:
0x17: {  	_ = 	snop;
	(pc) =	sbr.rel @p0 .LBB2_2-.Ltmp0, $4  }
0x18: {  	s6 =	sadd.s32 $0x40, s6  }
0x19: {  	s7 =	sand.u32 $0x70, s1;
	s10 =	sand.u32 $0x600, s6  }
0x1a: {  	s7 =	sor.u32 s7, s10;
	v17 =	vshrl.u32 v16, $0x1  }
0x1b: {  	s1 =	sadd.s32 $0x10, s1;
	v16 =	vld [tilespmem:s7+$0x0];
	[tilespmem:s2+$0x1000] =	vst v17;
	s2 =	smov.u32 s7  }
0x1c: {  	_ =	sdelay $0x2  }
0x1d: {  	s1 =	simm.s32 $0x0  }
0x1e: {  	s6 =	sand.u32 $0x70, s1;
	s7 =	sand.u32 $0x600, s1;
	v16 =	vshrl.u32 v16, $0x1  }
0x1f: {  	[tilespmem:s2+$0x1000] =	vst v16;
	s2 =	sor.u32 s6, s7  }
0x20: {  	s10 =	simm.s32 $0x0;
	s6 =	simm.s32 $0x10;
	v16 =	vld [tilespmem:s2+$0x80];
	s7 =	smov.u32 s2  }
.LBB2_4:
0x21: {  	p0 =	sne.s32 s6, $0x1F0  }
.Ltmp1:
0x22: {  	_ = 	snop;
	(pc) =	sbr.rel @p0 .LBB2_4-.Ltmp1, $4  }
0x23: {  	s10 =	sadd.s32 $0x40, s10  }
0x24: {  	s11 =	sand.u32 $0x70, s6;
	s13 =	sand.u32 $0x600, s10  }
0x25: {  	s11 =	sor.u32 s11, s13;
	v17 =	vshrl.u32 v16, $0x1  }
0x26: {  	s6 =	sadd.s32 $0x10, s6;
	v16 =	vld [tilespmem:s11+$0x80];
	[tilespmem:s7+$0x1080] =	vst v17;
	s7 =	smov.u32 s11  }
0x27: {  	_ =	sdelay $0x3  }
0x28: {  	v16 =	vshrl.u32 v16, $0x1  }
0x29: {  	[tilespmem:s7+$0x1080] =	vst v16  }
0x2a: {  	s6 =	simm.s32 $0x10;
	v16 =	vld [tilespmem:s2+$0x100]  }
.LBB2_6:
0x2b: {  	p0 =	sne.s32 s6, $0x1F0  }
.Ltmp2:
0x2c: {  	_ = 	snop;
	(pc) =	sbr.rel @p0 .LBB2_6-.Ltmp2, $4  }
0x2d: {  	s1 =	sadd.s32 $0x40, s1  }
0x2e: {  	s7 =	sand.u32 $0x70, s6;
	s10 =	sand.u32 $0x600, s1  }
0x2f: {  	s7 =	sor.u32 s7, s10;
	v17 =	vshrl.u32 v16, $0x1  }
0x30: {  	s6 =	sadd.s32 $0x10, s6;
	v16 =	vld [tilespmem:s7+$0x100];
	[tilespmem:s2+$0x1100] =	vst v17;
	s2 =	smov.u32 s7  }
0x31: {  	_ =	sdelay $0x2  }
0x32: {  	s1 =	simm.s32 $0x0  }
0x33: {  	s6 =	sand.u32 $0x70, s1;
	s7 =	sand.u32 $0x600, s1;
	v16 =	vshrl.u32 v16, $0x1  }
0x34: {  	[tilespmem:s2+$0x1100] =	vst v16;
	s2 =	sor.u32 s6, s7  }
0x35: {  	s13 =	simm.s32 $0x4;
	s6 =	simm.s32 $0x10;
	v16 =	vld [tilespmem:s2+$0x180]  }
.LBB2_8:
0x36: {  	p0 =	sne.s32 s6, $0x1F0  }
.Ltmp3:
0x37: {  	_ = 	snop;
	(pc) =	sbr.rel @p0 .LBB2_8-.Ltmp3, $4  }
0x38: {  	s1 =	sadd.s32 $0x40, s1  }
0x39: {  	s7 =	sand.u32 $0x70, s6;
	s10 =	sand.u32 $0x600, s1  }
0x3a: {  	s7 =	sor.u32 s7, s10;
	v17 =	vshrl.u32 v16, $0x1  }
0x3b: {  	s6 =	sadd.s32 $0x10, s6;
	v16 =	vld [tilespmem:s7+$0x180];
	[tilespmem:s2+$0x1180] =	vst v17;
	s2 =	smov.u32 s7  }
0x3c: {  	_ =	sdelay $0x3  }
0x3d: {  	v16 =	vshrl.u32 v16, $0x1  }
0x3e: {  	s1 =	rddreg [dreg:$0x4];
	s11 =	simm.s32 $0x800;
	[tilespmem:s2+$0x1180] =	vst v16  }
0x3f: {  	[tilespmem:s11], [sflag:$0x1] =	stream.strided.gather [hbm4b:s1+s15], $0x800, s12, s15, $0x38;
	[tilespmem:$0x16000] =	vst v63  }
0x40: {  	s16 =	simm.s32 $0x1000  }
0x41: {  	[tilespmem:s17], [sflag:$0x2] =	stream.indirect.gather [hbm4b:s3+s22], $0x80, s16, s22, $0xb8;
	[tilespmem:$0x16000] =	vst v63  }
0x42: {  	s18 =	simm.s32 $0x1200  }
0x43: {  	[tilespmem:s19], [sflag:$0x3] =	stream.indirect.gather [hbm4b:s3+s22], $0x80, s18, s22, $0xb8;
	[tilespmem:$0x16000] =	vst v63  }
0x44: {  	s20 =	simm.s32 $0x1400;
	s15 =	simm.s32 $0x0;
	s16 =	simm.s32 $0x0  }
0x45: {  	[tilespmem:s21], [sflag:$0x4] =	stream.indirect.gather [hbm4b:s3+s22], $0x80, s20, s22, $0xb8;
	[tilespmem:$0x16000] =	vst v63  }
.LBB2_10:
0x46: {  	s1 =	sand.u32 $0x3, s16  }
0x47: {  	p0 =	sne.s32 s1, $0x0;
	s1 =	sadd.s32 $0xFFFFFFFF, s16  }
0x48: {  	p1 =	sgt.u32 @!p0 s1, $0xC2  }
0x49: {  	p0 =	por p1, p0  }
0x4a: {  	_ =	swait.ge [sflag:s26], $0x4000;
	s1 =	sshrl.u32 @!p0 s16, $0x2  }
0x4b: {  	s11 =	sshll.u32 s16, $0x7;
	s18 =	sshll.u32 s16, $0x9;
	s1 =	sadd.s32 @!p0 $0x1, s1  }
0x4c: {  	[sflag:s26] =	ssyncset.done $0x0;
	s2 =	sshll.u32 @!p0 s1, $0xD;
	s6 =	sshll.u32 @!p0 s1, $0x6  }
0x4d: {  	[sflag:s26] =	ssyncadd.s32 $0xFFFFC000;
	s2 =	sand.u32 @!p0 $0xFC000, s2;
	s6 =	sand.u32 @!p0 $0x40, s6  }
0x4e: {  	s7 =	simm.s32 @!p0 $0x400;
	s1 =	sshll.u32 @!p0 s1, $0xB;
	s2 =	sor.u32 @!p0 s6, s2  }
0x4f: {  	s1 =	sand.u32 @!p0 $0x800, s1;
	s6 =	simm.s32 @!p0 $0x200;
	s2 =	sadd.s32 @!p0 s2, s4  }
0x50: {  	[tilespmem:s1], [sflag:$0x1] =	stream.strided.gather @!p0 [hbm4b:s2+s6], $0x800, s7, s6, $0x38;
	[tilespmem:$0x16000] =	vst v63  }
0x51: {  	s10 =	sand.u32 $0x800, s18;
	s6 =	sand.u32 $0x180, s11  }
0x52: {  	p1 =	seq.s32 s16, $0x0;
	s18 =	sor.u32 s6, s10  }
0x53: {  	s1 =	simm.s32 @!p1 $0x6;
	s20 =	sor.u32 $0x1600, s18  }
0x54: {  	[tilespmem:s23], [sflag:$0x5] =	stream.indirect.gather [hbm4b:s3+s22], $0x80, s20, s22, $0xb8;
	[tilespmem:$0x16000] =	vst v63  }
0x55: {  	_ =	swait.ge @!p1 [sflag:s1], $0x2000  }
0x56: {  	[sflag:s1] =	ssyncset.done @!p1 $0x0  }
0x57: {  	[sflag:s1] =	ssyncadd.s32 @!p1 $0xFFFFE000  }
0x58: {  	v16 =	vld [tilespmem:s18+$0x0]  }
0x59: {  	v17 =	vld [tilespmem:s18+$0x10]  }
0x5a: {  	v19 =	vld [tilespmem:s18+$0x30]  }
0x5b: {  	v20 =	vld [tilespmem:s18+$0x70]  }
0x5c: {  	v18 =	vld [tilespmem:s18+$0x40]  }
0x5d: {  	v24 =	vadd.s32 s15, v0  }
0x5e: {  	v25 =	vand.u32 $0xF, v24;
	v28 =	vor.u32 $0x10, v24;
	v23 =	vld [tilespmem:s18+$0x50]  }
0x5f: {  	v16 =	vshll.u32 v16, $0x6;
	v17 =	vshll.u32 v17, $0x6;
	v19 =	vshll.u32 v19, $0x6  }
0x60: {  	v21 =	vand.u32 $0x40, v16;
	v22 =	vand.u32 $0x40, v17;
	v17 =	vshll.u32 v20, $0x6  }
0x61: {  	v16 =	vshll.u32 v18, $0x6;
	v18 =	vand.u32 $0x40, v17;
	v17 =	vor.u32 v1, v21  }
0x62: {  	v19 =	vand.u32 $0x40, v19;
	v21 =	vor.u32 v2, v22;
	v29 =	vor.u32 v25, v17  }
0x63: {  	v20 =	vshll.u32 v23, $0x6;
	v19 =	vor.u32 v4, v19;
	v23 =	vor.u32 v28, v21  }
0x64: {  	v31 =	vor.u32 v28, v19  }
0x65: {  	v27 =	vld [tilespmem:s18+$0x60];
	v16 =	vand.u32 $0x40, v16;
	v38 =	vor.u32 v25, v21  }
0x66: {  	v30 =	vld [tilespmem:s18+$0x20];
	v16 =	vor.u32 v5, v16;
	v40 =	vor.u32 v28, v17  }
0x67: {  	v18 =	vor.u32 v8, v18;
	v26 =	vor.u32 v25, v16;
	v29 =	vld.idx.msk [tilespmem:v29+s17+$0x0], $0xffff  }
0x68: {  	v20 =	vand.u32 $0x40, v20;
	v22 =	vor.u32 v28, v18;
	v36 =	vld.idx.msk [tilespmem:v23+s17+$0x0], $0xffff  }
0x69: {  	v20 =	vor.u32 v6, v20;
	v32 =	vor.u32 v25, v18;
	v31 =	vld.idx.msk [tilespmem:v31+s17+$0x0], $0xffff  }
0x6a: {  	v33 =	vor.u32 v28, v20;
	v38 =	vld.idx.msk [tilespmem:v38+s17+$0x0], $0xffff  }
0x6b: {  	v27 =	vshll.u32 v27, $0x6;
	v30 =	vshll.u32 v30, $0x6;
	v34 =	vor.u32 v28, v16;
	v40 =	vld.idx.msk [tilespmem:v40+s17+$0x0], $0xffff  }
0x6c: {  	v27 =	vand.u32 $0x40, v27;
	v30 =	vand.u32 $0x40, v30;
	v39 =	vor.u32 v25, v20;
	v26 =	vld.idx.msk [tilespmem:v26+s17+$0x0], $0xffff  }
0x6d: {  	v23 =	vor.u32 v3, v30;
	v35 =	vld.idx.msk [tilespmem:v22+s17+$0x0], $0xffff;
	v22 =	vor.u32 v7, v27;
	v27 =	vor.u32 v25, v19  }
0x6e: {  	v37 =	vor.u32 v25, v23;
	v32 =	vld.idx.msk [tilespmem:v32+s17+$0x0], $0xffff  }
0x6f: {  	v41 =	vshll.u32 v24, $0x7;
	v33 =	vld.idx.msk [tilespmem:v33+s17+$0x0], $0xffff;
	v42 =	vor.u32 v28, v23  }
0x70: {  	v43 =	vand.u32 $0x780, v41;
	v34 =	vld.idx.msk [tilespmem:v34+s17+$0x0], $0xffff;
	v30 =	vor.u32 v25, v22  }
0x71: {  	v45 =	vor.u32 v0, v43;
	v39 =	vld.idx.msk [tilespmem:v39+s17+$0x0], $0xffff;
	v44 =	vor.u32 v28, v22  }
0x72: {  	v46 =	vor.u32 v9, v43;
	v27 =	vld.idx.msk [tilespmem:v27+s17+$0x0], $0xffff  }
0x73: {  	v47 =	vor.u32 v10, v43;
	v37 =	vld.idx.msk [tilespmem:v37+s17+$0x0], $0xffff  }
0x74: {  	v48 =	vor.u32 v11, v43;
	v42 =	vld.idx.msk [tilespmem:v42+s17+$0x0], $0xffff  }
0x75: {  	v49 =	vor.u32 v12, v43;
	v30 =	vld.idx.msk [tilespmem:v30+s17+$0x0], $0xffff  }
0x76: {  	v28 =	vshll.u32 v28, $0x7;
	v44 =	vld.idx.msk [tilespmem:v44+s17+$0x0], $0xffff;
	[tilespmem:v45+s24+$0x0] =	vst.idx.msk $0xffff, v29;
	v29 =	vor.u32 v13, v43  }
0x77: {  	v41 =	vand.u32 $0x380, v41;
	v58 =	vor.u32 v14, v43;
	v28 =	vand.u32 $0xC00, v28;
	[tilespmem:v46+s24+$0x0] =	vst.idx.msk $0xffff, v38  }
0x78: {  	v59 =	vor.u32 v15, v43;
	v28 =	vor.u32 v41, v28;
	[tilespmem:v47+s24+$0x0] =	vst.idx.msk $0xffff, v37  }
0x79: {  	[tilespmem:v48+s24+$0x0] =	vst.idx.msk $0xffff, v27;
	v27 =	vor.u32 v0, v28  }
0x7a: {  	[tilespmem:v49+s24+$0x0] =	vst.idx.msk $0xffff, v26;
	v26 =	vor.u32 v9, v28  }
0x7b: {  	[tilespmem:v29+s24+$0x0] =	vst.idx.msk $0xffff, v39;
	v29 =	vor.u32 v10, v28  }
0x7c: {  	[tilespmem:v58+s24+$0x0] =	vst.idx.msk $0xffff, v30;
	v30 =	vor.u32 v11, v28  }
0x7d: {  	v60 =	vor.u32 v12, v28;
	[tilespmem:v59+s24+$0x0] =	vst.idx.msk $0xffff, v32  }
0x7e: {  	[tilespmem:v27+s24+$0x0] =	vst.idx.msk $0xffff, v40;
	v27 =	vor.u32 v13, v28  }
0x7f: {  	[tilespmem:v26+s24+$0x0] =	vst.idx.msk $0xffff, v36;
	v26 =	vor.u32 v14, v28  }
0x80: {  	v25 =	vor.u32 $0x20, v25;
	v28 =	vor.u32 v15, v28;
	[tilespmem:v29+s24+$0x0] =	vst.idx.msk $0xffff, v42  }
0x81: {  	v61 =	vor.u32 $0x30, v24;
	v24 =	vor.u32 v25, v17;
	[tilespmem:v30+s24+$0x0] =	vst.idx.msk $0xffff, v31  }
0x82: {  	v29 =	vor.u32 v61, v18;
	[tilespmem:v60+s24+$0x0] =	vst.idx.msk $0xffff, v34  }
0x83: {  	v30 =	vor.u32 v61, v22;
	[tilespmem:v27+s24+$0x0] =	vst.idx.msk $0xffff, v33  }
0x84: {  	v63 =	vor.u32 v61, v19;
	[tilespmem:v26+s24+$0x0] =	vst.idx.msk $0xffff, v44  }
0x85: {  	v31 =	vor.u32 v61, v20;
	[tilespmem:v28+s24+$0x0] =	vst.idx.msk $0xffff, v35  }
0x86: {  	v62 =	vor.u32 v61, v16;
	v33 =	vld.idx.msk [tilespmem:v24+s17+$0x0], $0xffff  }
0x87: {  	v38 =	vor.u32 v61, v23;
	v27 =	vld.idx.msk [tilespmem:v29+s17+$0x0], $0xffff  }
0x88: {  	v34 =	vor.u32 v61, v21;
	v24 =	vshll.u32 v25, $0x7;
	v28 =	vld.idx.msk [tilespmem:v30+s17+$0x0], $0xffff  }
0x89: {  	v37 =	vor.u32 v61, v17;
	v29 =	vshll.u32 v61, $0x7;
	v32 =	vld.idx.msk [tilespmem:v63+s17+$0x0], $0xffff;
	v24 =	vand.u32 $0x1400, v24  }
0x8a: {  	v36 =	vor.u32 v25, v18;
	v26 =	vor.u32 v41, v24;
	v24 =	vand.u32 $0x1C00, v29;
	v29 =	vld.idx.msk [tilespmem:v31+s17+$0x0], $0xffff  }
0x8b: {  	s11 =	sshll.u32 s16, $0x2;
	s20 =	simm.s32 $0x1;
	v35 =	vor.u32 v25, v22;
	v30 =	vor.u32 v25, v21;
	v31 =	vld.idx.msk [tilespmem:v62+s17+$0x0], $0xffff;
	v24 =	vor.u32 v41, v24  }
.LBB2_11:
0x8c: {  	p0 =	sne.s32 s20, $0xF;
	v38 =	vld.idx.msk [tilespmem:v38+s17+$0x0], $0xffff;
	s1 =	smov.u32 s20;
	s20 =	sadd.s32 $0x1, s20  }
0x8d: {  	v39 =	vor.u32 v25, v23;
	v34 =	vld.idx.msk [tilespmem:v34+s17+$0x0], $0xffff  }
0x8e: {  	v40 =	vor.u32 v25, v19;
	v37 =	vld.idx.msk [tilespmem:v37+s17+$0x0], $0xffff  }
0x8f: {  	v41 =	vor.u32 v25, v16;
	v36 =	vld.idx.msk [tilespmem:v36+s17+$0x0], $0xffff  }
0x90: {  	v25 =	vor.u32 v25, v20;
	v35 =	vld.idx.msk [tilespmem:v35+s17+$0x0], $0xffff  }
0x91: {  	v42 =	vor.u32 v0, v26;
	v30 =	vld.idx.msk [tilespmem:v30+s17+$0x0], $0xffff  }
0x92: {  	v43 =	vor.u32 v9, v26;
	v39 =	vld.idx.msk [tilespmem:v39+s17+$0x0], $0xffff  }
0x93: {  	v44 =	vor.u32 v10, v26;
	v40 =	vld.idx.msk [tilespmem:v40+s17+$0x0], $0xffff  }
0x94: {  	v45 =	vor.u32 v11, v26;
	v41 =	vld.idx.msk [tilespmem:v41+s17+$0x0], $0xffff  }
0x95: {  	v46 =	vor.u32 v12, v26;
	v47 =	vor.u32 v15, v24;
	v25 =	vld.idx.msk [tilespmem:v25+s17+$0x0], $0xffff  }
0x96: {  	[tilespmem:v42+s24+$0x0] =	vst.idx.msk $0xffff, v33;
	v33 =	vor.u32 v13, v26;
	v42 =	vor.u32 v14, v24  }
0x97: {  	[tilespmem:v43+s24+$0x0] =	vst.idx.msk $0xffff, v30;
	v30 =	vor.u32 v14, v26;
	v43 =	vor.u32 v13, v24  }
0x98: {  	v26 =	vor.u32 v15, v26;
	[tilespmem:v44+s24+$0x0] =	vst.idx.msk $0xffff, v39;
	v39 =	vor.u32 v12, v24  }
0x99: {  	v44 =	vor.u32 v11, v24;
	[tilespmem:v45+s24+$0x0] =	vst.idx.msk $0xffff, v40;
	v40 =	vor.u32 v0, v24  }
0x9a: {  	v45 =	vadd.s32 s1, v0;
	[tilespmem:v46+s24+$0x0] =	vst.idx.msk $0xffff, v41;
	v41 =	vor.u32 v9, v24;
	v24 =	vor.u32 v10, v24  }
0x9b: {  	v46 =	vand.u32 $0xF, v45;
	v48 =	vor.u32 $0x10, v45;
	v49 =	vshll.u32 v45, $0x7;
	[tilespmem:v33+s24+$0x0] =	vst.idx.msk $0xffff, v25  }
0x9c: {  	v33 =	vor.u32 v46, v17;
	v50 =	vor.u32 v46, v21;
	v51 =	vand.u32 $0x780, v49;
	[tilespmem:v30+s24+$0x0] =	vst.idx.msk $0xffff, v35  }
0x9d: {  	v52 =	vor.u32 v46, v16;
	v25 =	vshll.u32 v48, $0x7;
	v35 =	vor.u32 v46, v19;
	[tilespmem:v26+s24+$0x0] =	vst.idx.msk $0xffff, v36  }
0x9e: {  	v53 =	vor.u32 v46, v18;
	v36 =	vor.u32 v46, v22;
	v26 =	vand.u32 $0xC00, v25;
	[tilespmem:v40+s24+$0x0] =	vst.idx.msk $0xffff, v37  }
0x9f: {  	v25 =	vor.u32 $0x20, v46;
	v37 =	vor.u32 v48, v21;
	v40 =	vor.u32 v48, v23;
	[tilespmem:v41+s24+$0x0] =	vst.idx.msk $0xffff, v34  }
0xa0: {  	v45 =	vor.u32 $0x30, v45;
	v34 =	vor.u32 v48, v16;
	v41 =	vor.u32 v48, v20;
	[tilespmem:v24+s24+$0x0] =	vst.idx.msk $0xffff, v38  }
0xa1: {  	v54 =	vor.u32 v48, v18;
	v38 =	vor.u32 v48, v22;
	v24 =	vand.u32 $0x380, v49;
	[tilespmem:v44+s24+$0x0] =	vst.idx.msk $0xffff, v32  }
0xa2: {  	v32 =	vor.u32 v48, v19;
	v44 =	vor.u32 v24, v26;
	v26 =	vshll.u32 v25, $0x7;
	[tilespmem:v39+s24+$0x0] =	vst.idx.msk $0xffff, v31  }
0xa3: {  	v30 =	vor.u32 v25, v21;
	v26 =	vand.u32 $0x1400, v26;
	v31 =	vshll.u32 v45, $0x7;
	[tilespmem:v43+s24+$0x0] =	vst.idx.msk $0xffff, v29  }
0xa4: {  	v26 =	vor.u32 v24, v26;
	v29 =	vand.u32 $0x1C00, v31;
	[tilespmem:v42+s24+$0x0] =	vst.idx.msk $0xffff, v28  }
0xa5: {  	v24 =	vor.u32 v24, v29;
	[tilespmem:v47+s24+$0x0] =	vst.idx.msk $0xffff, v27  }
0xa6: {  	v27 =	vld.idx.msk [tilespmem:v52+s17+$0x0], $0xffff  }
0xa7: {  	v28 =	vld.idx.msk [tilespmem:v33+s17+$0x0], $0xffff  }
0xa8: {  	v29 =	vor.u32 v46, v23;
	v31 =	vld.idx.msk [tilespmem:v54+s17+$0x0], $0xffff  }
0xa9: {  	v33 =	vor.u32 v46, v20;
	v37 =	vld.idx.msk [tilespmem:v37+s17+$0x0], $0xffff  }
0xaa: {  	v39 =	vor.u32 v48, v17;
	v32 =	vld.idx.msk [tilespmem:v32+s17+$0x0], $0xffff  }
0xab: {  	v42 =	vld.idx.msk [tilespmem:v53+s17+$0x0], $0xffff  }
0xac: {  	v41 =	vld.idx.msk [tilespmem:v41+s17+$0x0], $0xffff  }
0xad: {  	v34 =	vld.idx.msk [tilespmem:v34+s17+$0x0], $0xffff  }
0xae: {  	v35 =	vld.idx.msk [tilespmem:v35+s17+$0x0], $0xffff  }
0xaf: {  	v36 =	vld.idx.msk [tilespmem:v36+s17+$0x0], $0xffff  }
0xb0: {  	v29 =	vld.idx.msk [tilespmem:v29+s17+$0x0], $0xffff  }
0xb1: {  	v46 =	vor.u32 v0, v51;
	v43 =	vld.idx.msk [tilespmem:v50+s17+$0x0], $0xffff  }
0xb2: {  	v47 =	vor.u32 v9, v51;
	v33 =	vld.idx.msk [tilespmem:v33+s17+$0x0], $0xffff  }
0xb3: {  	v48 =	vor.u32 v10, v51;
	v39 =	vld.idx.msk [tilespmem:v39+s17+$0x0], $0xffff  }
0xb4: {  	v49 =	vor.u32 v11, v51;
	v40 =	vld.idx.msk [tilespmem:v40+s17+$0x0], $0xffff  }
0xb5: {  	v50 =	vor.u32 v12, v51;
	v38 =	vld.idx.msk [tilespmem:v38+s17+$0x0], $0xffff  }
0xb6: {  	[tilespmem:v46+s24+$0x0] =	vst.idx.msk $0xffff, v28;
	v28 =	vor.u32 v13, v51  }
0xb7: {  	[tilespmem:v47+s24+$0x0] =	vst.idx.msk $0xffff, v43;
	v43 =	vor.u32 v14, v51  }
0xb8: {  	[tilespmem:v48+s24+$0x0] =	vst.idx.msk $0xffff, v29;
	v29 =	vor.u32 v15, v51  }
0xb9: {  	[tilespmem:v49+s24+$0x0] =	vst.idx.msk $0xffff, v35;
	v35 =	vor.u32 v0, v44  }
0xba: {  	[tilespmem:v50+s24+$0x0] =	vst.idx.msk $0xffff, v27;
	v27 =	vor.u32 v9, v44  }
0xbb: {  	[tilespmem:v28+s24+$0x0] =	vst.idx.msk $0xffff, v33;
	v28 =	vor.u32 v10, v44  }
0xbc: {  	v33 =	vor.u32 v11, v44;
	[tilespmem:v43+s24+$0x0] =	vst.idx.msk $0xffff, v36  }
0xbd: {  	[tilespmem:v29+s24+$0x0] =	vst.idx.msk $0xffff, v42;
	v29 =	vor.u32 v12, v44  }
0xbe: {  	[tilespmem:v35+s24+$0x0] =	vst.idx.msk $0xffff, v39;
	v35 =	vor.u32 v13, v44  }
0xbf: {  	[tilespmem:v27+s24+$0x0] =	vst.idx.msk $0xffff, v37;
	v27 =	vor.u32 v14, v44  }
0xc0: {  	[tilespmem:v28+s24+$0x0] =	vst.idx.msk $0xffff, v40;
	v28 =	vor.u32 v15, v44  }
0xc1: {  	[tilespmem:v33+s24+$0x0] =	vst.idx.msk $0xffff, v32;
	v32 =	vor.u32 v25, v17  }
0xc2: {  	[tilespmem:v29+s24+$0x0] =	vst.idx.msk $0xffff, v34;
	v29 =	vor.u32 v45, v18  }
0xc3: {  	[tilespmem:v35+s24+$0x0] =	vst.idx.msk $0xffff, v41;
	v35 =	vor.u32 v45, v22  }
0xc4: {  	v36 =	vor.u32 v45, v20;
	[tilespmem:v27+s24+$0x0] =	vst.idx.msk $0xffff, v38  }
0xc5: {  	[tilespmem:v28+s24+$0x0] =	vst.idx.msk $0xffff, v31;
	v31 =	vor.u32 v45, v16  }
0xc6: {  	v33 =	vld.idx.msk [tilespmem:v32+s17+$0x0], $0xffff;
	v32 =	vor.u32 v45, v19  }
.Ltmp4:
0xc7: {  	v38 =	vor.u32 v45, v23;
	v27 =	vld.idx.msk [tilespmem:v29+s17+$0x0], $0xffff;
	(pc) =	sbr.rel @p0 .LBB2_11-.Ltmp4, $4  }
0xc8: {  	v34 =	vor.u32 v45, v21;
	v28 =	vld.idx.msk [tilespmem:v35+s17+$0x0], $0xffff  }
0xc9: {  	v37 =	vor.u32 v45, v17;
	v29 =	vld.idx.msk [tilespmem:v36+s17+$0x0], $0xffff  }
0xca: {  	v36 =	vor.u32 v25, v18;
	v31 =	vld.idx.msk [tilespmem:v31+s17+$0x0], $0xffff  }
0xcb: {  	v35 =	vor.u32 v25, v22;
	v32 =	vld.idx.msk [tilespmem:v32+s17+$0x0], $0xffff  }
0xcc: {  	_ =	sdelay $0x3  }
0xcd: {  	v17 =	vld.idx.msk [tilespmem:v38+s17+$0x0], $0xffff  }
0xce: {  	v18 =	vor.u32 v25, v23;
	v21 =	vld.idx.msk [tilespmem:v34+s17+$0x0], $0xffff  }
0xcf: {  	v19 =	vor.u32 v25, v19;
	v22 =	vld.idx.msk [tilespmem:v37+s17+$0x0], $0xffff  }
0xd0: {  	v16 =	vor.u32 v25, v16;
	v48 =	vld.idx.msk [tilespmem:v36+s17+$0x0], $0xffff  }
0xd1: {  	v20 =	vor.u32 v25, v20;
	v49 =	vld.idx.msk [tilespmem:v35+s17+$0x0], $0xffff;
	v50 =	vor.u32 v0, v26  }
0xd2: {  	v30 =	vld.idx.msk [tilespmem:v30+s17+$0x0], $0xffff;
	v51 =	vor.u32 v9, v26  }
0xd3: {  	v52 =	vor.u32 v10, v26;
	v18 =	vld.idx.msk [tilespmem:v18+s17+$0x0], $0xffff  }
0xd4: {  	v53 =	vor.u32 v11, v26;
	v19 =	vld.idx.msk [tilespmem:v19+s17+$0x0], $0xffff  }
0xd5: {  	v54 =	vor.u32 v12, v26;
	v16 =	vld.idx.msk [tilespmem:v16+s17+$0x0], $0xffff  }
0xd6: {  	v55 =	vor.u32 v13, v26;
	v20 =	vld.idx.msk [tilespmem:v20+s17+$0x0], $0xffff;
	[tilespmem:v50+s24+$0x0] =	vst.idx.msk $0xffff, v33  }
0xd7: {  	v56 =	vor.u32 v14, v26;
	[tilespmem:v51+s24+$0x0] =	vst.idx.msk $0xffff, v30  }
0xd8: {  	v57 =	vor.u32 v15, v26;
	[tilespmem:v52+s24+$0x0] =	vst.idx.msk $0xffff, v18  }
0xd9: {  	v58 =	vor.u32 v0, v24;
	[tilespmem:v53+s24+$0x0] =	vst.idx.msk $0xffff, v19  }
0xda: {  	[tilespmem:v54+s24+$0x0] =	vst.idx.msk $0xffff, v16;
	v16 =	vor.u32 v9, v24  }
0xdb: {  	v59 =	vor.u32 v10, v24;
	[tilespmem:v55+s24+$0x0] =	vst.idx.msk $0xffff, v20  }
0xdc: {  	v60 =	vor.u32 v11, v24;
	[tilespmem:v56+s24+$0x0] =	vst.idx.msk $0xffff, v49  }
0xdd: {  	v61 =	vor.u32 v12, v24;
	[tilespmem:v57+s24+$0x0] =	vst.idx.msk $0xffff, v48  }
0xde: {  	v62 =	vor.u32 v13, v24;
	[tilespmem:v58+s24+$0x0] =	vst.idx.msk $0xffff, v22  }
0xdf: {  	v63 =	vor.u32 v14, v24;
	[tilespmem:v16+s24+$0x0] =	vst.idx.msk $0xffff, v21  }
0xe0: {  	v16 =	vor.u32 v15, v24;
	[tilespmem:v59+s24+$0x0] =	vst.idx.msk $0xffff, v17  }
0xe1: {  	[tilespmem:v60+s24+$0x0] =	vst.idx.msk $0xffff, v32  }
0xe2: {  	[tilespmem:v61+s24+$0x0] =	vst.idx.msk $0xffff, v31  }
0xe3: {  	[tilespmem:v62+s24+$0x0] =	vst.idx.msk $0xffff, v29  }
0xe4: {  	s20 =	sshll.u32 s16, $0x11;
	p0 =	seq.s32 s16, $0xC7;
	[tilespmem:v63+s24+$0x0] =	vst.idx.msk $0xffff, v28  }
.Ltmp5:
0xe5: {  	s1 =	sadd.s32 s20, s5;
	[tilespmem:v16+s24+$0x0] =	vst.idx.msk $0xffff, v27;
	(pc) =	sbr.rel @p0 .LBB2_24-.Ltmp5, $4  }
0xe6: {  	[hbm4b:s1+s12] =	stream.strided.scatter [tilespmem:s24], [sflag:$0x6], $0x2000, s25, s12, $0x38;
	[tilespmem:$0x16000] =	vst v63  }
0xe7: {  	_ =	swait.ge [sflag:s30], $0x4000  }
0xe8: {  	[sflag:s30] =	ssyncset.done $0x0  }
0xe9: {  	[sflag:s30] =	ssyncadd.s32 $0xFFFFC000  }
0xea: {  	s2 =	sadd.s32 $0x4, s11  }
0xeb: {  	s1 =	sand.u32 $0xC, s2  }
0xec: {  	p2 =	sne.s32 s1, $0x0  }
.Ltmp6:
0xed: {  	_ = 	snop;
	(pc) =	sbr.rel @p2 .LBB2_23-.Ltmp6, $3  }
0xee: {  	_ =	sdelay $0x1  }
0xef: {  	s7 =	sshll.u32 s2, $0x7  }
0xf0: {  	s1 =	sand.u32 $0x800, s7  }
0xf1: {  	s26 =	smov.u32 s9;
	s13 =	simm.s32 $0x0;
	s9 =	simm.s32 $0x1  }
0xf2: {  	_ =	swait.ge [sflag:s9], $0x800;
	s7 =	sand.u32 $0x70, s13;
	s15 =	sand.u32 $0x600, s13  }
0xf3: {  	s30 =	smov.u32 s14;
	[sflag:s9] =	ssyncset.done $0x0;
	s7 =	sor.u32 s7, s15  }
0xf4: {  	s22 =	smov.u32 s4;
	[sflag:s9] =	ssyncadd.s32 $0xFFFFF800;
	s14 =	sor.u32 s1, s7  }
0xf5: {  	s4 =	smov.u32 s5;
	s5 =	smov.u32 s8;
	s15 =	simm.s32 $0x10;
	v16 =	vld [tilespmem:s14+$0x0]  }
.LBB2_15:
0xf6: {  	p2 =	sne.s32 s15, $0x1F0  }
.Ltmp7:
0xf7: {  	s7 =	sand.u32 $0x70, s15;
	s13 =	sadd.s32 $0x40, s13;
	(pc) =	sbr.rel @p2 .LBB2_15-.Ltmp7, $4  }
0xf8: {  	s15 =	sadd.s32 $0x10, s15;
	s8 =	sand.u32 $0x600, s13  }
0xf9: {  	s7 =	sor.u32 s7, s8  }
0xfa: {  	s7 =	sor.u32 s1, s7;
	v17 =	vshrl.u32 v16, $0x1  }
0xfb: {  	v16 =	vld [tilespmem:s7+$0x0];
	[tilespmem:s14+$0x1000] =	vst v17;
	s14 =	smov.u32 s7  }
0xfc: {  	_ =	sdelay $0x1  }
0xfd: {  	s13 =	simm.s32 $0x0  }
0xfe: {  	s7 =	sand.u32 $0x70, s13;
	s8 =	sand.u32 $0x600, s13  }
0xff: {  	s15 =	sor.u32 $0x80, s1;
	s7 =	sor.u32 s7, s8;
	v16 =	vshrl.u32 v16, $0x1  }
0x100: {  	[tilespmem:s14+$0x1000] =	vst v16;
	s14 =	sor.u32 s15, s7  }
0x101: {  	s7 =	simm.s32 $0x10;
	v16 =	vld [tilespmem:s14+$0x0]  }
.LBB2_17:
0x102: {  	p2 =	sne.s32 s7, $0x1F0  }
.Ltmp8:
0x103: {  	s8 =	sand.u32 $0x70, s7;
	s13 =	sadd.s32 $0x40, s13;
	(pc) =	sbr.rel @p2 .LBB2_17-.Ltmp8, $4  }
0x104: {  	s7 =	sadd.s32 $0x10, s7;
	s9 =	sand.u32 $0x600, s13  }
0x105: {  	s8 =	sor.u32 s8, s9  }
0x106: {  	s8 =	sor.u32 s15, s8;
	v17 =	vshrl.u32 v16, $0x1  }
0x107: {  	v16 =	vld [tilespmem:s8+$0x0];
	[tilespmem:s14+$0x1000] =	vst v17;
	s14 =	smov.u32 s8  }
0x108: {  	_ =	sdelay $0x1  }
0x109: {  	s13 =	simm.s32 $0x0  }
0x10a: {  	s7 =	sand.u32 $0x70, s13;
	s8 =	sand.u32 $0x600, s13  }
0x10b: {  	s15 =	sor.u32 $0x100, s1;
	s7 =	sor.u32 s7, s8;
	v16 =	vshrl.u32 v16, $0x1  }
0x10c: {  	[tilespmem:s14+$0x1000] =	vst v16;
	s14 =	sor.u32 s15, s7  }
0x10d: {  	s7 =	simm.s32 $0x10;
	v16 =	vld [tilespmem:s14+$0x0]  }
.LBB2_19:
0x10e: {  	p2 =	sne.s32 s7, $0x1F0  }
.Ltmp9:
0x10f: {  	s8 =	sand.u32 $0x70, s7;
	s13 =	sadd.s32 $0x40, s13;
	(pc) =	sbr.rel @p2 .LBB2_19-.Ltmp9, $4  }
0x110: {  	s7 =	sadd.s32 $0x10, s7;
	s9 =	sand.u32 $0x600, s13  }
0x111: {  	s8 =	sor.u32 s8, s9  }
0x112: {  	s8 =	sor.u32 s15, s8;
	v17 =	vshrl.u32 v16, $0x1  }
0x113: {  	v16 =	vld [tilespmem:s8+$0x0];
	[tilespmem:s14+$0x1000] =	vst v17;
	s14 =	smov.u32 s8  }
0x114: {  	_ =	sdelay $0x1  }
0x115: {  	s13 =	simm.s32 $0x0  }
0x116: {  	s7 =	sand.u32 $0x70, s13;
	s8 =	sand.u32 $0x600, s13  }
0x117: {  	s15 =	sor.u32 $0x180, s1;
	s7 =	sor.u32 s7, s8;
	v16 =	vshrl.u32 v16, $0x1  }
0x118: {  	[tilespmem:s14+$0x1000] =	vst v16;
	s14 =	sor.u32 s15, s7  }
0x119: {  	s7 =	simm.s32 $0x10;
	v16 =	vld [tilespmem:s14+$0x0]  }
.LBB2_21:
0x11a: {  	p2 =	sne.s32 s7, $0x1F0  }
.Ltmp10:
0x11b: {  	s8 =	sand.u32 $0x70, s7;
	s13 =	sadd.s32 $0x40, s13;
	(pc) =	sbr.rel @p2 .LBB2_21-.Ltmp10, $4  }
0x11c: {  	s7 =	sadd.s32 $0x10, s7;
	s9 =	sand.u32 $0x600, s13  }
0x11d: {  	s8 =	sor.u32 s8, s9  }
0x11e: {  	s8 =	sor.u32 s15, s8;
	v17 =	vshrl.u32 v16, $0x1  }
0x11f: {  	v16 =	vld [tilespmem:s8+$0x0];
	[tilespmem:s14+$0x1000] =	vst v17;
	s14 =	smov.u32 s8  }
0x120: {  	_ =	sdelay $0x1  }
0x121: {  	s8 =	smov.u32 s5  }
0x122: {  	s5 =	smov.u32 s4;
	s4 =	smov.u32 s22;
	s9 =	smov.u32 s26  }
0x123: {  	s22 =	simm.s32 $0x80;
	s26 =	simm.s32 $0x2;
	s13 =	simm.s32 $0x4;
	v16 =	vshrl.u32 v16, $0x1  }
0x124: {  	s15 =	simm.s32 $0x0;
	[tilespmem:s14+$0x1000] =	vst v16;
	s14 =	smov.u32 s30;
	s30 =	simm.s32 $0x3  }
.LBB2_23:
.Ltmp11:
0x125: {  	s2 =	sshll.u32 s2, $0x5;
	(pc) =	sbr.rel @p1 .LBB2_25-.Ltmp11, $4  }
0x126: {  	s2 =	sand.u32 $0x180, s2  }
0x127: {  	s1 =	sor.u32 s2, s1  }
0x128: {  	s1 =	sor.u32 $0x1000, s1  }
0x129: {  	[tilespmem:s17], [sflag:$0x2] =	stream.indirect.gather [hbm4b:s3+s22], $0x80, s1, s22, $0xb8;
	[tilespmem:$0x16000] =	vst v63  }
.LBB2_24:
0x12a: {  	_ =	swait.ge [sflag:s28], $0x2000  }
0x12b: {  	[sflag:s28] =	ssyncset.done $0x0  }
0x12c: {  	[sflag:s28] =	ssyncadd.s32 $0xFFFFE000  }
.LBB2_25:
0x12d: {  	v17 =	vld [tilespmem:s18+$0x210]  }
0x12e: {  	s6 =	sadd.s32 s6, s10;
	v19 =	vld [tilespmem:s18+$0x230]  }
0x12f: {  	v16 =	vld [tilespmem:s6+$0x200]  }
0x130: {  	v20 =	vld [tilespmem:s18+$0x270]  }
0x131: {  	v18 =	vld [tilespmem:s18+$0x240];
	s1 =	simm.s32 $0x0  }
0x132: {  	v24 =	vadd.s32 s1, v0  }
0x133: {  	v25 =	vand.u32 $0xF, v24;
	v28 =	vor.u32 $0x10, v24  }
0x134: {  	v23 =	vld [tilespmem:s18+$0x250];
	v17 =	vshll.u32 v17, $0x6;
	v19 =	vshll.u32 v19, $0x6;
	v16 =	vshll.u32 v16, $0x6  }
0x135: {  	v22 =	vand.u32 $0x40, v17;
	v17 =	vshll.u32 v20, $0x6;
	v19 =	vand.u32 $0x40, v19  }
0x136: {  	v21 =	vand.u32 $0x40, v16;
	v16 =	vshll.u32 v18, $0x6;
	v19 =	vor.u32 v4, v19  }
0x137: {  	v18 =	vand.u32 $0x40, v17;
	v17 =	vor.u32 v1, v21;
	v31 =	vor.u32 v28, v19  }
0x138: {  	v18 =	vor.u32 v8, v18;
	v29 =	vor.u32 v25, v17  }
0x139: {  	v20 =	vshll.u32 v23, $0x6;
	v21 =	vor.u32 v2, v22;
	v22 =	vor.u32 v28, v18  }
0x13a: {  	v27 =	vld [tilespmem:s18+$0x260];
	v20 =	vand.u32 $0x40, v20;
	v23 =	vor.u32 v28, v21  }
0x13b: {  	v30 =	vld [tilespmem:s18+$0x220];
	v20 =	vor.u32 v6, v20;
	v32 =	vor.u32 v25, v18  }
0x13c: {  	v33 =	vor.u32 v28, v20;
	v31 =	vld.idx.msk [tilespmem:v31+s19+$0x0], $0xffff  }
0x13d: {  	v38 =	vor.u32 v25, v21;
	v29 =	vld.idx.msk [tilespmem:v29+s19+$0x0], $0xffff  }
0x13e: {  	v16 =	vand.u32 $0x40, v16;
	v39 =	vor.u32 v25, v20;
	v35 =	vld.idx.msk [tilespmem:v22+s19+$0x0], $0xffff  }
0x13f: {  	v16 =	vor.u32 v5, v16;
	v40 =	vor.u32 v28, v17;
	v36 =	vld.idx.msk [tilespmem:v23+s19+$0x0], $0xffff  }
0x140: {  	v27 =	vshll.u32 v27, $0x6;
	v30 =	vshll.u32 v30, $0x6;
	v26 =	vor.u32 v25, v16;
	v32 =	vld.idx.msk [tilespmem:v32+s19+$0x0], $0xffff  }
0x141: {  	v27 =	vand.u32 $0x40, v27;
	v30 =	vand.u32 $0x40, v30;
	v34 =	vor.u32 v28, v16;
	v33 =	vld.idx.msk [tilespmem:v33+s19+$0x0], $0xffff  }
0x142: {  	v22 =	vor.u32 v7, v27;
	v27 =	vor.u32 v25, v19;
	v23 =	vor.u32 v3, v30;
	v38 =	vld.idx.msk [tilespmem:v38+s19+$0x0], $0xffff  }
0x143: {  	v39 =	vld.idx.msk [tilespmem:v39+s19+$0x0], $0xffff;
	v37 =	vor.u32 v25, v23  }
0x144: {  	v41 =	vshll.u32 v24, $0x7;
	v40 =	vld.idx.msk [tilespmem:v40+s19+$0x0], $0xffff;
	v30 =	vor.u32 v25, v22  }
0x145: {  	v43 =	vand.u32 $0x780, v41;
	v26 =	vld.idx.msk [tilespmem:v26+s19+$0x0], $0xffff;
	v42 =	vor.u32 v28, v23  }
0x146: {  	v45 =	vor.u32 v0, v43;
	v34 =	vld.idx.msk [tilespmem:v34+s19+$0x0], $0xffff;
	v44 =	vor.u32 v28, v22  }
0x147: {  	v46 =	vor.u32 v9, v43;
	v27 =	vld.idx.msk [tilespmem:v27+s19+$0x0], $0xffff  }
0x148: {  	v47 =	vor.u32 v10, v43;
	v37 =	vld.idx.msk [tilespmem:v37+s19+$0x0], $0xffff  }
0x149: {  	v48 =	vor.u32 v11, v43;
	v30 =	vld.idx.msk [tilespmem:v30+s19+$0x0], $0xffff  }
0x14a: {  	v49 =	vor.u32 v12, v43;
	v42 =	vld.idx.msk [tilespmem:v42+s19+$0x0], $0xffff  }
0x14b: {  	v28 =	vshll.u32 v28, $0x7;
	v44 =	vld.idx.msk [tilespmem:v44+s19+$0x0], $0xffff;
	[tilespmem:v45+s29+$0x0] =	vst.idx.msk $0xffff, v29;
	v29 =	vor.u32 v13, v43  }
0x14c: {  	v41 =	vand.u32 $0x380, v41;
	v58 =	vor.u32 v14, v43;
	v28 =	vand.u32 $0xC00, v28;
	[tilespmem:v46+s29+$0x0] =	vst.idx.msk $0xffff, v38  }
0x14d: {  	v59 =	vor.u32 v15, v43;
	v28 =	vor.u32 v41, v28;
	[tilespmem:v47+s29+$0x0] =	vst.idx.msk $0xffff, v37  }
0x14e: {  	[tilespmem:v48+s29+$0x0] =	vst.idx.msk $0xffff, v27;
	v27 =	vor.u32 v0, v28  }
0x14f: {  	[tilespmem:v49+s29+$0x0] =	vst.idx.msk $0xffff, v26;
	v26 =	vor.u32 v9, v28  }
0x150: {  	[tilespmem:v29+s29+$0x0] =	vst.idx.msk $0xffff, v39;
	v29 =	vor.u32 v10, v28  }
0x151: {  	[tilespmem:v58+s29+$0x0] =	vst.idx.msk $0xffff, v30;
	v30 =	vor.u32 v11, v28  }
0x152: {  	v60 =	vor.u32 v12, v28;
	[tilespmem:v59+s29+$0x0] =	vst.idx.msk $0xffff, v32  }
0x153: {  	[tilespmem:v27+s29+$0x0] =	vst.idx.msk $0xffff, v40;
	v27 =	vor.u32 v13, v28  }
0x154: {  	[tilespmem:v26+s29+$0x0] =	vst.idx.msk $0xffff, v36;
	v26 =	vor.u32 v14, v28  }
0x155: {  	v25 =	vor.u32 $0x20, v25;
	v28 =	vor.u32 v15, v28;
	[tilespmem:v29+s29+$0x0] =	vst.idx.msk $0xffff, v42  }
0x156: {  	v61 =	vor.u32 $0x30, v24;
	v24 =	vor.u32 v25, v17;
	[tilespmem:v30+s29+$0x0] =	vst.idx.msk $0xffff, v31  }
0x157: {  	v29 =	vor.u32 v61, v18;
	[tilespmem:v60+s29+$0x0] =	vst.idx.msk $0xffff, v34  }
0x158: {  	v30 =	vor.u32 v61, v22;
	[tilespmem:v27+s29+$0x0] =	vst.idx.msk $0xffff, v33  }
0x159: {  	v63 =	vor.u32 v61, v19;
	[tilespmem:v26+s29+$0x0] =	vst.idx.msk $0xffff, v44  }
0x15a: {  	v31 =	vor.u32 v61, v20;
	[tilespmem:v28+s29+$0x0] =	vst.idx.msk $0xffff, v35  }
0x15b: {  	v62 =	vor.u32 v61, v16;
	v33 =	vld.idx.msk [tilespmem:v24+s19+$0x0], $0xffff  }
0x15c: {  	v38 =	vor.u32 v61, v23;
	v27 =	vld.idx.msk [tilespmem:v29+s19+$0x0], $0xffff  }
0x15d: {  	v35 =	vor.u32 v61, v21;
	v24 =	vshll.u32 v25, $0x7;
	v28 =	vld.idx.msk [tilespmem:v30+s19+$0x0], $0xffff  }
0x15e: {  	v37 =	vor.u32 v61, v17;
	v29 =	vshll.u32 v61, $0x7;
	v32 =	vld.idx.msk [tilespmem:v63+s19+$0x0], $0xffff;
	v24 =	vand.u32 $0x1400, v24  }
0x15f: {  	v36 =	vor.u32 v25, v18;
	v26 =	vor.u32 v41, v24;
	v24 =	vand.u32 $0x1C00, v29;
	v29 =	vld.idx.msk [tilespmem:v31+s19+$0x0], $0xffff  }
0x160: {  	s10 =	simm.s32 $0x1;
	v34 =	vor.u32 v25, v22;
	v30 =	vor.u32 v25, v21;
	v31 =	vld.idx.msk [tilespmem:v62+s19+$0x0], $0xffff;
	v24 =	vor.u32 v41, v24  }
.LBB2_26:
0x161: {  	p1 =	sne.s32 s10, $0xF;
	v38 =	vld.idx.msk [tilespmem:v38+s19+$0x0], $0xffff;
	s1 =	smov.u32 s10;
	s10 =	sadd.s32 $0x1, s10  }
0x162: {  	v39 =	vor.u32 v25, v23;
	v35 =	vld.idx.msk [tilespmem:v35+s19+$0x0], $0xffff  }
0x163: {  	v40 =	vor.u32 v25, v19;
	v37 =	vld.idx.msk [tilespmem:v37+s19+$0x0], $0xffff  }
0x164: {  	v41 =	vor.u32 v25, v16;
	v36 =	vld.idx.msk [tilespmem:v36+s19+$0x0], $0xffff  }
0x165: {  	v25 =	vor.u32 v25, v20;
	v34 =	vld.idx.msk [tilespmem:v34+s19+$0x0], $0xffff  }
0x166: {  	v42 =	vor.u32 v0, v26;
	v30 =	vld.idx.msk [tilespmem:v30+s19+$0x0], $0xffff  }
0x167: {  	v43 =	vor.u32 v9, v26;
	v39 =	vld.idx.msk [tilespmem:v39+s19+$0x0], $0xffff  }
0x168: {  	v44 =	vor.u32 v10, v26;
	v40 =	vld.idx.msk [tilespmem:v40+s19+$0x0], $0xffff  }
0x169: {  	v45 =	vor.u32 v11, v26;
	v41 =	vld.idx.msk [tilespmem:v41+s19+$0x0], $0xffff  }
0x16a: {  	v46 =	vor.u32 v12, v26;
	v47 =	vor.u32 v15, v24;
	v25 =	vld.idx.msk [tilespmem:v25+s19+$0x0], $0xffff  }
0x16b: {  	[tilespmem:v42+s29+$0x0] =	vst.idx.msk $0xffff, v33;
	v33 =	vor.u32 v13, v26;
	v42 =	vor.u32 v14, v24  }
0x16c: {  	[tilespmem:v43+s29+$0x0] =	vst.idx.msk $0xffff, v30;
	v30 =	vor.u32 v14, v26;
	v43 =	vor.u32 v13, v24  }
0x16d: {  	v26 =	vor.u32 v15, v26;
	[tilespmem:v44+s29+$0x0] =	vst.idx.msk $0xffff, v39;
	v39 =	vor.u32 v12, v24  }
0x16e: {  	v44 =	vor.u32 v11, v24;
	[tilespmem:v45+s29+$0x0] =	vst.idx.msk $0xffff, v40;
	v40 =	vor.u32 v0, v24  }
0x16f: {  	v45 =	vadd.s32 s1, v0;
	[tilespmem:v46+s29+$0x0] =	vst.idx.msk $0xffff, v41;
	v41 =	vor.u32 v9, v24;
	v24 =	vor.u32 v10, v24  }
0x170: {  	v46 =	vand.u32 $0xF, v45;
	v48 =	vor.u32 $0x10, v45;
	v49 =	vshll.u32 v45, $0x7;
	[tilespmem:v33+s29+$0x0] =	vst.idx.msk $0xffff, v25  }
0x171: {  	v33 =	vor.u32 v46, v17;
	v50 =	vor.u32 v46, v21;
	v51 =	vand.u32 $0x780, v49;
	[tilespmem:v30+s29+$0x0] =	vst.idx.msk $0xffff, v34  }
0x172: {  	v52 =	vor.u32 v46, v16;
	v25 =	vshll.u32 v48, $0x7;
	v34 =	vor.u32 v46, v19;
	[tilespmem:v26+s29+$0x0] =	vst.idx.msk $0xffff, v36  }
0x173: {  	v53 =	vor.u32 v46, v18;
	v36 =	vor.u32 v46, v22;
	v26 =	vand.u32 $0xC00, v25;
	[tilespmem:v40+s29+$0x0] =	vst.idx.msk $0xffff, v37  }
0x174: {  	v25 =	vor.u32 $0x20, v46;
	v37 =	vor.u32 v48, v21;
	v40 =	vor.u32 v48, v23;
	[tilespmem:v41+s29+$0x0] =	vst.idx.msk $0xffff, v35  }
0x175: {  	v45 =	vor.u32 $0x30, v45;
	v35 =	vor.u32 v48, v16;
	v41 =	vor.u32 v48, v20;
	[tilespmem:v24+s29+$0x0] =	vst.idx.msk $0xffff, v38  }
0x176: {  	v54 =	vor.u32 v48, v18;
	v38 =	vor.u32 v48, v22;
	v24 =	vand.u32 $0x380, v49;
	[tilespmem:v44+s29+$0x0] =	vst.idx.msk $0xffff, v32  }
0x177: {  	v32 =	vor.u32 v48, v19;
	v44 =	vor.u32 v24, v26;
	v26 =	vshll.u32 v25, $0x7;
	[tilespmem:v39+s29+$0x0] =	vst.idx.msk $0xffff, v31  }
0x178: {  	v30 =	vor.u32 v25, v21;
	v26 =	vand.u32 $0x1400, v26;
	v31 =	vshll.u32 v45, $0x7;
	[tilespmem:v43+s29+$0x0] =	vst.idx.msk $0xffff, v29  }
0x179: {  	v26 =	vor.u32 v24, v26;
	v29 =	vand.u32 $0x1C00, v31;
	[tilespmem:v42+s29+$0x0] =	vst.idx.msk $0xffff, v28  }
0x17a: {  	v24 =	vor.u32 v24, v29;
	[tilespmem:v47+s29+$0x0] =	vst.idx.msk $0xffff, v27  }
0x17b: {  	v27 =	vld.idx.msk [tilespmem:v52+s19+$0x0], $0xffff  }
0x17c: {  	v28 =	vld.idx.msk [tilespmem:v33+s19+$0x0], $0xffff  }
0x17d: {  	v29 =	vor.u32 v46, v23;
	v31 =	vld.idx.msk [tilespmem:v54+s19+$0x0], $0xffff  }
0x17e: {  	v33 =	vor.u32 v46, v20;
	v37 =	vld.idx.msk [tilespmem:v37+s19+$0x0], $0xffff  }
0x17f: {  	v39 =	vor.u32 v48, v17;
	v32 =	vld.idx.msk [tilespmem:v32+s19+$0x0], $0xffff  }
0x180: {  	v42 =	vld.idx.msk [tilespmem:v53+s19+$0x0], $0xffff  }
0x181: {  	v41 =	vld.idx.msk [tilespmem:v41+s19+$0x0], $0xffff  }
0x182: {  	v35 =	vld.idx.msk [tilespmem:v35+s19+$0x0], $0xffff  }
0x183: {  	v34 =	vld.idx.msk [tilespmem:v34+s19+$0x0], $0xffff  }
0x184: {  	v36 =	vld.idx.msk [tilespmem:v36+s19+$0x0], $0xffff  }
0x185: {  	v29 =	vld.idx.msk [tilespmem:v29+s19+$0x0], $0xffff  }
0x186: {  	v46 =	vor.u32 v0, v51;
	v43 =	vld.idx.msk [tilespmem:v50+s19+$0x0], $0xffff  }
0x187: {  	v47 =	vor.u32 v9, v51;
	v33 =	vld.idx.msk [tilespmem:v33+s19+$0x0], $0xffff  }
0x188: {  	v48 =	vor.u32 v10, v51;
	v39 =	vld.idx.msk [tilespmem:v39+s19+$0x0], $0xffff  }
0x189: {  	v49 =	vor.u32 v11, v51;
	v40 =	vld.idx.msk [tilespmem:v40+s19+$0x0], $0xffff  }
0x18a: {  	v50 =	vor.u32 v12, v51;
	v38 =	vld.idx.msk [tilespmem:v38+s19+$0x0], $0xffff  }
0x18b: {  	[tilespmem:v46+s29+$0x0] =	vst.idx.msk $0xffff, v28;
	v28 =	vor.u32 v13, v51  }
0x18c: {  	[tilespmem:v47+s29+$0x0] =	vst.idx.msk $0xffff, v43;
	v43 =	vor.u32 v14, v51  }
0x18d: {  	[tilespmem:v48+s29+$0x0] =	vst.idx.msk $0xffff, v29;
	v29 =	vor.u32 v15, v51  }
0x18e: {  	[tilespmem:v49+s29+$0x0] =	vst.idx.msk $0xffff, v34;
	v34 =	vor.u32 v0, v44  }
0x18f: {  	[tilespmem:v50+s29+$0x0] =	vst.idx.msk $0xffff, v27;
	v27 =	vor.u32 v9, v44  }
0x190: {  	[tilespmem:v28+s29+$0x0] =	vst.idx.msk $0xffff, v33;
	v28 =	vor.u32 v10, v44  }
0x191: {  	v33 =	vor.u32 v11, v44;
	[tilespmem:v43+s29+$0x0] =	vst.idx.msk $0xffff, v36  }
0x192: {  	[tilespmem:v29+s29+$0x0] =	vst.idx.msk $0xffff, v42;
	v29 =	vor.u32 v12, v44  }
0x193: {  	[tilespmem:v34+s29+$0x0] =	vst.idx.msk $0xffff, v39;
	v34 =	vor.u32 v13, v44  }
0x194: {  	[tilespmem:v27+s29+$0x0] =	vst.idx.msk $0xffff, v37;
	v27 =	vor.u32 v14, v44  }
0x195: {  	[tilespmem:v28+s29+$0x0] =	vst.idx.msk $0xffff, v40;
	v28 =	vor.u32 v15, v44  }
0x196: {  	[tilespmem:v33+s29+$0x0] =	vst.idx.msk $0xffff, v32;
	v32 =	vor.u32 v25, v17  }
0x197: {  	[tilespmem:v29+s29+$0x0] =	vst.idx.msk $0xffff, v35;
	v29 =	vor.u32 v45, v18  }
0x198: {  	[tilespmem:v34+s29+$0x0] =	vst.idx.msk $0xffff, v41;
	v34 =	vor.u32 v45, v22  }
0x199: {  	v36 =	vor.u32 v45, v20;
	[tilespmem:v27+s29+$0x0] =	vst.idx.msk $0xffff, v38  }
0x19a: {  	[tilespmem:v28+s29+$0x0] =	vst.idx.msk $0xffff, v31;
	v31 =	vor.u32 v45, v16  }
0x19b: {  	v33 =	vld.idx.msk [tilespmem:v32+s19+$0x0], $0xffff;
	v32 =	vor.u32 v45, v19  }
.Ltmp12:
0x19c: {  	v38 =	vor.u32 v45, v23;
	v27 =	vld.idx.msk [tilespmem:v29+s19+$0x0], $0xffff;
	(pc) =	sbr.rel @p1 .LBB2_26-.Ltmp12, $4  }
0x19d: {  	v35 =	vor.u32 v45, v21;
	v28 =	vld.idx.msk [tilespmem:v34+s19+$0x0], $0xffff  }
0x19e: {  	v37 =	vor.u32 v45, v17;
	v29 =	vld.idx.msk [tilespmem:v36+s19+$0x0], $0xffff  }
0x19f: {  	v36 =	vor.u32 v25, v18;
	v31 =	vld.idx.msk [tilespmem:v31+s19+$0x0], $0xffff  }
0x1a0: {  	v34 =	vor.u32 v25, v22;
	v32 =	vld.idx.msk [tilespmem:v32+s19+$0x0], $0xffff  }
0x1a1: {  	_ =	sdelay $0x3  }
0x1a2: {  	v17 =	vld.idx.msk [tilespmem:v38+s19+$0x0], $0xffff  }
0x1a3: {  	v18 =	vor.u32 v25, v23;
	v21 =	vld.idx.msk [tilespmem:v35+s19+$0x0], $0xffff  }
0x1a4: {  	v19 =	vor.u32 v25, v19;
	v22 =	vld.idx.msk [tilespmem:v37+s19+$0x0], $0xffff  }
0x1a5: {  	v16 =	vor.u32 v25, v16;
	v23 =	vld.idx.msk [tilespmem:v36+s19+$0x0], $0xffff  }
0x1a6: {  	v20 =	vor.u32 v25, v20;
	v25 =	vld.idx.msk [tilespmem:v34+s19+$0x0], $0xffff;
	v45 =	vor.u32 v0, v26  }
0x1a7: {  	v30 =	vld.idx.msk [tilespmem:v30+s19+$0x0], $0xffff;
	v46 =	vor.u32 v9, v26  }
0x1a8: {  	v47 =	vor.u32 v10, v26;
	v18 =	vld.idx.msk [tilespmem:v18+s19+$0x0], $0xffff  }
0x1a9: {  	v48 =	vor.u32 v11, v26;
	v19 =	vld.idx.msk [tilespmem:v19+s19+$0x0], $0xffff  }
0x1aa: {  	v49 =	vor.u32 v12, v26;
	v16 =	vld.idx.msk [tilespmem:v16+s19+$0x0], $0xffff  }
0x1ab: {  	v50 =	vor.u32 v13, v26;
	v20 =	vld.idx.msk [tilespmem:v20+s19+$0x0], $0xffff;
	[tilespmem:v45+s29+$0x0] =	vst.idx.msk $0xffff, v33  }
0x1ac: {  	[tilespmem:v46+s29+$0x0] =	vst.idx.msk $0xffff, v30;
	v30 =	vor.u32 v14, v26  }
0x1ad: {  	[tilespmem:v47+s29+$0x0] =	vst.idx.msk $0xffff, v18;
	v18 =	vor.u32 v15, v26  }
0x1ae: {  	[tilespmem:v48+s29+$0x0] =	vst.idx.msk $0xffff, v19;
	v19 =	vor.u32 v0, v24  }
0x1af: {  	[tilespmem:v49+s29+$0x0] =	vst.idx.msk $0xffff, v16;
	v16 =	vor.u32 v9, v24  }
0x1b0: {  	v26 =	vor.u32 v10, v24;
	[tilespmem:v50+s29+$0x0] =	vst.idx.msk $0xffff, v20  }
0x1b1: {  	v20 =	vor.u32 v11, v24;
	[tilespmem:v30+s29+$0x0] =	vst.idx.msk $0xffff, v25  }
0x1b2: {  	v25 =	vor.u32 v12, v24;
	[tilespmem:v18+s29+$0x0] =	vst.idx.msk $0xffff, v23  }
0x1b3: {  	v18 =	vor.u32 v13, v24;
	[tilespmem:v19+s29+$0x0] =	vst.idx.msk $0xffff, v22  }
0x1b4: {  	v19 =	vor.u32 v14, v24;
	[tilespmem:v16+s29+$0x0] =	vst.idx.msk $0xffff, v21  }
0x1b5: {  	v16 =	vor.u32 v15, v24;
	[tilespmem:v26+s29+$0x0] =	vst.idx.msk $0xffff, v17  }
0x1b6: {  	[tilespmem:v20+s29+$0x0] =	vst.idx.msk $0xffff, v32  }
0x1b7: {  	[tilespmem:v25+s29+$0x0] =	vst.idx.msk $0xffff, v31  }
0x1b8: {  	[tilespmem:v18+s29+$0x0] =	vst.idx.msk $0xffff, v29  }
0x1b9: {  	[tilespmem:v19+s29+$0x0] =	vst.idx.msk $0xffff, v28  }
0x1ba: {  	s1 =	sadd.s32 s20, s8;
	[tilespmem:v16+s29+$0x0] =	vst.idx.msk $0xffff, v27  }
0x1bb: {  	[hbm4b:s1+s12] =	stream.strided.scatter [tilespmem:s29], [sflag:$0x7], $0x2000, s25, s12, $0x38;
	[tilespmem:$0x16000] =	vst v63  }
0x1bc: {  	s1 =	sadd.s32 @!p0 $0x5, s11  }
0x1bd: {  	s2 =	sshll.u32 @!p0 s1, $0x5;
	s1 =	sshll.u32 @!p0 s1, $0x7  }
0x1be: {  	_ =	swait.ge [sflag:s13], $0x4000;
	s2 =	sand.u32 @!p0 $0x180, s2;
	s1 =	sand.u32 @!p0 $0x800, s1  }
0x1bf: {  	s7 =	simm.s32 @!p0 $0x6000;
	[sflag:s13] =	ssyncset.done $0x0;
	s1 =	sor.u32 @!p0 s2, s1  }
0x1c0: {  	[sflag:s13] =	ssyncadd.s32 $0xFFFFC000;
	s2 =	simm.s32 @!p0 $0x80;
	s1 =	sor.u32 @!p0 $0x1200, s1  }
0x1c1: {  	[tilespmem:s7], [sflag:$0x3] =	stream.indirect.gather @!p0 [hbm4b:s3+s2], $0x80, s1, s2, $0xb8;
	[tilespmem:$0x16000] =	vst v63  }
0x1c2: {  	_ =	swait.ge [sflag:s31], $0x2000  }
0x1c3: {  	[sflag:s31] =	ssyncset.done $0x0  }
0x1c4: {  	[sflag:s31] =	ssyncadd.s32 $0xFFFFE000  }
0x1c5: {  	v16 =	vld [tilespmem:s6+$0x400]  }
0x1c6: {  	v17 =	vld [tilespmem:s18+$0x410]  }
0x1c7: {  	v19 =	vld [tilespmem:s18+$0x430]  }
0x1c8: {  	v20 =	vld [tilespmem:s18+$0x470]  }
0x1c9: {  	s10 =	simm.s32 $0x0;
	v18 =	vld [tilespmem:s18+$0x440]  }
0x1ca: {  	v24 =	vadd.s32 s10, v0  }
0x1cb: {  	v25 =	vand.u32 $0xF, v24;
	v28 =	vor.u32 $0x10, v24;
	v23 =	vld [tilespmem:s18+$0x450]  }
0x1cc: {  	v16 =	vshll.u32 v16, $0x6;
	v17 =	vshll.u32 v17, $0x6;
	v19 =	vshll.u32 v19, $0x6  }
0x1cd: {  	v21 =	vand.u32 $0x40, v16;
	v22 =	vand.u32 $0x40, v17;
	v17 =	vshll.u32 v20, $0x6  }
0x1ce: {  	v16 =	vshll.u32 v18, $0x6;
	v18 =	vand.u32 $0x40, v17;
	v17 =	vor.u32 v1, v21  }
0x1cf: {  	v19 =	vand.u32 $0x40, v19;
	v21 =	vor.u32 v2, v22;
	v29 =	vor.u32 v25, v17  }
0x1d0: {  	v20 =	vshll.u32 v23, $0x6;
	v19 =	vor.u32 v4, v19;
	v23 =	vor.u32 v28, v21  }
0x1d1: {  	v31 =	vor.u32 v28, v19  }
0x1d2: {  	v27 =	vld [tilespmem:s18+$0x460];
	v16 =	vand.u32 $0x40, v16;
	v57 =	vor.u32 v25, v21  }
0x1d3: {  	v30 =	vld [tilespmem:s18+$0x420];
	v16 =	vor.u32 v5, v16;
	v40 =	vor.u32 v28, v17  }
0x1d4: {  	v18 =	vor.u32 v8, v18;
	v26 =	vor.u32 v25, v16;
	v29 =	vld.idx.msk [tilespmem:v29+s21+$0x0], $0xffff  }
0x1d5: {  	v20 =	vand.u32 $0x40, v20;
	v22 =	vor.u32 v28, v18;
	v55 =	vld.idx.msk [tilespmem:v23+s21+$0x0], $0xffff  }
0x1d6: {  	v20 =	vor.u32 v6, v20;
	v51 =	vor.u32 v25, v18;
	v31 =	vld.idx.msk [tilespmem:v31+s21+$0x0], $0xffff  }
0x1d7: {  	v52 =	vor.u32 v28, v20;
	v38 =	vld.idx.msk [tilespmem:v57+s21+$0x0], $0xffff  }
0x1d8: {  	v27 =	vshll.u32 v27, $0x6;
	v30 =	vshll.u32 v30, $0x6;
	v53 =	vor.u32 v28, v16;
	v40 =	vld.idx.msk [tilespmem:v40+s21+$0x0], $0xffff  }
0x1d9: {  	v27 =	vand.u32 $0x40, v27;
	v30 =	vand.u32 $0x40, v30;
	v39 =	vor.u32 v25, v20;
	v26 =	vld.idx.msk [tilespmem:v26+s21+$0x0], $0xffff  }
0x1da: {  	v23 =	vor.u32 v3, v30;
	v54 =	vld.idx.msk [tilespmem:v22+s21+$0x0], $0xffff;
	v22 =	vor.u32 v7, v27;
	v27 =	vor.u32 v25, v19  }
0x1db: {  	v56 =	vor.u32 v25, v23;
	v32 =	vld.idx.msk [tilespmem:v51+s21+$0x0], $0xffff  }
0x1dc: {  	v41 =	vshll.u32 v24, $0x7;
	v33 =	vld.idx.msk [tilespmem:v52+s21+$0x0], $0xffff;
	v42 =	vor.u32 v28, v23  }
0x1dd: {  	v43 =	vand.u32 $0x780, v41;
	v34 =	vld.idx.msk [tilespmem:v53+s21+$0x0], $0xffff;
	v30 =	vor.u32 v25, v22  }
0x1de: {  	v45 =	vor.u32 v0, v43;
	v39 =	vld.idx.msk [tilespmem:v39+s21+$0x0], $0xffff;
	v44 =	vor.u32 v28, v22  }
0x1df: {  	v46 =	vor.u32 v9, v43;
	v27 =	vld.idx.msk [tilespmem:v27+s21+$0x0], $0xffff  }
0x1e0: {  	v47 =	vor.u32 v10, v43;
	v37 =	vld.idx.msk [tilespmem:v56+s21+$0x0], $0xffff  }
0x1e1: {  	v48 =	vor.u32 v11, v43;
	v42 =	vld.idx.msk [tilespmem:v42+s21+$0x0], $0xffff  }
0x1e2: {  	v49 =	vor.u32 v12, v43;
	v30 =	vld.idx.msk [tilespmem:v30+s21+$0x0], $0xffff  }
0x1e3: {  	v28 =	vshll.u32 v28, $0x7;
	v44 =	vld.idx.msk [tilespmem:v44+s21+$0x0], $0xffff;
	[tilespmem:v45+s24+$0x0] =	vst.idx.msk $0xffff, v29;
	v29 =	vor.u32 v13, v43  }
0x1e4: {  	v41 =	vand.u32 $0x380, v41;
	v58 =	vor.u32 v14, v43;
	v28 =	vand.u32 $0xC00, v28;
	[tilespmem:v46+s24+$0x0] =	vst.idx.msk $0xffff, v38  }
0x1e5: {  	v59 =	vor.u32 v15, v43;
	v28 =	vor.u32 v41, v28;
	[tilespmem:v47+s24+$0x0] =	vst.idx.msk $0xffff, v37  }
0x1e6: {  	[tilespmem:v48+s24+$0x0] =	vst.idx.msk $0xffff, v27;
	v27 =	vor.u32 v0, v28  }
0x1e7: {  	[tilespmem:v49+s24+$0x0] =	vst.idx.msk $0xffff, v26;
	v26 =	vor.u32 v9, v28  }
0x1e8: {  	[tilespmem:v29+s24+$0x0] =	vst.idx.msk $0xffff, v39;
	v29 =	vor.u32 v10, v28  }
0x1e9: {  	[tilespmem:v58+s24+$0x0] =	vst.idx.msk $0xffff, v30;
	v30 =	vor.u32 v11, v28  }
0x1ea: {  	v60 =	vor.u32 v12, v28;
	[tilespmem:v59+s24+$0x0] =	vst.idx.msk $0xffff, v32  }
0x1eb: {  	[tilespmem:v27+s24+$0x0] =	vst.idx.msk $0xffff, v40;
	v27 =	vor.u32 v13, v28  }
0x1ec: {  	[tilespmem:v26+s24+$0x0] =	vst.idx.msk $0xffff, v55;
	v26 =	vor.u32 v14, v28  }
0x1ed: {  	v25 =	vor.u32 $0x20, v25;
	v28 =	vor.u32 v15, v28;
	[tilespmem:v29+s24+$0x0] =	vst.idx.msk $0xffff, v42  }
0x1ee: {  	v61 =	vor.u32 $0x30, v24;
	v24 =	vor.u32 v25, v17;
	[tilespmem:v30+s24+$0x0] =	vst.idx.msk $0xffff, v31  }
0x1ef: {  	v29 =	vor.u32 v61, v18;
	[tilespmem:v60+s24+$0x0] =	vst.idx.msk $0xffff, v34  }
0x1f0: {  	v30 =	vor.u32 v61, v22;
	[tilespmem:v27+s24+$0x0] =	vst.idx.msk $0xffff, v33  }
0x1f1: {  	v63 =	vor.u32 v61, v19;
	[tilespmem:v26+s24+$0x0] =	vst.idx.msk $0xffff, v44  }
0x1f2: {  	v31 =	vor.u32 v61, v20;
	[tilespmem:v28+s24+$0x0] =	vst.idx.msk $0xffff, v54  }
0x1f3: {  	v62 =	vor.u32 v61, v16;
	v33 =	vld.idx.msk [tilespmem:v24+s21+$0x0], $0xffff  }
0x1f4: {  	v38 =	vor.u32 v61, v23;
	v27 =	vld.idx.msk [tilespmem:v29+s21+$0x0], $0xffff  }
0x1f5: {  	v35 =	vor.u32 v61, v21;
	v24 =	vshll.u32 v25, $0x7;
	v28 =	vld.idx.msk [tilespmem:v30+s21+$0x0], $0xffff  }
0x1f6: {  	v37 =	vor.u32 v61, v17;
	v29 =	vshll.u32 v61, $0x7;
	v32 =	vld.idx.msk [tilespmem:v63+s21+$0x0], $0xffff;
	v24 =	vand.u32 $0x1400, v24  }
0x1f7: {  	v36 =	vor.u32 v25, v18;
	v26 =	vor.u32 v41, v24;
	v24 =	vand.u32 $0x1C00, v29;
	v29 =	vld.idx.msk [tilespmem:v31+s21+$0x0], $0xffff  }
0x1f8: {  	s10 =	simm.s32 $0x1;
	v34 =	vor.u32 v25, v22;
	v30 =	vor.u32 v25, v21;
	v31 =	vld.idx.msk [tilespmem:v62+s21+$0x0], $0xffff;
	v24 =	vor.u32 v41, v24  }
.LBB2_28:
0x1f9: {  	p1 =	sne.s32 s10, $0xF;
	v38 =	vld.idx.msk [tilespmem:v38+s21+$0x0], $0xffff;
	s1 =	smov.u32 s10;
	s10 =	sadd.s32 $0x1, s10  }
0x1fa: {  	v39 =	vor.u32 v25, v23;
	v35 =	vld.idx.msk [tilespmem:v35+s21+$0x0], $0xffff  }
0x1fb: {  	v40 =	vor.u32 v25, v19;
	v37 =	vld.idx.msk [tilespmem:v37+s21+$0x0], $0xffff  }
0x1fc: {  	v41 =	vor.u32 v25, v16;
	v36 =	vld.idx.msk [tilespmem:v36+s21+$0x0], $0xffff  }
0x1fd: {  	v25 =	vor.u32 v25, v20;
	v34 =	vld.idx.msk [tilespmem:v34+s21+$0x0], $0xffff  }
0x1fe: {  	v42 =	vor.u32 v0, v26;
	v30 =	vld.idx.msk [tilespmem:v30+s21+$0x0], $0xffff  }
0x1ff: {  	v43 =	vor.u32 v9, v26;
	v39 =	vld.idx.msk [tilespmem:v39+s21+$0x0], $0xffff  }
0x200: {  	v44 =	vor.u32 v10, v26;
	v40 =	vld.idx.msk [tilespmem:v40+s21+$0x0], $0xffff  }
0x201: {  	v45 =	vor.u32 v11, v26;
	v41 =	vld.idx.msk [tilespmem:v41+s21+$0x0], $0xffff  }
0x202: {  	v46 =	vor.u32 v12, v26;
	v47 =	vor.u32 v15, v24;
	v25 =	vld.idx.msk [tilespmem:v25+s21+$0x0], $0xffff  }
0x203: {  	[tilespmem:v42+s24+$0x0] =	vst.idx.msk $0xffff, v33;
	v33 =	vor.u32 v13, v26;
	v42 =	vor.u32 v14, v24  }
0x204: {  	[tilespmem:v43+s24+$0x0] =	vst.idx.msk $0xffff, v30;
	v30 =	vor.u32 v14, v26;
	v43 =	vor.u32 v13, v24  }
0x205: {  	v26 =	vor.u32 v15, v26;
	[tilespmem:v44+s24+$0x0] =	vst.idx.msk $0xffff, v39;
	v39 =	vor.u32 v12, v24  }
0x206: {  	v44 =	vor.u32 v11, v24;
	[tilespmem:v45+s24+$0x0] =	vst.idx.msk $0xffff, v40;
	v40 =	vor.u32 v0, v24  }
0x207: {  	v45 =	vadd.s32 s1, v0;
	[tilespmem:v46+s24+$0x0] =	vst.idx.msk $0xffff, v41;
	v41 =	vor.u32 v9, v24;
	v24 =	vor.u32 v10, v24  }
0x208: {  	v46 =	vand.u32 $0xF, v45;
	v48 =	vor.u32 $0x10, v45;
	v49 =	vshll.u32 v45, $0x7;
	[tilespmem:v33+s24+$0x0] =	vst.idx.msk $0xffff, v25  }
0x209: {  	v33 =	vor.u32 v46, v17;
	v50 =	vor.u32 v46, v21;
	v51 =	vand.u32 $0x780, v49;
	[tilespmem:v30+s24+$0x0] =	vst.idx.msk $0xffff, v34  }
0x20a: {  	v52 =	vor.u32 v46, v16;
	v25 =	vshll.u32 v48, $0x7;
	v34 =	vor.u32 v46, v19;
	[tilespmem:v26+s24+$0x0] =	vst.idx.msk $0xffff, v36  }
0x20b: {  	v53 =	vor.u32 v46, v18;
	v36 =	vor.u32 v46, v22;
	v26 =	vand.u32 $0xC00, v25;
	[tilespmem:v40+s24+$0x0] =	vst.idx.msk $0xffff, v37  }
0x20c: {  	v25 =	vor.u32 $0x20, v46;
	v37 =	vor.u32 v48, v21;
	v40 =	vor.u32 v48, v23;
	[tilespmem:v41+s24+$0x0] =	vst.idx.msk $0xffff, v35  }
0x20d: {  	v45 =	vor.u32 $0x30, v45;
	v35 =	vor.u32 v48, v16;
	v41 =	vor.u32 v48, v20;
	[tilespmem:v24+s24+$0x0] =	vst.idx.msk $0xffff, v38  }
0x20e: {  	v54 =	vor.u32 v48, v18;
	v38 =	vor.u32 v48, v22;
	v24 =	vand.u32 $0x380, v49;
	[tilespmem:v44+s24+$0x0] =	vst.idx.msk $0xffff, v32  }
0x20f: {  	v32 =	vor.u32 v48, v19;
	v44 =	vor.u32 v24, v26;
	v26 =	vshll.u32 v25, $0x7;
	[tilespmem:v39+s24+$0x0] =	vst.idx.msk $0xffff, v31  }
0x210: {  	v30 =	vor.u32 v25, v21;
	v26 =	vand.u32 $0x1400, v26;
	v31 =	vshll.u32 v45, $0x7;
	[tilespmem:v43+s24+$0x0] =	vst.idx.msk $0xffff, v29  }
0x211: {  	v26 =	vor.u32 v24, v26;
	v29 =	vand.u32 $0x1C00, v31;
	[tilespmem:v42+s24+$0x0] =	vst.idx.msk $0xffff, v28  }
0x212: {  	v24 =	vor.u32 v24, v29;
	[tilespmem:v47+s24+$0x0] =	vst.idx.msk $0xffff, v27  }
0x213: {  	v27 =	vld.idx.msk [tilespmem:v52+s21+$0x0], $0xffff  }
0x214: {  	v28 =	vld.idx.msk [tilespmem:v33+s21+$0x0], $0xffff  }
0x215: {  	v29 =	vor.u32 v46, v23;
	v31 =	vld.idx.msk [tilespmem:v54+s21+$0x0], $0xffff  }
0x216: {  	v33 =	vor.u32 v46, v20;
	v37 =	vld.idx.msk [tilespmem:v37+s21+$0x0], $0xffff  }
0x217: {  	v39 =	vor.u32 v48, v17;
	v32 =	vld.idx.msk [tilespmem:v32+s21+$0x0], $0xffff  }
0x218: {  	v42 =	vld.idx.msk [tilespmem:v53+s21+$0x0], $0xffff  }
0x219: {  	v41 =	vld.idx.msk [tilespmem:v41+s21+$0x0], $0xffff  }
0x21a: {  	v35 =	vld.idx.msk [tilespmem:v35+s21+$0x0], $0xffff  }
0x21b: {  	v34 =	vld.idx.msk [tilespmem:v34+s21+$0x0], $0xffff  }
0x21c: {  	v36 =	vld.idx.msk [tilespmem:v36+s21+$0x0], $0xffff  }
0x21d: {  	v29 =	vld.idx.msk [tilespmem:v29+s21+$0x0], $0xffff  }
0x21e: {  	v46 =	vor.u32 v0, v51;
	v43 =	vld.idx.msk [tilespmem:v50+s21+$0x0], $0xffff  }
0x21f: {  	v47 =	vor.u32 v9, v51;
	v33 =	vld.idx.msk [tilespmem:v33+s21+$0x0], $0xffff  }
0x220: {  	v48 =	vor.u32 v10, v51;
	v39 =	vld.idx.msk [tilespmem:v39+s21+$0x0], $0xffff  }
0x221: {  	v49 =	vor.u32 v11, v51;
	v40 =	vld.idx.msk [tilespmem:v40+s21+$0x0], $0xffff  }
0x222: {  	v50 =	vor.u32 v12, v51;
	v38 =	vld.idx.msk [tilespmem:v38+s21+$0x0], $0xffff  }
0x223: {  	[tilespmem:v46+s24+$0x0] =	vst.idx.msk $0xffff, v28;
	v28 =	vor.u32 v13, v51  }
0x224: {  	[tilespmem:v47+s24+$0x0] =	vst.idx.msk $0xffff, v43;
	v43 =	vor.u32 v14, v51  }
0x225: {  	[tilespmem:v48+s24+$0x0] =	vst.idx.msk $0xffff, v29;
	v29 =	vor.u32 v15, v51  }
0x226: {  	[tilespmem:v49+s24+$0x0] =	vst.idx.msk $0xffff, v34;
	v34 =	vor.u32 v0, v44  }
0x227: {  	[tilespmem:v50+s24+$0x0] =	vst.idx.msk $0xffff, v27;
	v27 =	vor.u32 v9, v44  }
0x228: {  	[tilespmem:v28+s24+$0x0] =	vst.idx.msk $0xffff, v33;
	v28 =	vor.u32 v10, v44  }
0x229: {  	v33 =	vor.u32 v11, v44;
	[tilespmem:v43+s24+$0x0] =	vst.idx.msk $0xffff, v36  }
0x22a: {  	[tilespmem:v29+s24+$0x0] =	vst.idx.msk $0xffff, v42;
	v29 =	vor.u32 v12, v44  }
0x22b: {  	[tilespmem:v34+s24+$0x0] =	vst.idx.msk $0xffff, v39;
	v34 =	vor.u32 v13, v44  }
0x22c: {  	[tilespmem:v27+s24+$0x0] =	vst.idx.msk $0xffff, v37;
	v27 =	vor.u32 v14, v44  }
0x22d: {  	[tilespmem:v28+s24+$0x0] =	vst.idx.msk $0xffff, v40;
	v28 =	vor.u32 v15, v44  }
0x22e: {  	[tilespmem:v33+s24+$0x0] =	vst.idx.msk $0xffff, v32;
	v32 =	vor.u32 v25, v17  }
0x22f: {  	[tilespmem:v29+s24+$0x0] =	vst.idx.msk $0xffff, v35;
	v29 =	vor.u32 v45, v18  }
0x230: {  	[tilespmem:v34+s24+$0x0] =	vst.idx.msk $0xffff, v41;
	v34 =	vor.u32 v45, v22  }
0x231: {  	v36 =	vor.u32 v45, v20;
	[tilespmem:v27+s24+$0x0] =	vst.idx.msk $0xffff, v38  }
0x232: {  	[tilespmem:v28+s24+$0x0] =	vst.idx.msk $0xffff, v31;
	v31 =	vor.u32 v45, v16  }
0x233: {  	v33 =	vld.idx.msk [tilespmem:v32+s21+$0x0], $0xffff;
	v32 =	vor.u32 v45, v19  }
.Ltmp13:
0x234: {  	v38 =	vor.u32 v45, v23;
	v27 =	vld.idx.msk [tilespmem:v29+s21+$0x0], $0xffff;
	(pc) =	sbr.rel @p1 .LBB2_28-.Ltmp13, $4  }
0x235: {  	v35 =	vor.u32 v45, v21;
	v28 =	vld.idx.msk [tilespmem:v34+s21+$0x0], $0xffff  }
0x236: {  	v37 =	vor.u32 v45, v17;
	v29 =	vld.idx.msk [tilespmem:v36+s21+$0x0], $0xffff  }
0x237: {  	v36 =	vor.u32 v25, v18;
	v31 =	vld.idx.msk [tilespmem:v31+s21+$0x0], $0xffff  }
0x238: {  	v34 =	vor.u32 v25, v22;
	v32 =	vld.idx.msk [tilespmem:v32+s21+$0x0], $0xffff  }
0x239: {  	_ =	sdelay $0x3  }
0x23a: {  	v17 =	vld.idx.msk [tilespmem:v38+s21+$0x0], $0xffff  }
0x23b: {  	v18 =	vor.u32 v25, v23;
	v21 =	vld.idx.msk [tilespmem:v35+s21+$0x0], $0xffff  }
0x23c: {  	v19 =	vor.u32 v25, v19;
	v22 =	vld.idx.msk [tilespmem:v37+s21+$0x0], $0xffff  }
0x23d: {  	v16 =	vor.u32 v25, v16;
	v23 =	vld.idx.msk [tilespmem:v36+s21+$0x0], $0xffff  }
0x23e: {  	v20 =	vor.u32 v25, v20;
	v25 =	vld.idx.msk [tilespmem:v34+s21+$0x0], $0xffff;
	v45 =	vor.u32 v0, v26  }
0x23f: {  	v30 =	vld.idx.msk [tilespmem:v30+s21+$0x0], $0xffff;
	v46 =	vor.u32 v9, v26  }
0x240: {  	v47 =	vor.u32 v10, v26;
	v18 =	vld.idx.msk [tilespmem:v18+s21+$0x0], $0xffff  }
0x241: {  	v48 =	vor.u32 v11, v26;
	v19 =	vld.idx.msk [tilespmem:v19+s21+$0x0], $0xffff  }
0x242: {  	v49 =	vor.u32 v12, v26;
	v16 =	vld.idx.msk [tilespmem:v16+s21+$0x0], $0xffff  }
0x243: {  	v50 =	vor.u32 v13, v26;
	v20 =	vld.idx.msk [tilespmem:v20+s21+$0x0], $0xffff;
	[tilespmem:v45+s24+$0x0] =	vst.idx.msk $0xffff, v33  }
0x244: {  	[tilespmem:v46+s24+$0x0] =	vst.idx.msk $0xffff, v30;
	v30 =	vor.u32 v14, v26  }
0x245: {  	[tilespmem:v47+s24+$0x0] =	vst.idx.msk $0xffff, v18;
	v18 =	vor.u32 v15, v26  }
0x246: {  	[tilespmem:v48+s24+$0x0] =	vst.idx.msk $0xffff, v19;
	v19 =	vor.u32 v0, v24  }
0x247: {  	[tilespmem:v49+s24+$0x0] =	vst.idx.msk $0xffff, v16;
	v16 =	vor.u32 v9, v24  }
0x248: {  	v26 =	vor.u32 v10, v24;
	[tilespmem:v50+s24+$0x0] =	vst.idx.msk $0xffff, v20  }
0x249: {  	v20 =	vor.u32 v11, v24;
	[tilespmem:v30+s24+$0x0] =	vst.idx.msk $0xffff, v25  }
0x24a: {  	v25 =	vor.u32 v12, v24;
	[tilespmem:v18+s24+$0x0] =	vst.idx.msk $0xffff, v23  }
0x24b: {  	v18 =	vor.u32 v13, v24;
	[tilespmem:v19+s24+$0x0] =	vst.idx.msk $0xffff, v22  }
0x24c: {  	v19 =	vor.u32 v14, v24;
	[tilespmem:v16+s24+$0x0] =	vst.idx.msk $0xffff, v21  }
0x24d: {  	v16 =	vor.u32 v15, v24;
	[tilespmem:v26+s24+$0x0] =	vst.idx.msk $0xffff, v17  }
0x24e: {  	[tilespmem:v20+s24+$0x0] =	vst.idx.msk $0xffff, v32  }
0x24f: {  	[tilespmem:v25+s24+$0x0] =	vst.idx.msk $0xffff, v31  }
0x250: {  	[tilespmem:v18+s24+$0x0] =	vst.idx.msk $0xffff, v29  }
0x251: {  	[tilespmem:v19+s24+$0x0] =	vst.idx.msk $0xffff, v28  }
0x252: {  	s1 =	sadd.s32 s20, s9;
	[tilespmem:v16+s24+$0x0] =	vst.idx.msk $0xffff, v27  }
0x253: {  	[hbm4b:s1+s12] =	stream.strided.scatter [tilespmem:s24], [sflag:$0x6], $0x2000, s25, s12, $0x38;
	[tilespmem:$0x16000] =	vst v63  }
0x254: {  	s1 =	sadd.s32 @!p0 $0x6, s11  }
0x255: {  	s2 =	sshll.u32 @!p0 s1, $0x5;
	s1 =	sshll.u32 @!p0 s1, $0x7  }
0x256: {  	_ =	swait.ge [sflag:s0], $0x4000;
	s2 =	sand.u32 @!p0 $0x180, s2;
	s1 =	sand.u32 @!p0 $0x800, s1  }
0x257: {  	s7 =	simm.s32 @!p0 $0xA000;
	[sflag:s0] =	ssyncset.done $0x0;
	s1 =	sor.u32 @!p0 s2, s1  }
0x258: {  	[sflag:s0] =	ssyncadd.s32 $0xFFFFC000;
	s2 =	simm.s32 @!p0 $0x80;
	s1 =	sor.u32 @!p0 $0x1400, s1  }
0x259: {  	[tilespmem:s7], [sflag:$0x4] =	stream.indirect.gather @!p0 [hbm4b:s3+s2], $0x80, s1, s2, $0xb8;
	[tilespmem:$0x16000] =	vst v63  }
0x25a: {  	_ =	swait.ge [sflag:s28], $0x2000  }
0x25b: {  	[sflag:s28] =	ssyncset.done $0x0  }
0x25c: {  	[sflag:s28] =	ssyncadd.s32 $0xFFFFE000  }
0x25d: {  	v16 =	vld [tilespmem:s6+$0x600]  }
0x25e: {  	v17 =	vld [tilespmem:s18+$0x610]  }
0x25f: {  	v19 =	vld [tilespmem:s18+$0x630]  }
0x260: {  	v20 =	vld [tilespmem:s18+$0x670]  }
0x261: {  	s11 =	simm.s32 $0x0;
	v18 =	vld [tilespmem:s18+$0x640]  }
0x262: {  	v24 =	vadd.s32 s11, v0  }
0x263: {  	v25 =	vand.u32 $0xF, v24;
	v28 =	vor.u32 $0x10, v24;
	v23 =	vld [tilespmem:s18+$0x650]  }
0x264: {  	v16 =	vshll.u32 v16, $0x6;
	v17 =	vshll.u32 v17, $0x6;
	v19 =	vshll.u32 v19, $0x6  }
0x265: {  	v21 =	vand.u32 $0x40, v16;
	v22 =	vand.u32 $0x40, v17;
	v17 =	vshll.u32 v20, $0x6  }
0x266: {  	v16 =	vshll.u32 v18, $0x6;
	v18 =	vand.u32 $0x40, v17;
	v17 =	vor.u32 v1, v21  }
0x267: {  	v19 =	vand.u32 $0x40, v19;
	v21 =	vor.u32 v2, v22;
	v29 =	vor.u32 v25, v17  }
0x268: {  	v20 =	vshll.u32 v23, $0x6;
	v19 =	vor.u32 v4, v19;
	v23 =	vor.u32 v28, v21  }
0x269: {  	v31 =	vor.u32 v28, v19  }
0x26a: {  	v27 =	vld [tilespmem:s18+$0x660];
	v16 =	vand.u32 $0x40, v16;
	v57 =	vor.u32 v25, v21  }
0x26b: {  	v30 =	vld [tilespmem:s18+$0x620];
	v16 =	vor.u32 v5, v16;
	v40 =	vor.u32 v28, v17  }
0x26c: {  	v18 =	vor.u32 v8, v18;
	v26 =	vor.u32 v25, v16;
	v29 =	vld.idx.msk [tilespmem:v29+s23+$0x0], $0xffff  }
0x26d: {  	v20 =	vand.u32 $0x40, v20;
	v22 =	vor.u32 v28, v18;
	v55 =	vld.idx.msk [tilespmem:v23+s23+$0x0], $0xffff  }
0x26e: {  	v20 =	vor.u32 v6, v20;
	v51 =	vor.u32 v25, v18;
	v31 =	vld.idx.msk [tilespmem:v31+s23+$0x0], $0xffff  }
0x26f: {  	v52 =	vor.u32 v28, v20;
	v38 =	vld.idx.msk [tilespmem:v57+s23+$0x0], $0xffff  }
0x270: {  	v27 =	vshll.u32 v27, $0x6;
	v30 =	vshll.u32 v30, $0x6;
	v53 =	vor.u32 v28, v16;
	v40 =	vld.idx.msk [tilespmem:v40+s23+$0x0], $0xffff  }
0x271: {  	v27 =	vand.u32 $0x40, v27;
	v30 =	vand.u32 $0x40, v30;
	v39 =	vor.u32 v25, v20;
	v26 =	vld.idx.msk [tilespmem:v26+s23+$0x0], $0xffff  }
0x272: {  	v23 =	vor.u32 v3, v30;
	v54 =	vld.idx.msk [tilespmem:v22+s23+$0x0], $0xffff;
	v22 =	vor.u32 v7, v27;
	v27 =	vor.u32 v25, v19  }
0x273: {  	v56 =	vor.u32 v25, v23;
	v32 =	vld.idx.msk [tilespmem:v51+s23+$0x0], $0xffff  }
0x274: {  	v41 =	vshll.u32 v24, $0x7;
	v33 =	vld.idx.msk [tilespmem:v52+s23+$0x0], $0xffff;
	v42 =	vor.u32 v28, v23  }
0x275: {  	v43 =	vand.u32 $0x780, v41;
	v34 =	vld.idx.msk [tilespmem:v53+s23+$0x0], $0xffff;
	v30 =	vor.u32 v25, v22  }
0x276: {  	v45 =	vor.u32 v0, v43;
	v39 =	vld.idx.msk [tilespmem:v39+s23+$0x0], $0xffff;
	v44 =	vor.u32 v28, v22  }
0x277: {  	v46 =	vor.u32 v9, v43;
	v27 =	vld.idx.msk [tilespmem:v27+s23+$0x0], $0xffff  }
0x278: {  	v47 =	vor.u32 v10, v43;
	v37 =	vld.idx.msk [tilespmem:v56+s23+$0x0], $0xffff  }
0x279: {  	v48 =	vor.u32 v11, v43;
	v42 =	vld.idx.msk [tilespmem:v42+s23+$0x0], $0xffff  }
0x27a: {  	v49 =	vor.u32 v12, v43;
	v30 =	vld.idx.msk [tilespmem:v30+s23+$0x0], $0xffff  }
0x27b: {  	v28 =	vshll.u32 v28, $0x7;
	v44 =	vld.idx.msk [tilespmem:v44+s23+$0x0], $0xffff;
	[tilespmem:v45+s29+$0x0] =	vst.idx.msk $0xffff, v29;
	v29 =	vor.u32 v13, v43  }
0x27c: {  	v41 =	vand.u32 $0x380, v41;
	v58 =	vor.u32 v14, v43;
	v28 =	vand.u32 $0xC00, v28;
	[tilespmem:v46+s29+$0x0] =	vst.idx.msk $0xffff, v38  }
0x27d: {  	v59 =	vor.u32 v15, v43;
	v28 =	vor.u32 v41, v28;
	[tilespmem:v47+s29+$0x0] =	vst.idx.msk $0xffff, v37  }
0x27e: {  	[tilespmem:v48+s29+$0x0] =	vst.idx.msk $0xffff, v27;
	v27 =	vor.u32 v0, v28  }
0x27f: {  	[tilespmem:v49+s29+$0x0] =	vst.idx.msk $0xffff, v26;
	v26 =	vor.u32 v9, v28  }
0x280: {  	[tilespmem:v29+s29+$0x0] =	vst.idx.msk $0xffff, v39;
	v29 =	vor.u32 v10, v28  }
0x281: {  	[tilespmem:v58+s29+$0x0] =	vst.idx.msk $0xffff, v30;
	v30 =	vor.u32 v11, v28  }
0x282: {  	v60 =	vor.u32 v12, v28;
	[tilespmem:v59+s29+$0x0] =	vst.idx.msk $0xffff, v32  }
0x283: {  	[tilespmem:v27+s29+$0x0] =	vst.idx.msk $0xffff, v40;
	v27 =	vor.u32 v13, v28  }
0x284: {  	[tilespmem:v26+s29+$0x0] =	vst.idx.msk $0xffff, v55;
	v26 =	vor.u32 v14, v28  }
0x285: {  	v25 =	vor.u32 $0x20, v25;
	v28 =	vor.u32 v15, v28;
	[tilespmem:v29+s29+$0x0] =	vst.idx.msk $0xffff, v42  }
0x286: {  	v61 =	vor.u32 $0x30, v24;
	v24 =	vor.u32 v25, v17;
	[tilespmem:v30+s29+$0x0] =	vst.idx.msk $0xffff, v31  }
0x287: {  	v29 =	vor.u32 v61, v18;
	[tilespmem:v60+s29+$0x0] =	vst.idx.msk $0xffff, v34  }
0x288: {  	v30 =	vor.u32 v61, v22;
	[tilespmem:v27+s29+$0x0] =	vst.idx.msk $0xffff, v33  }
0x289: {  	v63 =	vor.u32 v61, v19;
	[tilespmem:v26+s29+$0x0] =	vst.idx.msk $0xffff, v44  }
0x28a: {  	v31 =	vor.u32 v61, v20;
	[tilespmem:v28+s29+$0x0] =	vst.idx.msk $0xffff, v54  }
0x28b: {  	v62 =	vor.u32 v61, v16;
	v33 =	vld.idx.msk [tilespmem:v24+s23+$0x0], $0xffff  }
0x28c: {  	v38 =	vor.u32 v61, v23;
	v27 =	vld.idx.msk [tilespmem:v29+s23+$0x0], $0xffff  }
0x28d: {  	v35 =	vor.u32 v61, v21;
	v24 =	vshll.u32 v25, $0x7;
	v28 =	vld.idx.msk [tilespmem:v30+s23+$0x0], $0xffff  }
0x28e: {  	v37 =	vor.u32 v61, v17;
	v29 =	vshll.u32 v61, $0x7;
	v32 =	vld.idx.msk [tilespmem:v63+s23+$0x0], $0xffff;
	v24 =	vand.u32 $0x1400, v24  }
0x28f: {  	v36 =	vor.u32 v25, v18;
	v26 =	vor.u32 v41, v24;
	v24 =	vand.u32 $0x1C00, v29;
	v29 =	vld.idx.msk [tilespmem:v31+s23+$0x0], $0xffff  }
0x290: {  	s6 =	simm.s32 $0x1;
	v34 =	vor.u32 v25, v22;
	v30 =	vor.u32 v25, v21;
	v31 =	vld.idx.msk [tilespmem:v62+s23+$0x0], $0xffff;
	v24 =	vor.u32 v41, v24  }
.LBB2_30:
0x291: {  	p0 =	sne.s32 s6, $0xF;
	v38 =	vld.idx.msk [tilespmem:v38+s23+$0x0], $0xffff;
	s1 =	smov.u32 s6;
	s6 =	sadd.s32 $0x1, s6  }
0x292: {  	v39 =	vor.u32 v25, v23;
	v35 =	vld.idx.msk [tilespmem:v35+s23+$0x0], $0xffff  }
0x293: {  	v40 =	vor.u32 v25, v19;
	v37 =	vld.idx.msk [tilespmem:v37+s23+$0x0], $0xffff  }
0x294: {  	v41 =	vor.u32 v25, v16;
	v36 =	vld.idx.msk [tilespmem:v36+s23+$0x0], $0xffff  }
0x295: {  	v25 =	vor.u32 v25, v20;
	v34 =	vld.idx.msk [tilespmem:v34+s23+$0x0], $0xffff  }
0x296: {  	v42 =	vor.u32 v0, v26;
	v30 =	vld.idx.msk [tilespmem:v30+s23+$0x0], $0xffff  }
0x297: {  	v43 =	vor.u32 v9, v26;
	v39 =	vld.idx.msk [tilespmem:v39+s23+$0x0], $0xffff  }
0x298: {  	v44 =	vor.u32 v10, v26;
	v40 =	vld.idx.msk [tilespmem:v40+s23+$0x0], $0xffff  }
0x299: {  	v45 =	vor.u32 v11, v26;
	v41 =	vld.idx.msk [tilespmem:v41+s23+$0x0], $0xffff  }
0x29a: {  	v46 =	vor.u32 v12, v26;
	v47 =	vor.u32 v15, v24;
	v25 =	vld.idx.msk [tilespmem:v25+s23+$0x0], $0xffff  }
0x29b: {  	[tilespmem:v42+s29+$0x0] =	vst.idx.msk $0xffff, v33;
	v33 =	vor.u32 v13, v26;
	v42 =	vor.u32 v14, v24  }
0x29c: {  	[tilespmem:v43+s29+$0x0] =	vst.idx.msk $0xffff, v30;
	v30 =	vor.u32 v14, v26;
	v43 =	vor.u32 v13, v24  }
0x29d: {  	v26 =	vor.u32 v15, v26;
	[tilespmem:v44+s29+$0x0] =	vst.idx.msk $0xffff, v39;
	v39 =	vor.u32 v12, v24  }
0x29e: {  	v44 =	vor.u32 v11, v24;
	[tilespmem:v45+s29+$0x0] =	vst.idx.msk $0xffff, v40;
	v40 =	vor.u32 v0, v24  }
0x29f: {  	v45 =	vadd.s32 s1, v0;
	[tilespmem:v46+s29+$0x0] =	vst.idx.msk $0xffff, v41;
	v41 =	vor.u32 v9, v24;
	v24 =	vor.u32 v10, v24  }
0x2a0: {  	v46 =	vand.u32 $0xF, v45;
	v48 =	vor.u32 $0x10, v45;
	v49 =	vshll.u32 v45, $0x7;
	[tilespmem:v33+s29+$0x0] =	vst.idx.msk $0xffff, v25  }
0x2a1: {  	v33 =	vor.u32 v46, v17;
	v50 =	vor.u32 v46, v21;
	v51 =	vand.u32 $0x780, v49;
	[tilespmem:v30+s29+$0x0] =	vst.idx.msk $0xffff, v34  }
0x2a2: {  	v52 =	vor.u32 v46, v16;
	v25 =	vshll.u32 v48, $0x7;
	v34 =	vor.u32 v46, v19;
	[tilespmem:v26+s29+$0x0] =	vst.idx.msk $0xffff, v36  }
0x2a3: {  	v53 =	vor.u32 v46, v18;
	v36 =	vor.u32 v46, v22;
	v26 =	vand.u32 $0xC00, v25;
	[tilespmem:v40+s29+$0x0] =	vst.idx.msk $0xffff, v37  }
0x2a4: {  	v25 =	vor.u32 $0x20, v46;
	v37 =	vor.u32 v48, v21;
	v40 =	vor.u32 v48, v23;
	[tilespmem:v41+s29+$0x0] =	vst.idx.msk $0xffff, v35  }
0x2a5: {  	v45 =	vor.u32 $0x30, v45;
	v35 =	vor.u32 v48, v16;
	v41 =	vor.u32 v48, v20;
	[tilespmem:v24+s29+$0x0] =	vst.idx.msk $0xffff, v38  }
0x2a6: {  	v54 =	vor.u32 v48, v18;
	v38 =	vor.u32 v48, v22;
	v24 =	vand.u32 $0x380, v49;
	[tilespmem:v44+s29+$0x0] =	vst.idx.msk $0xffff, v32  }
0x2a7: {  	v32 =	vor.u32 v48, v19;
	v44 =	vor.u32 v24, v26;
	v26 =	vshll.u32 v25, $0x7;
	[tilespmem:v39+s29+$0x0] =	vst.idx.msk $0xffff, v31  }
0x2a8: {  	v30 =	vor.u32 v25, v21;
	v26 =	vand.u32 $0x1400, v26;
	v31 =	vshll.u32 v45, $0x7;
	[tilespmem:v43+s29+$0x0] =	vst.idx.msk $0xffff, v29  }
0x2a9: {  	v26 =	vor.u32 v24, v26;
	v29 =	vand.u32 $0x1C00, v31;
	[tilespmem:v42+s29+$0x0] =	vst.idx.msk $0xffff, v28  }
0x2aa: {  	v24 =	vor.u32 v24, v29;
	[tilespmem:v47+s29+$0x0] =	vst.idx.msk $0xffff, v27  }
0x2ab: {  	v27 =	vld.idx.msk [tilespmem:v52+s23+$0x0], $0xffff  }
0x2ac: {  	v28 =	vld.idx.msk [tilespmem:v33+s23+$0x0], $0xffff  }
0x2ad: {  	v29 =	vor.u32 v46, v23;
	v31 =	vld.idx.msk [tilespmem:v54+s23+$0x0], $0xffff  }
0x2ae: {  	v33 =	vor.u32 v46, v20;
	v37 =	vld.idx.msk [tilespmem:v37+s23+$0x0], $0xffff  }
0x2af: {  	v39 =	vor.u32 v48, v17;
	v32 =	vld.idx.msk [tilespmem:v32+s23+$0x0], $0xffff  }
0x2b0: {  	v42 =	vld.idx.msk [tilespmem:v53+s23+$0x0], $0xffff  }
0x2b1: {  	v41 =	vld.idx.msk [tilespmem:v41+s23+$0x0], $0xffff  }
0x2b2: {  	v35 =	vld.idx.msk [tilespmem:v35+s23+$0x0], $0xffff  }
0x2b3: {  	v34 =	vld.idx.msk [tilespmem:v34+s23+$0x0], $0xffff  }
0x2b4: {  	v36 =	vld.idx.msk [tilespmem:v36+s23+$0x0], $0xffff  }
0x2b5: {  	v29 =	vld.idx.msk [tilespmem:v29+s23+$0x0], $0xffff  }
0x2b6: {  	v46 =	vor.u32 v0, v51;
	v43 =	vld.idx.msk [tilespmem:v50+s23+$0x0], $0xffff  }
0x2b7: {  	v47 =	vor.u32 v9, v51;
	v33 =	vld.idx.msk [tilespmem:v33+s23+$0x0], $0xffff  }
0x2b8: {  	v48 =	vor.u32 v10, v51;
	v39 =	vld.idx.msk [tilespmem:v39+s23+$0x0], $0xffff  }
0x2b9: {  	v49 =	vor.u32 v11, v51;
	v40 =	vld.idx.msk [tilespmem:v40+s23+$0x0], $0xffff  }
0x2ba: {  	v50 =	vor.u32 v12, v51;
	v38 =	vld.idx.msk [tilespmem:v38+s23+$0x0], $0xffff  }
0x2bb: {  	[tilespmem:v46+s29+$0x0] =	vst.idx.msk $0xffff, v28;
	v28 =	vor.u32 v13, v51  }
0x2bc: {  	[tilespmem:v47+s29+$0x0] =	vst.idx.msk $0xffff, v43;
	v43 =	vor.u32 v14, v51  }
0x2bd: {  	[tilespmem:v48+s29+$0x0] =	vst.idx.msk $0xffff, v29;
	v29 =	vor.u32 v15, v51  }
0x2be: {  	[tilespmem:v49+s29+$0x0] =	vst.idx.msk $0xffff, v34;
	v34 =	vor.u32 v0, v44  }
0x2bf: {  	[tilespmem:v50+s29+$0x0] =	vst.idx.msk $0xffff, v27;
	v27 =	vor.u32 v9, v44  }
0x2c0: {  	[tilespmem:v28+s29+$0x0] =	vst.idx.msk $0xffff, v33;
	v28 =	vor.u32 v10, v44  }
0x2c1: {  	v33 =	vor.u32 v11, v44;
	[tilespmem:v43+s29+$0x0] =	vst.idx.msk $0xffff, v36  }
0x2c2: {  	[tilespmem:v29+s29+$0x0] =	vst.idx.msk $0xffff, v42;
	v29 =	vor.u32 v12, v44  }
0x2c3: {  	[tilespmem:v34+s29+$0x0] =	vst.idx.msk $0xffff, v39;
	v34 =	vor.u32 v13, v44  }
0x2c4: {  	[tilespmem:v27+s29+$0x0] =	vst.idx.msk $0xffff, v37;
	v27 =	vor.u32 v14, v44  }
0x2c5: {  	[tilespmem:v28+s29+$0x0] =	vst.idx.msk $0xffff, v40;
	v28 =	vor.u32 v15, v44  }
0x2c6: {  	[tilespmem:v33+s29+$0x0] =	vst.idx.msk $0xffff, v32;
	v32 =	vor.u32 v25, v17  }
0x2c7: {  	[tilespmem:v29+s29+$0x0] =	vst.idx.msk $0xffff, v35;
	v29 =	vor.u32 v45, v18  }
0x2c8: {  	[tilespmem:v34+s29+$0x0] =	vst.idx.msk $0xffff, v41;
	v34 =	vor.u32 v45, v22  }
0x2c9: {  	v36 =	vor.u32 v45, v20;
	[tilespmem:v27+s29+$0x0] =	vst.idx.msk $0xffff, v38  }
0x2ca: {  	[tilespmem:v28+s29+$0x0] =	vst.idx.msk $0xffff, v31;
	v31 =	vor.u32 v45, v16  }
0x2cb: {  	v33 =	vld.idx.msk [tilespmem:v32+s23+$0x0], $0xffff;
	v32 =	vor.u32 v45, v19  }
.Ltmp14:
0x2cc: {  	v38 =	vor.u32 v45, v23;
	v27 =	vld.idx.msk [tilespmem:v29+s23+$0x0], $0xffff;
	(pc) =	sbr.rel @p0 .LBB2_30-.Ltmp14, $4  }
0x2cd: {  	v35 =	vor.u32 v45, v21;
	v28 =	vld.idx.msk [tilespmem:v34+s23+$0x0], $0xffff  }
0x2ce: {  	v37 =	vor.u32 v45, v17;
	v29 =	vld.idx.msk [tilespmem:v36+s23+$0x0], $0xffff  }
0x2cf: {  	v36 =	vor.u32 v25, v18;
	v31 =	vld.idx.msk [tilespmem:v31+s23+$0x0], $0xffff  }
0x2d0: {  	v34 =	vor.u32 v25, v22;
	v32 =	vld.idx.msk [tilespmem:v32+s23+$0x0], $0xffff  }
0x2d1: {  	_ =	sdelay $0x3  }
0x2d2: {  	v17 =	vld.idx.msk [tilespmem:v38+s23+$0x0], $0xffff  }
0x2d3: {  	v18 =	vor.u32 v25, v23;
	v21 =	vld.idx.msk [tilespmem:v35+s23+$0x0], $0xffff  }
0x2d4: {  	v19 =	vor.u32 v25, v19;
	v22 =	vld.idx.msk [tilespmem:v37+s23+$0x0], $0xffff  }
0x2d5: {  	v16 =	vor.u32 v25, v16;
	v48 =	vld.idx.msk [tilespmem:v36+s23+$0x0], $0xffff  }
0x2d6: {  	v20 =	vor.u32 v25, v20;
	v49 =	vld.idx.msk [tilespmem:v34+s23+$0x0], $0xffff;
	v50 =	vor.u32 v0, v26  }
0x2d7: {  	v30 =	vld.idx.msk [tilespmem:v30+s23+$0x0], $0xffff;
	v51 =	vor.u32 v9, v26  }
0x2d8: {  	v52 =	vor.u32 v10, v26;
	v18 =	vld.idx.msk [tilespmem:v18+s23+$0x0], $0xffff  }
0x2d9: {  	v53 =	vor.u32 v11, v26;
	v19 =	vld.idx.msk [tilespmem:v19+s23+$0x0], $0xffff  }
0x2da: {  	v54 =	vor.u32 v12, v26;
	v16 =	vld.idx.msk [tilespmem:v16+s23+$0x0], $0xffff  }
0x2db: {  	v55 =	vor.u32 v13, v26;
	v20 =	vld.idx.msk [tilespmem:v20+s23+$0x0], $0xffff;
	[tilespmem:v50+s29+$0x0] =	vst.idx.msk $0xffff, v33  }
0x2dc: {  	v56 =	vor.u32 v14, v26;
	[tilespmem:v51+s29+$0x0] =	vst.idx.msk $0xffff, v30  }
0x2dd: {  	v57 =	vor.u32 v15, v26;
	[tilespmem:v52+s29+$0x0] =	vst.idx.msk $0xffff, v18  }
0x2de: {  	v58 =	vor.u32 v0, v24;
	[tilespmem:v53+s29+$0x0] =	vst.idx.msk $0xffff, v19  }
0x2df: {  	[tilespmem:v54+s29+$0x0] =	vst.idx.msk $0xffff, v16;
	v16 =	vor.u32 v9, v24  }
0x2e0: {  	v59 =	vor.u32 v10, v24;
	[tilespmem:v55+s29+$0x0] =	vst.idx.msk $0xffff, v20  }
0x2e1: {  	v60 =	vor.u32 v11, v24;
	[tilespmem:v56+s29+$0x0] =	vst.idx.msk $0xffff, v49  }
0x2e2: {  	v61 =	vor.u32 v12, v24;
	[tilespmem:v57+s29+$0x0] =	vst.idx.msk $0xffff, v48  }
0x2e3: {  	v62 =	vor.u32 v13, v24;
	[tilespmem:v58+s29+$0x0] =	vst.idx.msk $0xffff, v22  }
0x2e4: {  	v63 =	vor.u32 v14, v24;
	[tilespmem:v16+s29+$0x0] =	vst.idx.msk $0xffff, v21  }
0x2e5: {  	s16 =	sadd.s32 $0x1, s16;
	v16 =	vor.u32 v15, v24;
	[tilespmem:v59+s29+$0x0] =	vst.idx.msk $0xffff, v17  }
0x2e6: {  	p0 =	sne.s32 s16, $0xC8;
	[tilespmem:v60+s29+$0x0] =	vst.idx.msk $0xffff, v32  }
.Ltmp15:
0x2e7: {  	[tilespmem:v61+s29+$0x0] =	vst.idx.msk $0xffff, v31;
	(pc) =	sbr.rel @p0 .LBB2_10-.Ltmp15, $4  }
0x2e8: {  	[tilespmem:v62+s29+$0x0] =	vst.idx.msk $0xffff, v29  }
0x2e9: {  	[tilespmem:v63+s29+$0x0] =	vst.idx.msk $0xffff, v28  }
0x2ea: {  	s1 =	sadd.s32 s20, s14;
	[tilespmem:v16+s29+$0x0] =	vst.idx.msk $0xffff, v27  }
0x2eb: {  	[hbm4b:s1+s12] =	stream.strided.scatter [tilespmem:s29], [sflag:$0x7], $0x2000, s25, s12, $0x38;
	[tilespmem:$0x16000] =	vst v63  }
0x2ec: {  	_ =	swait.ge [sflag:s31], $0x2000  }
0x2ed: {  	[sflag:s31] =	ssyncset.done $0x0  }
0x2ee: {  	[sflag:s31] =	ssyncadd.s32 $0xFFFFE000  }
0x2ef: {  	_ =	swait.ge [sflag:s28], $0x2000  }
0x2f0: {  	s2 =	rddreg [dreg:$0x6]  }
0x2f1: {  	s1 =	rddreg [dreg:$0x5];
	s2 =	sadd.s32 $0x1, s2  }
0x2f2: {  	p0 =	sne.s32 s2, s1  }
.Ltmp16:
0x2f3: {  	_ = 	snop;
	(pc) =	sbr.rel @p0 .LBB2_1-.Ltmp16, $3  }
0x2f4: {  	_ =	sdelay $0x1  }
0x2f5: {  	[sflag:s28] =	ssyncset.done $0x0  }
0x2f6: {  	s15 =	simm.s32 $0x200;
	[sflag:s28] =	ssyncadd.s32 $0xFFFFE000  }
0x2f7: {  	_ =	sfence.sel $0x180000  }
0x2f8: {  	[bflag:$0x0] =	sbarrier.arrive $0xFFFF  }
0x2f9: {  	_ =	strace $0x90000047  }
0x2fa: {  	s0 =	stileid.u32;
	[bflag:$0x2] =	sbarrier.arrive $0xFFFF  }
0x2fb: {  	p0 =	sne.s32 s0, $0x0;
	s0 =	rddreg [dreg:$0x3]  }
0x2fc: {  	s0 =	sadd.s32 @!p0 $0x100000, s0  }
0x2fd: {  	[sflag:s0] =	ssyncadd.tile.s32 @!p0 $0x1;
	_ =	shalt  }
.Lfunc_end2:
_tile_overlayer_lowered:
.L_overlay_start_2:
0x2fe: {  	(tag) =	ssettag $0x2  }
0x2ff: {  	s0 =	rddreg [dreg:$0x0];
	s2 =	stileid.u32  }
0x300: {  	s1 =	rddreg [dreg:$0x1];
	p0 =	sne.s32 s2, $0x0  }
0x301: {  	s3 =	rddreg [dreg:$0x2];
	[bflag:$0x3] =	sbarrier.arrive $0xFFFF;
	s2 =	simm.s32 @!p0 $0x1C08  }
0x302: {  	[timem:s3], [sflag:s2] =	dma.local @!p0 [hbm:s0], s1  }
0x303: {  	s0 =	simm.s32 @!p0 $0x8  }
0x304: {  	_ =	swait.ge @!p0 [sflag:s0], s1  }
0x305: {  	s1 =	ssub.s32 @!p0 $0x0, s1;
	[sflag:s0] =	ssyncset.done @!p0 $0x0  }
0x306: {  	[sflag:s0] =	ssyncadd.s32 @!p0 s1  }
0x307: {  	[bflag:$0x3] =	sbarrier.arrive $0xFFFF  }
0x308: {  	_ =	shalt  }

</sc_bundles>
